<compile_context>
chip_gen: v7x
topology: tpu7x:2x2x1
jax: 0.10.2.dev20260603
libtpu: 0.0.44.dev20260713+nightly
codegen_flags: <defaults>
</compile_context>

<pallas_src>
import functools

import jax, jax.numpy as jnp
import numpy as np
from jax import lax
from jax.experimental import pallas as pl
from jax.experimental.pallas import tpu as pltpu
from jax.experimental.pallas import tpu_sc as plsc


def _sc_gather(table, idx):
    V, D = table.shape
    R = idx.shape[0]
    info = plsc.get_sparse_core_info()
    NW = info.num_cores * info.num_subcores
    assert R % NW == 0, (R, NW)
    per_w = R // NW
    CH = min(128, per_w)
    assert per_w % CH == 0 and CH % 8 == 0, (per_w, CH)
    n_chunks = per_w // CH
    mesh = plsc.VectorSubcoreMesh(core_axis_name="c", subcore_axis_name="s")

    @functools.partial(
        pl.kernel, mesh=mesh,
        out_type=jax.ShapeDtypeStruct((R, D), jnp.float32),
        scratch_types=[
            pltpu.VMEM((CH,), jnp.int32),
            pltpu.VMEM((CH, D), jnp.float32),
            pltpu.SemaphoreType.DMA,
        ],
    )
    def k(table_hbm, idx_hbm, out_hbm, idx_v, rows_v, sem):
        wid = lax.axis_index("s") * info.num_cores + lax.axis_index("c")
        base = wid * per_w

        def body(i, carry):
            off = base + i * CH
            pltpu.sync_copy(idx_hbm.at[pl.ds(off, CH)], idx_v)
            pltpu.async_copy(table_hbm.at[idx_v], rows_v, sem).wait()
            pltpu.sync_copy(rows_v, out_hbm.at[pl.ds(off, CH)])
            return carry

        lax.fori_loop(0, n_chunks, body, 0)

    return k(table, idx)


def _pad_channels(x, d_to):
    c = x.shape[-1]
    if c == d_to:
        return x
    return jnp.concatenate(
        [x, jnp.zeros(x.shape[:-1] + (d_to - c,), x.dtype)], axis=-1)


def _gather_points(table_flat, idx, N):
    B = idx.shape[0]
    off = (jnp.arange(B, dtype=jnp.int32).reshape((B,) + (1,) * (idx.ndim - 1))
           * jnp.int32(N))
    flat = (jnp.minimum(idx, N - 1).astype(jnp.int32) + off).reshape(-1)
    rows = _sc_gather(table_flat, flat)
    return rows.reshape(idx.shape + (table_flat.shape[-1],))


def _square_distance(src, dst):
    d = -2.0 * jnp.matmul(src, dst.transpose(0, 2, 1))
    d = d + jnp.sum(src ** 2, -1)[:, :, None]
    d = d + jnp.sum(dst ** 2, -1)[:, None, :]
    return d


def _fps_xla(xyz_t, npoint):
    xyz_t = jax.lax.stop_gradient(xyz_t)
    B, N, _ = xyz_t.shape
    def body(carry, _):
        distance, farthest = carry
        centroid = xyz_t[jnp.arange(B), farthest][:, None, :]
        dist = jnp.sum((xyz_t - centroid) ** 2, -1)
        distance = jnp.minimum(distance, dist)
        new_far = jnp.argmax(distance, -1).astype(jnp.int32)
        return (distance, new_far), farthest
    init = (jnp.full((B, N), 1e10, jnp.float32), jnp.zeros((B,), jnp.int32))
    _, idx = jax.lax.scan(body, init, None, length=npoint)
    return jnp.transpose(idx)


def _fps(xyz_t, npoint, interpret=False):
    B, N, _ = xyz_t.shape
    x = xyz_t[:, :, 0]
    y = xyz_t[:, :, 1]
    z = xyz_t[:, :, 2]

    def body(x_ref, y_ref, z_ref, o_ref):
        xv = x_ref[...]
        yv = y_ref[...]
        zv = z_ref[...]
        iota_n = jax.lax.broadcasted_iota(jnp.int32, (B, N), 1)
        iota_p = jax.lax.broadcasted_iota(jnp.int32, (B, npoint), 1)

        dist0 = (xv - xv[:, :1]) ** 2 + (yv - yv[:, :1]) ** 2 + (zv - zv[:, :1]) ** 2
        f0 = jnp.min(jnp.where(dist0 < -1.0, iota_n, 0), axis=1,
                     keepdims=True).astype(jnp.int32)
        o_ref[...] = jnp.where(iota_p >= 0, 0, iota_p)

        def step(i, carry):
            distance, f = carry
            o_ref[...] = jnp.where(iota_p == i, f, o_ref[...])
            m = iota_n == f
            cx = jnp.sum(jnp.where(m, xv, 0.0), axis=1, keepdims=True)
            cy = jnp.sum(jnp.where(m, yv, 0.0), axis=1, keepdims=True)
            cz = jnp.sum(jnp.where(m, zv, 0.0), axis=1, keepdims=True)
            dist = (xv - cx) ** 2 + (yv - cy) ** 2 + (zv - cz) ** 2
            distance = jnp.minimum(distance, dist)
            mx = jnp.max(distance, axis=1, keepdims=True)
            f = jnp.min(jnp.where(distance == mx, iota_n, N), axis=1,
                        keepdims=True).astype(jnp.int32)
            return distance, f

        jax.lax.fori_loop(0, npoint, step, (dist0, f0))

    return pl.pallas_call(
        body,
        out_shape=jax.ShapeDtypeStruct((B, npoint), jnp.int32),
        interpret=interpret,
    )(x, y, z)


def _ball_query_tc(radius, nsample, sqrdists):
    B, S, N = sqrdists.shape
    K = nsample
    ST = 8
    r2 = radius * radius

    def body(sq_ref, u_ref, o_ref):
        sq = sq_ref[0]
        m = jnp.where(sq <= r2, 1.0, 0.0)
        c = jnp.dot(m, u_ref[...], preferred_element_type=jnp.float32)
        iota_k = lax.broadcasted_iota(jnp.int32, (ST, K), 1)

        def step(j, carry):
            thr = j.astype(jnp.float32) + 1.0
            cnt = jnp.sum(jnp.where(c >= thr, 1.0, 0.0), axis=1, keepdims=True)
            idxj = (N - cnt).astype(jnp.int32)
            o_ref[0] = jnp.where(iota_k == j, idxj, o_ref[0])
            return carry

        lax.fori_loop(0, K, step, 0)
        fo = o_ref[0]
        o_ref[0] = jnp.where(fo == N, fo[:, :1], fo)

    u = jnp.triu(jnp.ones((N, N), jnp.float32))
    return pl.pallas_call(
        body,
        grid=(B, S // ST),
        in_specs=[
            pl.BlockSpec((1, ST, N), lambda b, s: (b, s, 0)),
            pl.BlockSpec((N, N), lambda b, s: (0, 0)),
        ],
        out_specs=pl.BlockSpec((1, ST, K), lambda b, s: (b, s, 0)),
        out_shape=jax.ShapeDtypeStruct((B, S, K), jnp.int32),
    )(sqrdists, u)


def _query_ball(radius, nsample, xyz, new_xyz):
    B, N, _ = xyz.shape
    S = new_xyz.shape[1]
    sqrdists = jax.lax.stop_gradient(_square_distance(new_xyz, xyz))
    group_idx = jnp.broadcast_to(jnp.arange(N, dtype=jnp.int32), (B, S, N))
    group_idx = jnp.where(sqrdists > radius ** 2, N, group_idx)
    group_idx = jnp.sort(group_idx, axis=-1)[:, :, :nsample]
    group_first = group_idx[:, :, :1]
    group_idx = jnp.where(group_idx == N, group_first, group_idx)
    return group_idx


def _mlp_apply(x, layers):
    for p in layers:
        sh = (1, -1) + (1,) * (x.ndim - 2)
        y = jnp.einsum('oi,bi...->bo...', p['w'], x) + p['b'].reshape(sh)
        axes = (0,) + tuple(range(2, y.ndim))
        mean = jnp.mean(y, axes, keepdims=True)
        var = jnp.var(y, axes, keepdims=True)
        y = (y - mean) / jnp.sqrt(var + 1e-5)
        y = y * p['g'].reshape(sh) + p['be'].reshape(sh)
        x = jax.nn.relu(y)
    return x


def _sa_msg(xyz, points, npoint, radius_list, nsample_list, branch_params):
    xyz_t = xyz.transpose(0, 2, 1)
    points_t = points.transpose(0, 2, 1)
    B, N, _ = xyz_t.shape
    C = points_t.shape[-1]
    D = ((C + 3 + 127) // 128) * 128
    table = _pad_channels(jnp.concatenate([points_t, xyz_t], -1), D)
    table_flat = table.reshape(B * N, D)
    fps_idx = _fps_xla(xyz_t, npoint)
    new_xyz = _gather_points(table_flat, fps_idx, N)[..., C:C + 3]
    outs = []
    sqrdists = jax.lax.stop_gradient(_square_distance(new_xyz, xyz_t))
    iota_n = jnp.arange(N, dtype=jnp.int32)
    for radius, K, layers in zip(radius_list, nsample_list, branch_params):
        keys = jnp.where(sqrdists <= radius * radius, -iota_n, -N)
        v, _ = jax.lax.top_k(keys, K)
        gidx = -v
        gidx = jnp.where(gidx == N, gidx[:, :, :1], gidx)
        rows = _gather_points(table_flat, gidx, N)
        grouped_xyz = rows[..., C:C + 3] - new_xyz[:, :, None, :]
        grouped_points = jnp.concatenate([rows[..., :C], grouped_xyz], -1)
        g = _mlp_apply(grouped_points.transpose(0, 3, 2, 1), layers)
        outs.append(jnp.max(g, axis=2))
    return new_xyz.transpose(0, 2, 1), jnp.concatenate(outs, axis=1)


def _sa_all(xyz, points, layers):
    xyz_t = xyz.transpose(0, 2, 1)
    points_t = points.transpose(0, 2, 1)
    new_points = jnp.concatenate([xyz_t[:, None], points_t[:, None]], -1)
    g = _mlp_apply(new_points.transpose(0, 3, 2, 1), layers)
    return jnp.zeros((xyz.shape[0], 3, 1), xyz.dtype), jnp.max(g, axis=2)


def _fp(xyz1, xyz2, points1, points2, layers):
    xyz1_t = xyz1.transpose(0, 2, 1)
    xyz2_t = xyz2.transpose(0, 2, 1)
    points2_t = points2.transpose(0, 2, 1)
    B, N, _ = xyz1_t.shape
    S = xyz2_t.shape[1]
    if S == 1:
        interpolated = jnp.tile(points2_t, (1, N, 1))
    else:
        dists = _square_distance(xyz1_t, xyz2_t)
        neg, idx = jax.lax.top_k(-dists, 3)
        d3 = -neg
        recip = 1.0 / (d3 + 1e-8)
        weight = recip / jnp.sum(recip, 2, keepdims=True)
        C2 = points2_t.shape[-1]
        D2 = ((C2 + 127) // 128) * 128
        t2 = _pad_channels(points2_t, D2).reshape(B * S, D2)
        nbr = _gather_points(t2, idx, S)[..., :C2]
        interpolated = jnp.sum(nbr * weight[..., None], axis=2)
    if points1 is not None:
        new_points = jnp.concatenate([points1.transpose(0, 2, 1), interpolated], -1)
    else:
        new_points = interpolated
    return _mlp_apply(new_points.transpose(0, 2, 1), layers)


def kernel(xyz, cls_label, params):
    B, C, N = xyz.shape
    l0_xyz = xyz[:, :3, :]
    l1_xyz, l1_points = _sa_msg(l0_xyz, xyz, 512, [0.1, 0.2, 0.4], [32, 64, 128], params['sa1'])
    l2_xyz, l2_points = _sa_msg(l1_xyz, l1_points, 128, [0.4, 0.8], [64, 128], params['sa2'])
    l3_xyz, l3_points = _sa_all(l2_xyz, l2_points, params['sa3'])
    l2_up = _fp(l2_xyz, l3_xyz, l2_points, l3_points, params['fp3'])
    l1_up = _fp(l1_xyz, l2_xyz, l1_points, l2_up, params['fp2'])
    cls_oh = jnp.tile(cls_label.reshape(B, 16, 1), (1, 1, N))
    l0_points = _fp(l0_xyz, l1_xyz, jnp.concatenate([cls_oh, l0_xyz, xyz], axis=1), l1_up, params['fp1'])
    y = jnp.einsum('oi,bin->bon', params['conv1']['w'], l0_points) + params['conv1']['b'][None, :, None]
    mean = jnp.mean(y, (0, 2), keepdims=True)
    var = jnp.var(y, (0, 2), keepdims=True)
    y = (y - mean) / jnp.sqrt(var + 1e-5)
    y = y * params['bn1']['g'][None, :, None] + params['bn1']['be'][None, :, None]
    y = jax.nn.relu(y)
    y = jnp.einsum('oi,bin->bon', params['conv2']['w'], y) + params['conv2']['b'][None, :, None]
    y = jax.nn.log_softmax(y, axis=1)
    return (y.transpose(0, 2, 1), l3_points)

# --- scband reference (transcript-rebuilt; emitter-appended) ---
"""Pipeline reference for scband-get-model-27771258536242 (READ-ONLY COPY).

The authoritative reference and input builder live on the scoring server;
editing this copy changes nothing except your own understanding.
"""

import jax, jax.numpy as jnp
import numpy as np

def index_points(points, idx):
    B = points.shape[0]
    bidx = jnp.arange(B).reshape((B,) + (1,) * (idx.ndim - 1))
    return points[bidx, idx]

def square_distance(src, dst):
    d = -2.0 * jnp.matmul(src, dst.transpose(0, 2, 1))
    d = d + jnp.sum(src ** 2, -1)[:, :, None]
    d = d + jnp.sum(dst ** 2, -1)[:, None, :]
    return d

def farthest_point_sample(xyz, npoint):
    xyz = jax.lax.stop_gradient(xyz)
    B, N, _ = xyz.shape
    def body(carry, _):
        distance, farthest = carry
        centroid = xyz[jnp.arange(B), farthest][:, None, :]
        dist = jnp.sum((xyz - centroid) ** 2, -1)
        distance = jnp.minimum(distance, dist)
        new_far = jnp.argmax(distance, -1).astype(jnp.int32)
        return (distance, new_far), farthest
    init = (jnp.full((B, N), 1e10, jnp.float32), jnp.zeros((B,), jnp.int32))
    _, idx = jax.lax.scan(body, init, None, length=npoint)
    return jnp.transpose(idx)

def query_ball_point(radius, nsample, xyz, new_xyz):
    B, N, _ = xyz.shape
    S = new_xyz.shape[1]
    sqrdists = jax.lax.stop_gradient(square_distance(new_xyz, xyz))
    group_idx = jnp.broadcast_to(jnp.arange(N, dtype=jnp.int32), (B, S, N))
    group_idx = jnp.where(sqrdists > radius ** 2, N, group_idx)
    group_idx = jnp.sort(group_idx, axis=-1)[:, :, :nsample]
    group_first = group_idx[:, :, :1]
    group_idx = jnp.where(group_idx == N, group_first, group_idx)
    return group_idx

def mlp_apply(x, layers):
    for p in layers:
        sh = (1, -1) + (1,) * (x.ndim - 2)
        y = jnp.einsum('oi,bi...->bo...', p['w'], x) + p['b'].reshape(sh)
        axes = (0,) + tuple(range(2, y.ndim))
        mean = jnp.mean(y, axes, keepdims=True)
        var = jnp.var(y, axes, keepdims=True)
        y = (y - mean) / jnp.sqrt(var + 1e-5)
        y = y * p['g'].reshape(sh) + p['be'].reshape(sh)
        x = jax.nn.relu(y)
    return x

def set_abstraction_msg(xyz, points, npoint, radius_list, nsample_list, branch_params):
    xyz_t = xyz.transpose(0, 2, 1)
    points_t = points.transpose(0, 2, 1)
    fps_idx = farthest_point_sample(xyz_t, npoint)
    new_xyz = index_points(xyz_t, fps_idx)
    outs = []
    for radius, K, layers in zip(radius_list, nsample_list, branch_params):
        gidx = query_ball_point(radius, K, xyz_t, new_xyz)
        grouped_xyz = index_points(xyz_t, gidx) - new_xyz[:, :, None, :]
        grouped_points = jnp.concatenate([index_points(points_t, gidx), grouped_xyz], -1)
        g = mlp_apply(grouped_points.transpose(0, 3, 2, 1), layers)
        outs.append(jnp.max(g, axis=2))
    return new_xyz.transpose(0, 2, 1), jnp.concatenate(outs, axis=1)

def set_abstraction_all(xyz, points, layers):
    xyz_t = xyz.transpose(0, 2, 1)
    points_t = points.transpose(0, 2, 1)
    new_points = jnp.concatenate([xyz_t[:, None], points_t[:, None]], -1)
    g = mlp_apply(new_points.transpose(0, 3, 2, 1), layers)
    return jnp.zeros((xyz.shape[0], 3, 1), xyz.dtype), jnp.max(g, axis=2)

def feature_propagation(xyz1, xyz2, points1, points2, layers):
    xyz1_t = xyz1.transpose(0, 2, 1)
    xyz2_t = xyz2.transpose(0, 2, 1)
    points2_t = points2.transpose(0, 2, 1)
    B, N, _ = xyz1_t.shape
    S = xyz2_t.shape[1]
    if S == 1:
        interpolated = jnp.tile(points2_t, (1, N, 1))
    else:
        dists = square_distance(xyz1_t, xyz2_t)
        neg, idx = jax.lax.top_k(-dists, 3)
        d3 = -neg
        recip = 1.0 / (d3 + 1e-8)
        weight = recip / jnp.sum(recip, 2, keepdims=True)
        interpolated = jnp.sum(index_points(points2_t, idx) * weight[..., None], axis=2)
    if points1 is not None:
        new_points = jnp.concatenate([points1.transpose(0, 2, 1), interpolated], -1)
    else:
        new_points = interpolated
    return mlp_apply(new_points.transpose(0, 2, 1), layers)

def _forward(xyz, cls_label, params):
    B, C, N = xyz.shape
    l0_xyz = xyz[:, :3, :]
    l1_xyz, l1_points = set_abstraction_msg(l0_xyz, xyz, 512, [0.1, 0.2, 0.4], [32, 64, 128], params['sa1'])
    l2_xyz, l2_points = set_abstraction_msg(l1_xyz, l1_points, 128, [0.4, 0.8], [64, 128], params['sa2'])
    l3_xyz, l3_points = set_abstraction_all(l2_xyz, l2_points, params['sa3'])
    l2_up = feature_propagation(l2_xyz, l3_xyz, l2_points, l3_points, params['fp3'])
    l1_up = feature_propagation(l1_xyz, l2_xyz, l1_points, l2_up, params['fp2'])
    cls_oh = jnp.tile(cls_label.reshape(B, 16, 1), (1, 1, N))
    l0_points = feature_propagation(l0_xyz, l1_xyz, jnp.concatenate([cls_oh, l0_xyz, xyz], axis=1), l1_up, params['fp1'])
    y = jnp.einsum('oi,bin->bon', params['conv1']['w'], l0_points) + params['conv1']['b'][None, :, None]
    mean = jnp.mean(y, (0, 2), keepdims=True)
    var = jnp.var(y, (0, 2), keepdims=True)
    y = (y - mean) / jnp.sqrt(var + 1e-5)
    y = y * params['bn1']['g'][None, :, None] + params['bn1']['be'][None, :, None]
    y = jax.nn.relu(y)
    y = jnp.einsum('oi,bin->bon', params['conv2']['w'], y) + params['conv2']['b'][None, :, None]
    y = jax.nn.log_softmax(y, axis=1)
    return (y.transpose(0, 2, 1), l3_points)

def make_layers(key, cin, channels):
    layers = []
    for cout in channels:
        key, k1 = jax.random.split(key)
        layers.append({'w': jax.random.normal(k1, (cout, cin), jnp.float32) / np.sqrt(cin),
                       'b': jnp.zeros((cout,), jnp.float32),
                       'g': jnp.ones((cout,), jnp.float32),
                       'be': jnp.zeros((cout,), jnp.float32)})
        cin = cout
    return layers

def setup_inputs(seed: int = 0):
    key = jax.random.key(seed)
    ks = jax.random.split(key, 16)
    xyz = jax.random.uniform(ks[0], (8, 6, 2048), jnp.float32)
    cls_label = jax.nn.one_hot(jax.random.randint(ks[1], (8,), 0, 16), 16, dtype=jnp.float32)
    params = {
        'sa1': [make_layers(ks[2], 9, [32, 32, 64]), make_layers(ks[3], 9, [64, 64, 128]), make_layers(ks[4], 9, [64, 96, 128])],
        'sa2': [make_layers(ks[5], 323, [128, 128, 256]), make_layers(ks[6], 323, [128, 196, 256])],
        'sa3': make_layers(ks[7], 515, [256, 512, 1024]),
        'fp3': make_layers(ks[8], 1536, [256, 256]),
        'fp2': make_layers(ks[9], 576, [256, 128]),
        'fp1': make_layers(ks[10], 153, [128, 128]),
        'conv1': {'w': jax.random.normal(ks[11], (128, 128), jnp.float32) / np.sqrt(128.0), 'b': jnp.zeros((128,), jnp.float32)},
        'bn1': {'g': jnp.ones((128,), jnp.float32), 'be': jnp.zeros((128,), jnp.float32)},
        'conv2': {'w': jax.random.normal(ks[12], (50, 128), jnp.float32) / np.sqrt(128.0), 'b': jnp.zeros((50,), jnp.float32)},
    }
    return {'xyz': xyz, 'cls_label': cls_label, 'params': params}

def reference(xyz, cls_label, params):
    return _forward(xyz, cls_label, params)

if __name__ == "__main__":
    import jax
    _d = setup_inputs()
    print(jax.jit(kernel)(*tuple(_d.values())))

</pallas_src>

<mosaic_0001>
#map = affine_map<(d0, d1) -> (0, 0)>
#map1 = affine_map<(d0, d1) -> (0)>
module attributes {stable_mosaic.version = 14 : i64} {
  func.func @k(%arg0: i32, %arg1: i32, %arg2: memref<16384x128xf32, #tpu.memory_space<hbm>>, %arg3: memref<4096xi32, #tpu.memory_space<hbm>>, %arg4: memref<4096x128xf32, #tpu.memory_space<hbm>>, %arg5: memref<128xi32, #tpu.memory_space<vmem>>, %arg6: memref<128x128xf32, #tpu.memory_space<vmem>>, %arg7: memref<!tpu.dma_semaphore, #tpu.memory_space<semaphore_mem>>) attributes {dimension_semantics = [#tpu.dimension_semantics<core_parallel>, #tpu.dimension_semantics<subcore_parallel>], iteration_bounds = array<i64: 2, 16>, scalar_prefetch = 0 : i64, scratch_operands = 3 : i64, tpu.core_type = #tpu.core_type<sc_vector_subcore>, window_params = [{transform_indices = #map}, {transform_indices = #map1}, {transform_indices = #map}]} {
    %mul3A = arith.constant 2 : i32
    %mul3A_0 = arith.muli %arg1, %mul3A : i32
    %add3A = arith.addi %mul3A_0, %arg0 : i32
    %mul3A_1 = arith.constant 128 : i32
    %mul3A_2 = arith.muli %add3A, %mul3A_1 : i32
    %scan3A = arith.constant 0 : i32
    %scan3A_3 = arith.constant 0 : i32
    %mul3A_4 = arith.constant 128 : i32
    %mul3A_5 = arith.muli %scan3A_3, %mul3A_4 : i32
    %add3A_6 = arith.addi %mul3A_2, %mul3A_5 : i32
    "tpu.region"() ({
      %run_scoped3A = tpu.sem_alloc : memref<!tpu.dma_semaphore, #tpu.memory_space<semaphore_mem>>
      %dma_start3A_12 = tpu.memref_slice %arg3[%add3A_6] : memref<4096xi32, #tpu.memory_space<hbm>> -> memref<128xi32, #tpu.memory_space<hbm>>
      %dma_start3A_13 = tpu.memref_slice %arg3[%add3A_6] : memref<4096xi32, #tpu.memory_space<hbm>> -> memref<128xi32, #tpu.memory_space<hbm>>
      tpu.enqueue_dma source(%dma_start3A_13 : memref<128xi32, #tpu.memory_space<hbm>>) target(%arg5 : memref<128xi32, #tpu.memory_space<vmem>>) target_semaphore(%run_scoped3A : memref<!tpu.dma_semaphore, #tpu.memory_space<semaphore_mem>>)
      %dma_wait3A_14 = tpu.memref_slice %arg3[%add3A_6] : memref<4096xi32, #tpu.memory_space<hbm>> -> memref<128xi32, #tpu.memory_space<hbm>>
      %dma_wait3A_15 = tpu.memref_slice %arg3[%add3A_6] : memref<4096xi32, #tpu.memory_space<hbm>> -> memref<128xi32, #tpu.memory_space<hbm>>
      tpu.wait_dma2 semaphore(%run_scoped3A : memref<!tpu.dma_semaphore, #tpu.memory_space<semaphore_mem>>) src(%dma_wait3A_15 : memref<128xi32, #tpu.memory_space<hbm>>) dst(%arg5 : memref<128xi32, #tpu.memory_space<vmem>>)
      tpu.yield
    }) : () -> ()
    %dma_start3A = arith.constant 0 : i32
    %dma_start3A_7 = arith.constant 0 : i32
    %dma_start3A_8 = tpu.memref_slice %arg2[%dma_start3A, %dma_start3A_7] : memref<16384x128xf32, #tpu.memory_space<hbm>> -> memref<16384x128xf32, #tpu.memory_space<hbm>>
    tpu.enqueue_indirect_dma source(%dma_start3A_8 : memref<16384x128xf32, #tpu.memory_space<hbm>>) target(%arg6 : memref<128x128xf32, #tpu.memory_space<vmem>>) offsets(%arg5 : memref<128xi32, #tpu.memory_space<vmem>>) semaphore(%arg7 : memref<!tpu.dma_semaphore, #tpu.memory_space<semaphore_mem>>)
    %dma_wait3A = arith.constant 0 : i32
    %dma_wait3A_9 = arith.constant 0 : i32
    %dma_wait3A_10 = tpu.memref_slice %arg2[%dma_wait3A, %dma_wait3A_9] : memref<16384x128xf32, #tpu.memory_space<hbm>> -> memref<16384x128xf32, #tpu.memory_space<hbm>>
    tpu.wait_indirect_dma semaphore(%arg7 : memref<!tpu.dma_semaphore, #tpu.memory_space<semaphore_mem>>) src(%dma_wait3A_10 : memref<16384x128xf32, #tpu.memory_space<hbm>>) dst(%arg6 : memref<128x128xf32, #tpu.memory_space<vmem>>)
    "tpu.region"() ({
      %run_scoped3A = tpu.sem_alloc : memref<!tpu.dma_semaphore, #tpu.memory_space<semaphore_mem>>
      %dma_start3A_12 = arith.constant 0 : i32
      %dma_start3A_13 = tpu.memref_slice %arg4[%add3A_6, %dma_start3A_12] : memref<4096x128xf32, #tpu.memory_space<hbm>> -> memref<128x128xf32, #tpu.memory_space<hbm>>
      %dma_start3A_14 = arith.constant 0 : i32
      %dma_start3A_15 = tpu.memref_slice %arg4[%add3A_6, %dma_start3A_14] : memref<4096x128xf32, #tpu.memory_space<hbm>> -> memref<128x128xf32, #tpu.memory_space<hbm>>
      tpu.enqueue_dma source(%arg6 : memref<128x128xf32, #tpu.memory_space<vmem>>) target(%dma_start3A_15 : memref<128x128xf32, #tpu.memory_space<hbm>>) target_semaphore(%run_scoped3A : memref<!tpu.dma_semaphore, #tpu.memory_space<semaphore_mem>>)
      %dma_wait3A_16 = arith.constant 0 : i32
      %dma_wait3A_17 = tpu.memref_slice %arg4[%add3A_6, %dma_wait3A_16] : memref<4096x128xf32, #tpu.memory_space<hbm>> -> memref<128x128xf32, #tpu.memory_space<hbm>>
      %dma_wait3A_18 = arith.constant 0 : i32
      %dma_wait3A_19 = tpu.memref_slice %arg4[%add3A_6, %dma_wait3A_18] : memref<4096x128xf32, #tpu.memory_space<hbm>> -> memref<128x128xf32, #tpu.memory_space<hbm>>
      tpu.wait_dma2 semaphore(%run_scoped3A : memref<!tpu.dma_semaphore, #tpu.memory_space<semaphore_mem>>) src(%arg6 : memref<128x128xf32, #tpu.memory_space<vmem>>) dst(%dma_wait3A_19 : memref<128x128xf32, #tpu.memory_space<hbm>>)
      tpu.yield
    }) : () -> ()
    %scan3A_11 = arith.constant 1 : i32
    return
  }
}

#map = affine_map<(d0, d1) -> (0, 0)>
#map1 = affine_map<(d0, d1) -> (0)>
module attributes {stable_mosaic.version = 14 : i64} {
  func.func @k(%arg0: i32, %arg1: i32, %arg2: memref<16384x128xf32, #tpu.memory_space<hbm>>, %arg3: memref<262144xi32, #tpu.memory_space<hbm>>, %arg4: memref<262144x128xf32, #tpu.memory_space<hbm>>, %arg5: memref<128xi32, #tpu.memory_space<vmem>>, %arg6: memref<128x128xf32, #tpu.memory_space<vmem>>, %arg7: memref<!tpu.dma_semaphore, #tpu.memory_space<semaphore_mem>>) attributes {dimension_semantics = [#tpu.dimension_semantics<core_parallel>, #tpu.dimension_semantics<subcore_parallel>], iteration_bounds = array<i64: 2, 16>, scalar_prefetch = 0 : i64, scratch_operands = 3 : i64, tpu.core_type = #tpu.core_type<sc_vector_subcore>, window_params = [{transform_indices = #map}, {transform_indices = #map1}, {transform_indices = #map}]} {
    %mul3A = arith.constant 2 : i32
    %mul3A_0 = arith.muli %arg1, %mul3A : i32
    %add3A = arith.addi %mul3A_0, %arg0 : i32
    %mul3A_1 = arith.constant 8192 : i32
    %mul3A_2 = arith.muli %add3A, %mul3A_1 : i32
    %scan3A = arith.constant 0 : i32
    %scan3A_3 = arith.constant 0 : i32
    %scan3A_4 = arith.constant 64 : i32
    %scan3A_5 = arith.addi %scan3A_3, %scan3A_4 : i32
    %scan3A_6 = arith.constant 1 : i32
    scf.for %scan3A_8 = %scan3A_3 to %scan3A_5 step %scan3A_6  : i32 {
      %mul3A_9 = arith.constant 128 : i32
      %mul3A_10 = arith.muli %scan3A_8, %mul3A_9 : i32
      %add3A_11 = arith.addi %mul3A_2, %mul3A_10 : i32
      "tpu.region"() ({
        %run_scoped3A = tpu.sem_alloc : memref<!tpu.dma_semaphore, #tpu.memory_space<semaphore_mem>>
        %dma_start3A_16 = tpu.memref_slice %arg3[%add3A_11] : memref<262144xi32, #tpu.memory_space<hbm>> -> memref<128xi32, #tpu.memory_space<hbm>>
        %dma_start3A_17 = tpu.memref_slice %arg3[%add3A_11] : memref<262144xi32, #tpu.memory_space<hbm>> -> memref<128xi32, #tpu.memory_space<hbm>>
        tpu.enqueue_dma source(%dma_start3A_17 : memref<128xi32, #tpu.memory_space<hbm>>) target(%arg5 : memref<128xi32, #tpu.memory_space<vmem>>) target_semaphore(%run_scoped3A : memref<!tpu.dma_semaphore, #tpu.memory_space<semaphore_mem>>)
        %dma_wait3A_18 = tpu.memref_slice %arg3[%add3A_11] : memref<262144xi32, #tpu.memory_space<hbm>> -> memref<128xi32, #tpu.memory_space<hbm>>
        %dma_wait3A_19 = tpu.memref_slice %arg3[%add3A_11] : memref<262144xi32, #tpu.memory_space<hbm>> -> memref<128xi32, #tpu.memory_space<hbm>>
        tpu.wait_dma2 semaphore(%run_scoped3A : memref<!tpu.dma_semaphore, #tpu.memory_space<semaphore_mem>>) src(%dma_wait3A_19 : memref<128xi32, #tpu.memory_space<hbm>>) dst(%arg5 : memref<128xi32, #tpu.memory_space<vmem>>)
        tpu.yield
      }) : () -> ()
      %dma_start3A = arith.constant 0 : i32
      %dma_start3A_12 = arith.constant 0 : i32
      %dma_start3A_13 = tpu.memref_slice %arg2[%dma_start3A, %dma_start3A_12] : memref<16384x128xf32, #tpu.memory_space<hbm>> -> memref<16384x128xf32, #tpu.memory_space<hbm>>
      tpu.enqueue_indirect_dma source(%dma_start3A_13 : memref<16384x128xf32, #tpu.memory_space<hbm>>) target(%arg6 : memref<128x128xf32, #tpu.memory_space<vmem>>) offsets(%arg5 : memref<128xi32, #tpu.memory_space<vmem>>) semaphore(%arg7 : memref<!tpu.dma_semaphore, #tpu.memory_space<semaphore_mem>>)
      %dma_wait3A = arith.constant 0 : i32
      %dma_wait3A_14 = arith.constant 0 : i32
      %dma_wait3A_15 = tpu.memref_slice %arg2[%dma_wait3A, %dma_wait3A_14] : memref<16384x128xf32, #tpu.memory_space<hbm>> -> memref<16384x128xf32, #tpu.memory_space<hbm>>
      tpu.wait_indirect_dma semaphore(%arg7 : memref<!tpu.dma_semaphore, #tpu.memory_space<semaphore_mem>>) src(%dma_wait3A_15 : memref<16384x128xf32, #tpu.memory_space<hbm>>) dst(%arg6 : memref<128x128xf32, #tpu.memory_space<vmem>>)
      "tpu.region"() ({
        %run_scoped3A = tpu.sem_alloc : memref<!tpu.dma_semaphore, #tpu.memory_space<semaphore_mem>>
        %dma_start3A_16 = arith.constant 0 : i32
        %dma_start3A_17 = tpu.memref_slice %arg4[%add3A_11, %dma_start3A_16] : memref<262144x128xf32, #tpu.memory_space<hbm>> -> memref<128x128xf32, #tpu.memory_space<hbm>>
        %dma_start3A_18 = arith.constant 0 : i32
        %dma_start3A_19 = tpu.memref_slice %arg4[%add3A_11, %dma_start3A_18] : memref<262144x128xf32, #tpu.memory_space<hbm>> -> memref<128x128xf32, #tpu.memory_space<hbm>>
        tpu.enqueue_dma source(%arg6 : memref<128x128xf32, #tpu.memory_space<vmem>>) target(%dma_start3A_19 : memref<128x128xf32, #tpu.memory_space<hbm>>) target_semaphore(%run_scoped3A : memref<!tpu.dma_semaphore, #tpu.memory_space<semaphore_mem>>)
        %dma_wait3A_20 = arith.constant 0 : i32
        %dma_wait3A_21 = tpu.memref_slice %arg4[%add3A_11, %dma_wait3A_20] : memref<262144x128xf32, #tpu.memory_space<hbm>> -> memref<128x128xf32, #tpu.memory_space<hbm>>
        %dma_wait3A_22 = arith.constant 0 : i32
        %dma_wait3A_23 = tpu.memref_slice %arg4[%add3A_11, %dma_wait3A_22] : memref<262144x128xf32, #tpu.memory_space<hbm>> -> memref<128x128xf32, #tpu.memory_space<hbm>>
        tpu.wait_dma2 semaphore(%run_scoped3A : memref<!tpu.dma_semaphore, #tpu.memory_space<semaphore_mem>>) src(%arg6 : memref<128x128xf32, #tpu.memory_space<vmem>>) dst(%dma_wait3A_23 : memref<128x128xf32, #tpu.memory_space<hbm>>)
        tpu.yield
      }) : () -> ()
    }
    %scan3A_7 = arith.constant 64 : i32
    return
  }
}

#map = affine_map<(d0, d1) -> (0, 0)>
#map1 = affine_map<(d0, d1) -> (0)>
module attributes {stable_mosaic.version = 14 : i64} {
  func.func @k(%arg0: i32, %arg1: i32, %arg2: memref<16384x128xf32, #tpu.memory_space<hbm>>, %arg3: memref<524288xi32, #tpu.memory_space<hbm>>, %arg4: memref<524288x128xf32, #tpu.memory_space<hbm>>, %arg5: memref<128xi32, #tpu.memory_space<vmem>>, %arg6: memref<128x128xf32, #tpu.memory_space<vmem>>, %arg7: memref<!tpu.dma_semaphore, #tpu.memory_space<semaphore_mem>>) attributes {dimension_semantics = [#tpu.dimension_semantics<core_parallel>, #tpu.dimension_semantics<subcore_parallel>], iteration_bounds = array<i64: 2, 16>, scalar_prefetch = 0 : i64, scratch_operands = 3 : i64, tpu.core_type = #tpu.core_type<sc_vector_subcore>, window_params = [{transform_indices = #map}, {transform_indices = #map1}, {transform_indices = #map}]} {
    %mul3A = arith.constant 2 : i32
    %mul3A_0 = arith.muli %arg1, %mul3A : i32
    %add3A = arith.addi %mul3A_0, %arg0 : i32
    %mul3A_1 = arith.constant 16384 : i32
    %mul3A_2 = arith.muli %add3A, %mul3A_1 : i32
    %scan3A = arith.constant 0 : i32
    %scan3A_3 = arith.constant 0 : i32
    %scan3A_4 = arith.constant 128 : i32
    %scan3A_5 = arith.addi %scan3A_3, %scan3A_4 : i32
    %scan3A_6 = arith.constant 1 : i32
    scf.for %scan3A_8 = %scan3A_3 to %scan3A_5 step %scan3A_6  : i32 {
      %mul3A_9 = arith.constant 128 : i32
      %mul3A_10 = arith.muli %scan3A_8, %mul3A_9 : i32
      %add3A_11 = arith.addi %mul3A_2, %mul3A_10 : i32
      "tpu.region"() ({
        %run_scoped3A = tpu.sem_alloc : memref<!tpu.dma_semaphore, #tpu.memory_space<semaphore_mem>>
        %dma_start3A_16 = tpu.memref_slice %arg3[%add3A_11] : memref<524288xi32, #tpu.memory_space<hbm>> -> memref<128xi32, #tpu.memory_space<hbm>>
        %dma_start3A_17 = tpu.memref_slice %arg3[%add3A_11] : memref<524288xi32, #tpu.memory_space<hbm>> -> memref<128xi32, #tpu.memory_space<hbm>>
        tpu.enqueue_dma source(%dma_start3A_17 : memref<128xi32, #tpu.memory_space<hbm>>) target(%arg5 : memref<128xi32, #tpu.memory_space<vmem>>) target_semaphore(%run_scoped3A : memref<!tpu.dma_semaphore, #tpu.memory_space<semaphore_mem>>)
        %dma_wait3A_18 = tpu.memref_slice %arg3[%add3A_11] : memref<524288xi32, #tpu.memory_space<hbm>> -> memref<128xi32, #tpu.memory_space<hbm>>
        %dma_wait3A_19 = tpu.memref_slice %arg3[%add3A_11] : memref<524288xi32, #tpu.memory_space<hbm>> -> memref<128xi32, #tpu.memory_space<hbm>>
        tpu.wait_dma2 semaphore(%run_scoped3A : memref<!tpu.dma_semaphore, #tpu.memory_space<semaphore_mem>>) src(%dma_wait3A_19 : memref<128xi32, #tpu.memory_space<hbm>>) dst(%arg5 : memref<128xi32, #tpu.memory_space<vmem>>)
        tpu.yield
      }) : () -> ()
      %dma_start3A = arith.constant 0 : i32
      %dma_start3A_12 = arith.constant 0 : i32
      %dma_start3A_13 = tpu.memref_slice %arg2[%dma_start3A, %dma_start3A_12] : memref<16384x128xf32, #tpu.memory_space<hbm>> -> memref<16384x128xf32, #tpu.memory_space<hbm>>
      tpu.enqueue_indirect_dma source(%dma_start3A_13 : memref<16384x128xf32, #tpu.memory_space<hbm>>) target(%arg6 : memref<128x128xf32, #tpu.memory_space<vmem>>) offsets(%arg5 : memref<128xi32, #tpu.memory_space<vmem>>) semaphore(%arg7 : memref<!tpu.dma_semaphore, #tpu.memory_space<semaphore_mem>>)
      %dma_wait3A = arith.constant 0 : i32
      %dma_wait3A_14 = arith.constant 0 : i32
      %dma_wait3A_15 = tpu.memref_slice %arg2[%dma_wait3A, %dma_wait3A_14] : memref<16384x128xf32, #tpu.memory_space<hbm>> -> memref<16384x128xf32, #tpu.memory_space<hbm>>
      tpu.wait_indirect_dma semaphore(%arg7 : memref<!tpu.dma_semaphore, #tpu.memory_space<semaphore_mem>>) src(%dma_wait3A_15 : memref<16384x128xf32, #tpu.memory_space<hbm>>) dst(%arg6 : memref<128x128xf32, #tpu.memory_space<vmem>>)
      "tpu.region"() ({
        %run_scoped3A = tpu.sem_alloc : memref<!tpu.dma_semaphore, #tpu.memory_space<semaphore_mem>>
        %dma_start3A_16 = arith.constant 0 : i32
        %dma_start3A_17 = tpu.memref_slice %arg4[%add3A_11, %dma_start3A_16] : memref<524288x128xf32, #tpu.memory_space<hbm>> -> memref<128x128xf32, #tpu.memory_space<hbm>>
        %dma_start3A_18 = arith.constant 0 : i32
        %dma_start3A_19 = tpu.memref_slice %arg4[%add3A_11, %dma_start3A_18] : memref<524288x128xf32, #tpu.memory_space<hbm>> -> memref<128x128xf32, #tpu.memory_space<hbm>>
        tpu.enqueue_dma source(%arg6 : memref<128x128xf32, #tpu.memory_space<vmem>>) target(%dma_start3A_19 : memref<128x128xf32, #tpu.memory_space<hbm>>) target_semaphore(%run_scoped3A : memref<!tpu.dma_semaphore, #tpu.memory_space<semaphore_mem>>)
        %dma_wait3A_20 = arith.constant 0 : i32
        %dma_wait3A_21 = tpu.memref_slice %arg4[%add3A_11, %dma_wait3A_20] : memref<524288x128xf32, #tpu.memory_space<hbm>> -> memref<128x128xf32, #tpu.memory_space<hbm>>
        %dma_wait3A_22 = arith.constant 0 : i32
        %dma_wait3A_23 = tpu.memref_slice %arg4[%add3A_11, %dma_wait3A_22] : memref<524288x128xf32, #tpu.memory_space<hbm>> -> memref<128x128xf32, #tpu.memory_space<hbm>>
        tpu.wait_dma2 semaphore(%run_scoped3A : memref<!tpu.dma_semaphore, #tpu.memory_space<semaphore_mem>>) src(%arg6 : memref<128x128xf32, #tpu.memory_space<vmem>>) dst(%dma_wait3A_23 : memref<128x128xf32, #tpu.memory_space<hbm>>)
        tpu.yield
      }) : () -> ()
    }
    %scan3A_7 = arith.constant 128 : i32
    return
  }
}

#map = affine_map<(d0, d1) -> (0, 0)>
#map1 = affine_map<(d0, d1) -> (0)>
module attributes {stable_mosaic.version = 14 : i64} {
  func.func @k(%arg0: i32, %arg1: i32, %arg2: memref<16384x128xf32, #tpu.memory_space<hbm>>, %arg3: memref<131072xi32, #tpu.memory_space<hbm>>, %arg4: memref<131072x128xf32, #tpu.memory_space<hbm>>, %arg5: memref<128xi32, #tpu.memory_space<vmem>>, %arg6: memref<128x128xf32, #tpu.memory_space<vmem>>, %arg7: memref<!tpu.dma_semaphore, #tpu.memory_space<semaphore_mem>>) attributes {dimension_semantics = [#tpu.dimension_semantics<core_parallel>, #tpu.dimension_semantics<subcore_parallel>], iteration_bounds = array<i64: 2, 16>, scalar_prefetch = 0 : i64, scratch_operands = 3 : i64, tpu.core_type = #tpu.core_type<sc_vector_subcore>, window_params = [{transform_indices = #map}, {transform_indices = #map1}, {transform_indices = #map}]} {
    %mul3A = arith.constant 2 : i32
    %mul3A_0 = arith.muli %arg1, %mul3A : i32
    %add3A = arith.addi %mul3A_0, %arg0 : i32
    %mul3A_1 = arith.constant 4096 : i32
    %mul3A_2 = arith.muli %add3A, %mul3A_1 : i32
    %scan3A = arith.constant 0 : i32
    %scan3A_3 = arith.constant 0 : i32
    %scan3A_4 = arith.constant 32 : i32
    %scan3A_5 = arith.addi %scan3A_3, %scan3A_4 : i32
    %scan3A_6 = arith.constant 1 : i32
    scf.for %scan3A_8 = %scan3A_3 to %scan3A_5 step %scan3A_6  : i32 {
      %mul3A_9 = arith.constant 128 : i32
      %mul3A_10 = arith.muli %scan3A_8, %mul3A_9 : i32
      %add3A_11 = arith.addi %mul3A_2, %mul3A_10 : i32
      "tpu.region"() ({
        %run_scoped3A = tpu.sem_alloc : memref<!tpu.dma_semaphore, #tpu.memory_space<semaphore_mem>>
        %dma_start3A_16 = tpu.memref_slice %arg3[%add3A_11] : memref<131072xi32, #tpu.memory_space<hbm>> -> memref<128xi32, #tpu.memory_space<hbm>>
        %dma_start3A_17 = tpu.memref_slice %arg3[%add3A_11] : memref<131072xi32, #tpu.memory_space<hbm>> -> memref<128xi32, #tpu.memory_space<hbm>>
        tpu.enqueue_dma source(%dma_start3A_17 : memref<128xi32, #tpu.memory_space<hbm>>) target(%arg5 : memref<128xi32, #tpu.memory_space<vmem>>) target_semaphore(%run_scoped3A : memref<!tpu.dma_semaphore, #tpu.memory_space<semaphore_mem>>)
        %dma_wait3A_18 = tpu.memref_slice %arg3[%add3A_11] : memref<131072xi32, #tpu.memory_space<hbm>> -> memref<128xi32, #tpu.memory_space<hbm>>
        %dma_wait3A_19 = tpu.memref_slice %arg3[%add3A_11] : memref<131072xi32, #tpu.memory_space<hbm>> -> memref<128xi32, #tpu.memory_space<hbm>>
        tpu.wait_dma2 semaphore(%run_scoped3A : memref<!tpu.dma_semaphore, #tpu.memory_space<semaphore_mem>>) src(%dma_wait3A_19 : memref<128xi32, #tpu.memory_space<hbm>>) dst(%arg5 : memref<128xi32, #tpu.memory_space<vmem>>)
        tpu.yield
      }) : () -> ()
      %dma_start3A = arith.constant 0 : i32
      %dma_start3A_12 = arith.constant 0 : i32
      %dma_start3A_13 = tpu.memref_slice %arg2[%dma_start3A, %dma_start3A_12] : memref<16384x128xf32, #tpu.memory_space<hbm>> -> memref<16384x128xf32, #tpu.memory_space<hbm>>
      tpu.enqueue_indirect_dma source(%dma_start3A_13 : memref<16384x128xf32, #tpu.memory_space<hbm>>) target(%arg6 : memref<128x128xf32, #tpu.memory_space<vmem>>) offsets(%arg5 : memref<128xi32, #tpu.memory_space<vmem>>) semaphore(%arg7 : memref<!tpu.dma_semaphore, #tpu.memory_space<semaphore_mem>>)
      %dma_wait3A = arith.constant 0 : i32
      %dma_wait3A_14 = arith.constant 0 : i32
      %dma_wait3A_15 = tpu.memref_slice %arg2[%dma_wait3A, %dma_wait3A_14] : memref<16384x128xf32, #tpu.memory_space<hbm>> -> memref<16384x128xf32, #tpu.memory_space<hbm>>
      tpu.wait_indirect_dma semaphore(%arg7 : memref<!tpu.dma_semaphore, #tpu.memory_space<semaphore_mem>>) src(%dma_wait3A_15 : memref<16384x128xf32, #tpu.memory_space<hbm>>) dst(%arg6 : memref<128x128xf32, #tpu.memory_space<vmem>>)
      "tpu.region"() ({
        %run_scoped3A = tpu.sem_alloc : memref<!tpu.dma_semaphore, #tpu.memory_space<semaphore_mem>>
        %dma_start3A_16 = arith.constant 0 : i32
        %dma_start3A_17 = tpu.memref_slice %arg4[%add3A_11, %dma_start3A_16] : memref<131072x128xf32, #tpu.memory_space<hbm>> -> memref<128x128xf32, #tpu.memory_space<hbm>>
        %dma_start3A_18 = arith.constant 0 : i32
        %dma_start3A_19 = tpu.memref_slice %arg4[%add3A_11, %dma_start3A_18] : memref<131072x128xf32, #tpu.memory_space<hbm>> -> memref<128x128xf32, #tpu.memory_space<hbm>>
        tpu.enqueue_dma source(%arg6 : memref<128x128xf32, #tpu.memory_space<vmem>>) target(%dma_start3A_19 : memref<128x128xf32, #tpu.memory_space<hbm>>) target_semaphore(%run_scoped3A : memref<!tpu.dma_semaphore, #tpu.memory_space<semaphore_mem>>)
        %dma_wait3A_20 = arith.constant 0 : i32
        %dma_wait3A_21 = tpu.memref_slice %arg4[%add3A_11, %dma_wait3A_20] : memref<131072x128xf32, #tpu.memory_space<hbm>> -> memref<128x128xf32, #tpu.memory_space<hbm>>
        %dma_wait3A_22 = arith.constant 0 : i32
        %dma_wait3A_23 = tpu.memref_slice %arg4[%add3A_11, %dma_wait3A_22] : memref<131072x128xf32, #tpu.memory_space<hbm>> -> memref<128x128xf32, #tpu.memory_space<hbm>>
        tpu.wait_dma2 semaphore(%run_scoped3A : memref<!tpu.dma_semaphore, #tpu.memory_space<semaphore_mem>>) src(%arg6 : memref<128x128xf32, #tpu.memory_space<vmem>>) dst(%dma_wait3A_23 : memref<128x128xf32, #tpu.memory_space<hbm>>)
        tpu.yield
      }) : () -> ()
    }
    %scan3A_7 = arith.constant 32 : i32
    return
  }
}

#map = affine_map<(d0, d1) -> (0, 0)>
#map1 = affine_map<(d0, d1) -> (0)>
module attributes {stable_mosaic.version = 14 : i64} {
  func.func @k(%arg0: i32, %arg1: i32, %arg2: memref<4096x384xf32, #tpu.memory_space<hbm>>, %arg3: memref<1024xi32, #tpu.memory_space<hbm>>, %arg4: memref<1024x384xf32, #tpu.memory_space<hbm>>, %arg5: memref<32xi32, #tpu.memory_space<vmem>>, %arg6: memref<32x384xf32, #tpu.memory_space<vmem>>, %arg7: memref<!tpu.dma_semaphore, #tpu.memory_space<semaphore_mem>>) attributes {dimension_semantics = [#tpu.dimension_semantics<core_parallel>, #tpu.dimension_semantics<subcore_parallel>], iteration_bounds = array<i64: 2, 16>, scalar_prefetch = 0 : i64, scratch_operands = 3 : i64, tpu.core_type = #tpu.core_type<sc_vector_subcore>, window_params = [{transform_indices = #map}, {transform_indices = #map1}, {transform_indices = #map}]} {
    %mul3A = arith.constant 2 : i32
    %mul3A_0 = arith.muli %arg1, %mul3A : i32
    %add3A = arith.addi %mul3A_0, %arg0 : i32
    %mul3A_1 = arith.constant 32 : i32
    %mul3A_2 = arith.muli %add3A, %mul3A_1 : i32
    %scan3A = arith.constant 0 : i32
    %scan3A_3 = arith.constant 0 : i32
    %mul3A_4 = arith.constant 32 : i32
    %mul3A_5 = arith.muli %scan3A_3, %mul3A_4 : i32
    %add3A_6 = arith.addi %mul3A_2, %mul3A_5 : i32
    "tpu.region"() ({
      %run_scoped3A = tpu.sem_alloc : memref<!tpu.dma_semaphore, #tpu.memory_space<semaphore_mem>>
      %dma_start3A_12 = tpu.memref_slice %arg3[%add3A_6] : memref<1024xi32, #tpu.memory_space<hbm>> -> memref<32xi32, #tpu.memory_space<hbm>>
      %dma_start3A_13 = tpu.memref_slice %arg3[%add3A_6] : memref<1024xi32, #tpu.memory_space<hbm>> -> memref<32xi32, #tpu.memory_space<hbm>>
      tpu.enqueue_dma source(%dma_start3A_13 : memref<32xi32, #tpu.memory_space<hbm>>) target(%arg5 : memref<32xi32, #tpu.memory_space<vmem>>) target_semaphore(%run_scoped3A : memref<!tpu.dma_semaphore, #tpu.memory_space<semaphore_mem>>)
      %dma_wait3A_14 = tpu.memref_slice %arg3[%add3A_6] : memref<1024xi32, #tpu.memory_space<hbm>> -> memref<32xi32, #tpu.memory_space<hbm>>
      %dma_wait3A_15 = tpu.memref_slice %arg3[%add3A_6] : memref<1024xi32, #tpu.memory_space<hbm>> -> memref<32xi32, #tpu.memory_space<hbm>>
      tpu.wait_dma2 semaphore(%run_scoped3A : memref<!tpu.dma_semaphore, #tpu.memory_space<semaphore_mem>>) src(%dma_wait3A_15 : memref<32xi32, #tpu.memory_space<hbm>>) dst(%arg5 : memref<32xi32, #tpu.memory_space<vmem>>)
      tpu.yield
    }) : () -> ()
    %dma_start3A = arith.constant 0 : i32
    %dma_start3A_7 = arith.constant 0 : i32
    %dma_start3A_8 = tpu.memref_slice %arg2[%dma_start3A, %dma_start3A_7] : memref<4096x384xf32, #tpu.memory_space<hbm>> -> memref<4096x384xf32, #tpu.memory_space<hbm>>
    tpu.enqueue_indirect_dma source(%dma_start3A_8 : memref<4096x384xf32, #tpu.memory_space<hbm>>) target(%arg6 : memref<32x384xf32, #tpu.memory_space<vmem>>) offsets(%arg5 : memref<32xi32, #tpu.memory_space<vmem>>) semaphore(%arg7 : memref<!tpu.dma_semaphore, #tpu.memory_space<semaphore_mem>>)
    %dma_wait3A = arith.constant 0 : i32
    %dma_wait3A_9 = arith.constant 0 : i32
    %dma_wait3A_10 = tpu.memref_slice %arg2[%dma_wait3A, %dma_wait3A_9] : memref<4096x384xf32, #tpu.memory_space<hbm>> -> memref<4096x384xf32, #tpu.memory_space<hbm>>
    tpu.wait_indirect_dma semaphore(%arg7 : memref<!tpu.dma_semaphore, #tpu.memory_space<semaphore_mem>>) src(%dma_wait3A_10 : memref<4096x384xf32, #tpu.memory_space<hbm>>) dst(%arg6 : memref<32x384xf32, #tpu.memory_space<vmem>>)
    "tpu.region"() ({
      %run_scoped3A = tpu.sem_alloc : memref<!tpu.dma_semaphore, #tpu.memory_space<semaphore_mem>>
      %dma_start3A_12 = arith.constant 0 : i32
      %dma_start3A_13 = tpu.memref_slice %arg4[%add3A_6, %dma_start3A_12] : memref<1024x384xf32, #tpu.memory_space<hbm>> -> memref<32x384xf32, #tpu.memory_space<hbm>>
      %dma_start3A_14 = arith.constant 0 : i32
      %dma_start3A_15 = tpu.memref_slice %arg4[%add3A_6, %dma_start3A_14] : memref<1024x384xf32, #tpu.memory_space<hbm>> -> memref<32x384xf32, #tpu.memory_space<hbm>>
      tpu.enqueue_dma source(%arg6 : memref<32x384xf32, #tpu.memory_space<vmem>>) target(%dma_start3A_15 : memref<32x384xf32, #tpu.memory_space<hbm>>) target_semaphore(%run_scoped3A : memref<!tpu.dma_semaphore, #tpu.memory_space<semaphore_mem>>)
      %dma_wait3A_16 = arith.constant 0 : i32
      %dma_wait3A_17 = tpu.memref_slice %arg4[%add3A_6, %dma_wait3A_16] : memref<1024x384xf32, #tpu.memory_space<hbm>> -> memref<32x384xf32, #tpu.memory_space<hbm>>
      %dma_wait3A_18 = arith.constant 0 : i32
      %dma_wait3A_19 = tpu.memref_slice %arg4[%add3A_6, %dma_wait3A_18] : memref<1024x384xf32, #tpu.memory_space<hbm>> -> memref<32x384xf32, #tpu.memory_space<hbm>>
      tpu.wait_dma2 semaphore(%run_scoped3A : memref<!tpu.dma_semaphore, #tpu.memory_space<semaphore_mem>>) src(%arg6 : memref<32x384xf32, #tpu.memory_space<vmem>>) dst(%dma_wait3A_19 : memref<32x384xf32, #tpu.memory_space<hbm>>)
      tpu.yield
    }) : () -> ()
    %scan3A_11 = arith.constant 1 : i32
    return
  }
}

#map = affine_map<(d0, d1) -> (0, 0)>
#map1 = affine_map<(d0, d1) -> (0)>
module attributes {stable_mosaic.version = 14 : i64} {
  func.func @k(%arg0: i32, %arg1: i32, %arg2: memref<4096x384xf32, #tpu.memory_space<hbm>>, %arg3: memref<65536xi32, #tpu.memory_space<hbm>>, %arg4: memref<65536x384xf32, #tpu.memory_space<hbm>>, %arg5: memref<128xi32, #tpu.memory_space<vmem>>, %arg6: memref<128x384xf32, #tpu.memory_space<vmem>>, %arg7: memref<!tpu.dma_semaphore, #tpu.memory_space<semaphore_mem>>) attributes {dimension_semantics = [#tpu.dimension_semantics<core_parallel>, #tpu.dimension_semantics<subcore_parallel>], iteration_bounds = array<i64: 2, 16>, scalar_prefetch = 0 : i64, scratch_operands = 3 : i64, tpu.core_type = #tpu.core_type<sc_vector_subcore>, window_params = [{transform_indices = #map}, {transform_indices = #map1}, {transform_indices = #map}]} {
    %mul3A = arith.constant 2 : i32
    %mul3A_0 = arith.muli %arg1, %mul3A : i32
    %add3A = arith.addi %mul3A_0, %arg0 : i32
    %mul3A_1 = arith.constant 2048 : i32
    %mul3A_2 = arith.muli %add3A, %mul3A_1 : i32
    %scan3A = arith.constant 0 : i32
    %scan3A_3 = arith.constant 0 : i32
    %scan3A_4 = arith.constant 16 : i32
    %scan3A_5 = arith.addi %scan3A_3, %scan3A_4 : i32
    %scan3A_6 = arith.constant 1 : i32
    scf.for %scan3A_8 = %scan3A_3 to %scan3A_5 step %scan3A_6  : i32 {
      %mul3A_9 = arith.constant 128 : i32
      %mul3A_10 = arith.muli %scan3A_8, %mul3A_9 : i32
      %add3A_11 = arith.addi %mul3A_2, %mul3A_10 : i32
      "tpu.region"() ({
        %run_scoped3A = tpu.sem_alloc : memref<!tpu.dma_semaphore, #tpu.memory_space<semaphore_mem>>
        %dma_start3A_16 = tpu.memref_slice %arg3[%add3A_11] : memref<65536xi32, #tpu.memory_space<hbm>> -> memref<128xi32, #tpu.memory_space<hbm>>
        %dma_start3A_17 = tpu.memref_slice %arg3[%add3A_11] : memref<65536xi32, #tpu.memory_space<hbm>> -> memref<128xi32, #tpu.memory_space<hbm>>
        tpu.enqueue_dma source(%dma_start3A_17 : memref<128xi32, #tpu.memory_space<hbm>>) target(%arg5 : memref<128xi32, #tpu.memory_space<vmem>>) target_semaphore(%run_scoped3A : memref<!tpu.dma_semaphore, #tpu.memory_space<semaphore_mem>>)
        %dma_wait3A_18 = tpu.memref_slice %arg3[%add3A_11] : memref<65536xi32, #tpu.memory_space<hbm>> -> memref<128xi32, #tpu.memory_space<hbm>>
        %dma_wait3A_19 = tpu.memref_slice %arg3[%add3A_11] : memref<65536xi32, #tpu.memory_space<hbm>> -> memref<128xi32, #tpu.memory_space<hbm>>
        tpu.wait_dma2 semaphore(%run_scoped3A : memref<!tpu.dma_semaphore, #tpu.memory_space<semaphore_mem>>) src(%dma_wait3A_19 : memref<128xi32, #tpu.memory_space<hbm>>) dst(%arg5 : memref<128xi32, #tpu.memory_space<vmem>>)
        tpu.yield
      }) : () -> ()
      %dma_start3A = arith.constant 0 : i32
      %dma_start3A_12 = arith.constant 0 : i32
      %dma_start3A_13 = tpu.memref_slice %arg2[%dma_start3A, %dma_start3A_12] : memref<4096x384xf32, #tpu.memory_space<hbm>> -> memref<4096x384xf32, #tpu.memory_space<hbm>>
      tpu.enqueue_indirect_dma source(%dma_start3A_13 : memref<4096x384xf32, #tpu.memory_space<hbm>>) target(%arg6 : memref<128x384xf32, #tpu.memory_space<vmem>>) offsets(%arg5 : memref<128xi32, #tpu.memory_space<vmem>>) semaphore(%arg7 : memref<!tpu.dma_semaphore, #tpu.memory_space<semaphore_mem>>)
      %dma_wait3A = arith.constant 0 : i32
      %dma_wait3A_14 = arith.constant 0 : i32
      %dma_wait3A_15 = tpu.memref_slice %arg2[%dma_wait3A, %dma_wait3A_14] : memref<4096x384xf32, #tpu.memory_space<hbm>> -> memref<4096x384xf32, #tpu.memory_space<hbm>>
      tpu.wait_indirect_dma semaphore(%arg7 : memref<!tpu.dma_semaphore, #tpu.memory_space<semaphore_mem>>) src(%dma_wait3A_15 : memref<4096x384xf32, #tpu.memory_space<hbm>>) dst(%arg6 : memref<128x384xf32, #tpu.memory_space<vmem>>)
      "tpu.region"() ({
        %run_scoped3A = tpu.sem_alloc : memref<!tpu.dma_semaphore, #tpu.memory_space<semaphore_mem>>
        %dma_start3A_16 = arith.constant 0 : i32
        %dma_start3A_17 = tpu.memref_slice %arg4[%add3A_11, %dma_start3A_16] : memref<65536x384xf32, #tpu.memory_space<hbm>> -> memref<128x384xf32, #tpu.memory_space<hbm>>
        %dma_start3A_18 = arith.constant 0 : i32
        %dma_start3A_19 = tpu.memref_slice %arg4[%add3A_11, %dma_start3A_18] : memref<65536x384xf32, #tpu.memory_space<hbm>> -> memref<128x384xf32, #tpu.memory_space<hbm>>
        tpu.enqueue_dma source(%arg6 : memref<128x384xf32, #tpu.memory_space<vmem>>) target(%dma_start3A_19 : memref<128x384xf32, #tpu.memory_space<hbm>>) target_semaphore(%run_scoped3A : memref<!tpu.dma_semaphore, #tpu.memory_space<semaphore_mem>>)
        %dma_wait3A_20 = arith.constant 0 : i32
        %dma_wait3A_21 = tpu.memref_slice %arg4[%add3A_11, %dma_wait3A_20] : memref<65536x384xf32, #tpu.memory_space<hbm>> -> memref<128x384xf32, #tpu.memory_space<hbm>>
        %dma_wait3A_22 = arith.constant 0 : i32
        %dma_wait3A_23 = tpu.memref_slice %arg4[%add3A_11, %dma_wait3A_22] : memref<65536x384xf32, #tpu.memory_space<hbm>> -> memref<128x384xf32, #tpu.memory_space<hbm>>
        tpu.wait_dma2 semaphore(%run_scoped3A : memref<!tpu.dma_semaphore, #tpu.memory_space<semaphore_mem>>) src(%arg6 : memref<128x384xf32, #tpu.memory_space<vmem>>) dst(%dma_wait3A_23 : memref<128x384xf32, #tpu.memory_space<hbm>>)
        tpu.yield
      }) : () -> ()
    }
    %scan3A_7 = arith.constant 16 : i32
    return
  }
}

#map = affine_map<(d0, d1) -> (0, 0)>
#map1 = affine_map<(d0, d1) -> (0)>
module attributes {stable_mosaic.version = 14 : i64} {
  func.func @k(%arg0: i32, %arg1: i32, %arg2: memref<4096x384xf32, #tpu.memory_space<hbm>>, %arg3: memref<131072xi32, #tpu.memory_space<hbm>>, %arg4: memref<131072x384xf32, #tpu.memory_space<hbm>>, %arg5: memref<128xi32, #tpu.memory_space<vmem>>, %arg6: memref<128x384xf32, #tpu.memory_space<vmem>>, %arg7: memref<!tpu.dma_semaphore, #tpu.memory_space<semaphore_mem>>) attributes {dimension_semantics = [#tpu.dimension_semantics<core_parallel>, #tpu.dimension_semantics<subcore_parallel>], iteration_bounds = array<i64: 2, 16>, scalar_prefetch = 0 : i64, scratch_operands = 3 : i64, tpu.core_type = #tpu.core_type<sc_vector_subcore>, window_params = [{transform_indices = #map}, {transform_indices = #map1}, {transform_indices = #map}]} {
    %mul3A = arith.constant 2 : i32
    %mul3A_0 = arith.muli %arg1, %mul3A : i32
    %add3A = arith.addi %mul3A_0, %arg0 : i32
    %mul3A_1 = arith.constant 4096 : i32
    %mul3A_2 = arith.muli %add3A, %mul3A_1 : i32
    %scan3A = arith.constant 0 : i32
    %scan3A_3 = arith.constant 0 : i32
    %scan3A_4 = arith.constant 32 : i32
    %scan3A_5 = arith.addi %scan3A_3, %scan3A_4 : i32
    %scan3A_6 = arith.constant 1 : i32
    scf.for %scan3A_8 = %scan3A_3 to %scan3A_5 step %scan3A_6  : i32 {
      %mul3A_9 = arith.constant 128 : i32
      %mul3A_10 = arith.muli %scan3A_8, %mul3A_9 : i32
      %add3A_11 = arith.addi %mul3A_2, %mul3A_10 : i32
      "tpu.region"() ({
        %run_scoped3A = tpu.sem_alloc : memref<!tpu.dma_semaphore, #tpu.memory_space<semaphore_mem>>
        %dma_start3A_16 = tpu.memref_slice %arg3[%add3A_11] : memref<131072xi32, #tpu.memory_space<hbm>> -> memref<128xi32, #tpu.memory_space<hbm>>
        %dma_start3A_17 = tpu.memref_slice %arg3[%add3A_11] : memref<131072xi32, #tpu.memory_space<hbm>> -> memref<128xi32, #tpu.memory_space<hbm>>
        tpu.enqueue_dma source(%dma_start3A_17 : memref<128xi32, #tpu.memory_space<hbm>>) target(%arg5 : memref<128xi32, #tpu.memory_space<vmem>>) target_semaphore(%run_scoped3A : memref<!tpu.dma_semaphore, #tpu.memory_space<semaphore_mem>>)
        %dma_wait3A_18 = tpu.memref_slice %arg3[%add3A_11] : memref<131072xi32, #tpu.memory_space<hbm>> -> memref<128xi32, #tpu.memory_space<hbm>>
        %dma_wait3A_19 = tpu.memref_slice %arg3[%add3A_11] : memref<131072xi32, #tpu.memory_space<hbm>> -> memref<128xi32, #tpu.memory_space<hbm>>
        tpu.wait_dma2 semaphore(%run_scoped3A : memref<!tpu.dma_semaphore, #tpu.memory_space<semaphore_mem>>) src(%dma_wait3A_19 : memref<128xi32, #tpu.memory_space<hbm>>) dst(%arg5 : memref<128xi32, #tpu.memory_space<vmem>>)
        tpu.yield
      }) : () -> ()
      %dma_start3A = arith.constant 0 : i32
      %dma_start3A_12 = arith.constant 0 : i32
      %dma_start3A_13 = tpu.memref_slice %arg2[%dma_start3A, %dma_start3A_12] : memref<4096x384xf32, #tpu.memory_space<hbm>> -> memref<4096x384xf32, #tpu.memory_space<hbm>>
      tpu.enqueue_indirect_dma source(%dma_start3A_13 : memref<4096x384xf32, #tpu.memory_space<hbm>>) target(%arg6 : memref<128x384xf32, #tpu.memory_space<vmem>>) offsets(%arg5 : memref<128xi32, #tpu.memory_space<vmem>>) semaphore(%arg7 : memref<!tpu.dma_semaphore, #tpu.memory_space<semaphore_mem>>)
      %dma_wait3A = arith.constant 0 : i32
      %dma_wait3A_14 = arith.constant 0 : i32
      %dma_wait3A_15 = tpu.memref_slice %arg2[%dma_wait3A, %dma_wait3A_14] : memref<4096x384xf32, #tpu.memory_space<hbm>> -> memref<4096x384xf32, #tpu.memory_space<hbm>>
      tpu.wait_indirect_dma semaphore(%arg7 : memref<!tpu.dma_semaphore, #tpu.memory_space<semaphore_mem>>) src(%dma_wait3A_15 : memref<4096x384xf32, #tpu.memory_space<hbm>>) dst(%arg6 : memref<128x384xf32, #tpu.memory_space<vmem>>)
      "tpu.region"() ({
        %run_scoped3A = tpu.sem_alloc : memref<!tpu.dma_semaphore, #tpu.memory_space<semaphore_mem>>
        %dma_start3A_16 = arith.constant 0 : i32
        %dma_start3A_17 = tpu.memref_slice %arg4[%add3A_11, %dma_start3A_16] : memref<131072x384xf32, #tpu.memory_space<hbm>> -> memref<128x384xf32, #tpu.memory_space<hbm>>
        %dma_start3A_18 = arith.constant 0 : i32
        %dma_start3A_19 = tpu.memref_slice %arg4[%add3A_11, %dma_start3A_18] : memref<131072x384xf32, #tpu.memory_space<hbm>> -> memref<128x384xf32, #tpu.memory_space<hbm>>
        tpu.enqueue_dma source(%arg6 : memref<128x384xf32, #tpu.memory_space<vmem>>) target(%dma_start3A_19 : memref<128x384xf32, #tpu.memory_space<hbm>>) target_semaphore(%run_scoped3A : memref<!tpu.dma_semaphore, #tpu.memory_space<semaphore_mem>>)
        %dma_wait3A_20 = arith.constant 0 : i32
        %dma_wait3A_21 = tpu.memref_slice %arg4[%add3A_11, %dma_wait3A_20] : memref<131072x384xf32, #tpu.memory_space<hbm>> -> memref<128x384xf32, #tpu.memory_space<hbm>>
        %dma_wait3A_22 = arith.constant 0 : i32
        %dma_wait3A_23 = tpu.memref_slice %arg4[%add3A_11, %dma_wait3A_22] : memref<131072x384xf32, #tpu.memory_space<hbm>> -> memref<128x384xf32, #tpu.memory_space<hbm>>
        tpu.wait_dma2 semaphore(%run_scoped3A : memref<!tpu.dma_semaphore, #tpu.memory_space<semaphore_mem>>) src(%arg6 : memref<128x384xf32, #tpu.memory_space<vmem>>) dst(%dma_wait3A_23 : memref<128x384xf32, #tpu.memory_space<hbm>>)
        tpu.yield
      }) : () -> ()
    }
    %scan3A_7 = arith.constant 32 : i32
    return
  }
}

#map = affine_map<(d0, d1) -> (0, 0)>
#map1 = affine_map<(d0, d1) -> (0)>
module attributes {stable_mosaic.version = 14 : i64} {
  func.func @k(%arg0: i32, %arg1: i32, %arg2: memref<1024x256xf32, #tpu.memory_space<hbm>>, %arg3: memref<12288xi32, #tpu.memory_space<hbm>>, %arg4: memref<12288x256xf32, #tpu.memory_space<hbm>>, %arg5: memref<128xi32, #tpu.memory_space<vmem>>, %arg6: memref<128x256xf32, #tpu.memory_space<vmem>>, %arg7: memref<!tpu.dma_semaphore, #tpu.memory_space<semaphore_mem>>) attributes {dimension_semantics = [#tpu.dimension_semantics<core_parallel>, #tpu.dimension_semantics<subcore_parallel>], iteration_bounds = array<i64: 2, 16>, scalar_prefetch = 0 : i64, scratch_operands = 3 : i64, tpu.core_type = #tpu.core_type<sc_vector_subcore>, window_params = [{transform_indices = #map}, {transform_indices = #map1}, {transform_indices = #map}]} {
    %mul3A = arith.constant 2 : i32
    %mul3A_0 = arith.muli %arg1, %mul3A : i32
    %add3A = arith.addi %mul3A_0, %arg0 : i32
    %mul3A_1 = arith.constant 384 : i32
    %mul3A_2 = arith.muli %add3A, %mul3A_1 : i32
    %scan3A = arith.constant 0 : i32
    %scan3A_3 = arith.constant 0 : i32
    %scan3A_4 = arith.constant 3 : i32
    %scan3A_5 = arith.addi %scan3A_3, %scan3A_4 : i32
    %scan3A_6 = arith.constant 1 : i32
    scf.for %scan3A_8 = %scan3A_3 to %scan3A_5 step %scan3A_6  : i32 {
      %mul3A_9 = arith.constant 128 : i32
      %mul3A_10 = arith.muli %scan3A_8, %mul3A_9 : i32
      %add3A_11 = arith.addi %mul3A_2, %mul3A_10 : i32
      "tpu.region"() ({
        %run_scoped3A = tpu.sem_alloc : memref<!tpu.dma_semaphore, #tpu.memory_space<semaphore_mem>>
        %dma_start3A_16 = tpu.memref_slice %arg3[%add3A_11] : memref<12288xi32, #tpu.memory_space<hbm>> -> memref<128xi32, #tpu.memory_space<hbm>>
        %dma_start3A_17 = tpu.memref_slice %arg3[%add3A_11] : memref<12288xi32, #tpu.memory_space<hbm>> -> memref<128xi32, #tpu.memory_space<hbm>>
        tpu.enqueue_dma source(%dma_start3A_17 : memref<128xi32, #tpu.memory_space<hbm>>) target(%arg5 : memref<128xi32, #tpu.memory_space<vmem>>) target_semaphore(%run_scoped3A : memref<!tpu.dma_semaphore, #tpu.memory_space<semaphore_mem>>)
        %dma_wait3A_18 = tpu.memref_slice %arg3[%add3A_11] : memref<12288xi32, #tpu.memory_space<hbm>> -> memref<128xi32, #tpu.memory_space<hbm>>
        %dma_wait3A_19 = tpu.memref_slice %arg3[%add3A_11] : memref<12288xi32, #tpu.memory_space<hbm>> -> memref<128xi32, #tpu.memory_space<hbm>>
        tpu.wait_dma2 semaphore(%run_scoped3A : memref<!tpu.dma_semaphore, #tpu.memory_space<semaphore_mem>>) src(%dma_wait3A_19 : memref<128xi32, #tpu.memory_space<hbm>>) dst(%arg5 : memref<128xi32, #tpu.memory_space<vmem>>)
        tpu.yield
      }) : () -> ()
      %dma_start3A = arith.constant 0 : i32
      %dma_start3A_12 = arith.constant 0 : i32
      %dma_start3A_13 = tpu.memref_slice %arg2[%dma_start3A, %dma_start3A_12] : memref<1024x256xf32, #tpu.memory_space<hbm>> -> memref<1024x256xf32, #tpu.memory_space<hbm>>
      tpu.enqueue_indirect_dma source(%dma_start3A_13 : memref<1024x256xf32, #tpu.memory_space<hbm>>) target(%arg6 : memref<128x256xf32, #tpu.memory_space<vmem>>) offsets(%arg5 : memref<128xi32, #tpu.memory_space<vmem>>) semaphore(%arg7 : memref<!tpu.dma_semaphore, #tpu.memory_space<semaphore_mem>>)
      %dma_wait3A = arith.constant 0 : i32
      %dma_wait3A_14 = arith.constant 0 : i32
      %dma_wait3A_15 = tpu.memref_slice %arg2[%dma_wait3A, %dma_wait3A_14] : memref<1024x256xf32, #tpu.memory_space<hbm>> -> memref<1024x256xf32, #tpu.memory_space<hbm>>
      tpu.wait_indirect_dma semaphore(%arg7 : memref<!tpu.dma_semaphore, #tpu.memory_space<semaphore_mem>>) src(%dma_wait3A_15 : memref<1024x256xf32, #tpu.memory_space<hbm>>) dst(%arg6 : memref<128x256xf32, #tpu.memory_space<vmem>>)
      "tpu.region"() ({
        %run_scoped3A = tpu.sem_alloc : memref<!tpu.dma_semaphore, #tpu.memory_space<semaphore_mem>>
        %dma_start3A_16 = arith.constant 0 : i32
        %dma_start3A_17 = tpu.memref_slice %arg4[%add3A_11, %dma_start3A_16] : memref<12288x256xf32, #tpu.memory_space<hbm>> -> memref<128x256xf32, #tpu.memory_space<hbm>>
        %dma_start3A_18 = arith.constant 0 : i32
        %dma_start3A_19 = tpu.memref_slice %arg4[%add3A_11, %dma_start3A_18] : memref<12288x256xf32, #tpu.memory_space<hbm>> -> memref<128x256xf32, #tpu.memory_space<hbm>>
        tpu.enqueue_dma source(%arg6 : memref<128x256xf32, #tpu.memory_space<vmem>>) target(%dma_start3A_19 : memref<128x256xf32, #tpu.memory_space<hbm>>) target_semaphore(%run_scoped3A : memref<!tpu.dma_semaphore, #tpu.memory_space<semaphore_mem>>)
        %dma_wait3A_20 = arith.constant 0 : i32
        %dma_wait3A_21 = tpu.memref_slice %arg4[%add3A_11, %dma_wait3A_20] : memref<12288x256xf32, #tpu.memory_space<hbm>> -> memref<128x256xf32, #tpu.memory_space<hbm>>
        %dma_wait3A_22 = arith.constant 0 : i32
        %dma_wait3A_23 = tpu.memref_slice %arg4[%add3A_11, %dma_wait3A_22] : memref<12288x256xf32, #tpu.memory_space<hbm>> -> memref<128x256xf32, #tpu.memory_space<hbm>>
        tpu.wait_dma2 semaphore(%run_scoped3A : memref<!tpu.dma_semaphore, #tpu.memory_space<semaphore_mem>>) src(%arg6 : memref<128x256xf32, #tpu.memory_space<vmem>>) dst(%dma_wait3A_23 : memref<128x256xf32, #tpu.memory_space<hbm>>)
        tpu.yield
      }) : () -> ()
    }
    %scan3A_7 = arith.constant 3 : i32
    return
  }
}

#map = affine_map<(d0, d1) -> (0, 0)>
#map1 = affine_map<(d0, d1) -> (0)>
module attributes {stable_mosaic.version = 14 : i64} {
  func.func @k(%arg0: i32, %arg1: i32, %arg2: memref<4096x128xf32, #tpu.memory_space<hbm>>, %arg3: memref<49152xi32, #tpu.memory_space<hbm>>, %arg4: memref<49152x128xf32, #tpu.memory_space<hbm>>, %arg5: memref<128xi32, #tpu.memory_space<vmem>>, %arg6: memref<128x128xf32, #tpu.memory_space<vmem>>, %arg7: memref<!tpu.dma_semaphore, #tpu.memory_space<semaphore_mem>>) attributes {dimension_semantics = [#tpu.dimension_semantics<core_parallel>, #tpu.dimension_semantics<subcore_parallel>], iteration_bounds = array<i64: 2, 16>, scalar_prefetch = 0 : i64, scratch_operands = 3 : i64, tpu.core_type = #tpu.core_type<sc_vector_subcore>, window_params = [{transform_indices = #map}, {transform_indices = #map1}, {transform_indices = #map}]} {
    %mul3A = arith.constant 2 : i32
    %mul3A_0 = arith.muli %arg1, %mul3A : i32
    %add3A = arith.addi %mul3A_0, %arg0 : i32
    %mul3A_1 = arith.constant 1536 : i32
    %mul3A_2 = arith.muli %add3A, %mul3A_1 : i32
    %scan3A = arith.constant 0 : i32
    %scan3A_3 = arith.constant 0 : i32
    %scan3A_4 = arith.constant 12 : i32
    %scan3A_5 = arith.addi %scan3A_3, %scan3A_4 : i32
    %scan3A_6 = arith.constant 1 : i32
    scf.for %scan3A_8 = %scan3A_3 to %scan3A_5 step %scan3A_6  : i32 {
      %mul3A_9 = arith.constant 128 : i32
      %mul3A_10 = arith.muli %scan3A_8, %mul3A_9 : i32
      %add3A_11 = arith.addi %mul3A_2, %mul3A_10 : i32
      "tpu.region"() ({
        %run_scoped3A = tpu.sem_alloc : memref<!tpu.dma_semaphore, #tpu.memory_space<semaphore_mem>>
        %dma_start3A_16 = tpu.memref_slice %arg3[%add3A_11] : memref<49152xi32, #tpu.memory_space<hbm>> -> memref<128xi32, #tpu.memory_space<hbm>>
        %dma_start3A_17 = tpu.memref_slice %arg3[%add3A_11] : memref<49152xi32, #tpu.memory_space<hbm>> -> memref<128xi32, #tpu.memory_space<hbm>>
        tpu.enqueue_dma source(%dma_start3A_17 : memref<128xi32, #tpu.memory_space<hbm>>) target(%arg5 : memref<128xi32, #tpu.memory_space<vmem>>) target_semaphore(%run_scoped3A : memref<!tpu.dma_semaphore, #tpu.memory_space<semaphore_mem>>)
        %dma_wait3A_18 = tpu.memref_slice %arg3[%add3A_11] : memref<49152xi32, #tpu.memory_space<hbm>> -> memref<128xi32, #tpu.memory_space<hbm>>
        %dma_wait3A_19 = tpu.memref_slice %arg3[%add3A_11] : memref<49152xi32, #tpu.memory_space<hbm>> -> memref<128xi32, #tpu.memory_space<hbm>>
        tpu.wait_dma2 semaphore(%run_scoped3A : memref<!tpu.dma_semaphore, #tpu.memory_space<semaphore_mem>>) src(%dma_wait3A_19 : memref<128xi32, #tpu.memory_space<hbm>>) dst(%arg5 : memref<128xi32, #tpu.memory_space<vmem>>)
        tpu.yield
      }) : () -> ()
      %dma_start3A = arith.constant 0 : i32
      %dma_start3A_12 = arith.constant 0 : i32
      %dma_start3A_13 = tpu.memref_slice %arg2[%dma_start3A, %dma_start3A_12] : memref<4096x128xf32, #tpu.memory_space<hbm>> -> memref<4096x128xf32, #tpu.memory_space<hbm>>
      tpu.enqueue_indirect_dma source(%dma_start3A_13 : memref<4096x128xf32, #tpu.memory_space<hbm>>) target(%arg6 : memref<128x128xf32, #tpu.memory_space<vmem>>) offsets(%arg5 : memref<128xi32, #tpu.memory_space<vmem>>) semaphore(%arg7 : memref<!tpu.dma_semaphore, #tpu.memory_space<semaphore_mem>>)
      %dma_wait3A = arith.constant 0 : i32
      %dma_wait3A_14 = arith.constant 0 : i32
      %dma_wait3A_15 = tpu.memref_slice %arg2[%dma_wait3A, %dma_wait3A_14] : memref<4096x128xf32, #tpu.memory_space<hbm>> -> memref<4096x128xf32, #tpu.memory_space<hbm>>
      tpu.wait_indirect_dma semaphore(%arg7 : memref<!tpu.dma_semaphore, #tpu.memory_space<semaphore_mem>>) src(%dma_wait3A_15 : memref<4096x128xf32, #tpu.memory_space<hbm>>) dst(%arg6 : memref<128x128xf32, #tpu.memory_space<vmem>>)
      "tpu.region"() ({
        %run_scoped3A = tpu.sem_alloc : memref<!tpu.dma_semaphore, #tpu.memory_space<semaphore_mem>>
        %dma_start3A_16 = arith.constant 0 : i32
        %dma_start3A_17 = tpu.memref_slice %arg4[%add3A_11, %dma_start3A_16] : memref<49152x128xf32, #tpu.memory_space<hbm>> -> memref<128x128xf32, #tpu.memory_space<hbm>>
        %dma_start3A_18 = arith.constant 0 : i32
        %dma_start3A_19 = tpu.memref_slice %arg4[%add3A_11, %dma_start3A_18] : memref<49152x128xf32, #tpu.memory_space<hbm>> -> memref<128x128xf32, #tpu.memory_space<hbm>>
        tpu.enqueue_dma source(%arg6 : memref<128x128xf32, #tpu.memory_space<vmem>>) target(%dma_start3A_19 : memref<128x128xf32, #tpu.memory_space<hbm>>) target_semaphore(%run_scoped3A : memref<!tpu.dma_semaphore, #tpu.memory_space<semaphore_mem>>)
        %dma_wait3A_20 = arith.constant 0 : i32
        %dma_wait3A_21 = tpu.memref_slice %arg4[%add3A_11, %dma_wait3A_20] : memref<49152x128xf32, #tpu.memory_space<hbm>> -> memref<128x128xf32, #tpu.memory_space<hbm>>
        %dma_wait3A_22 = arith.constant 0 : i32
        %dma_wait3A_23 = tpu.memref_slice %arg4[%add3A_11, %dma_wait3A_22] : memref<49152x128xf32, #tpu.memory_space<hbm>> -> memref<128x128xf32, #tpu.memory_space<hbm>>
        tpu.wait_dma2 semaphore(%run_scoped3A : memref<!tpu.dma_semaphore, #tpu.memory_space<semaphore_mem>>) src(%arg6 : memref<128x128xf32, #tpu.memory_space<vmem>>) dst(%dma_wait3A_23 : memref<128x128xf32, #tpu.memory_space<hbm>>)
        tpu.yield
      }) : () -> ()
    }
    %scan3A_7 = arith.constant 12 : i32
    return
  }
}

</mosaic_0001>

<sc_bundles>
// kernel: kernel.11.cloned.1.call-start
scs
__scs_entry_jumppad:
0x0: {  	(pc) =	sbr.rel $0x88, $3  }
0x1: {  	(tag) =	ssettag $0x0;
	lr =	simm.s32 $0x1  }
0x2: {  	[smem:$0x3F39] =	sst lr;
	_ =	strace $0xD0000000  }
0x3: {  	_ = 	snop  }
0x4: {  	_ = 	snop  }
0x5: {  	_ = 	snop  }
0x6: {  	_ = 	snop  }
0x7: {  	_ = 	snop  }
__scs_overlays_trampoline_lowered:
0x8: {  	[smem:$0x3F48] =	sst s0  }
0x9: {  	[smem:$0x3F49] =	sst s1  }
0xa: {  	[smem:$0x3F4A] =	sst s2  }
0xb: {  	[smem:$0x3F4B] =	sst s3  }
0xc: {  	[smem:$0x3F4C] =	sst s4  }
0xd: {  	[smem:$0x3F4D] =	sst s5  }
0xe: {  	[smem:$0x3F4E] =	sst s6  }
0xf: {  	[smem:$0x3F4F] =	sst s7  }
0x10: {  	[smem:$0x3F50] =	sst s8  }
0x11: {  	[smem:$0x3F51] =	sst s9;
	s0 =	simm.s32 @!p0 $0x0  }
0x12: {  	s1 =	sld [smem:$0x3F37];
	s0 =	simm.s32 @p0 $0x1  }
0x13: {  	[smem:$0x3F52] =	sst s0;
	s0 =	simm.s32 @!p1 $0x0  }
0x14: {  	s2 =	sld [smem:$0x3F36];
	s0 =	simm.s32 @p1 $0x1  }
0x15: {  	[smem:$0x3F53] =	sst s0;
	s0 =	simm.s32 @!p2 $0x0  }
0x16: {  	s3 =	sld [smem:$0x3FDB];
	s0 =	simm.s32 @p2 $0x1  }
0x17: {  	s4 =	simm.s32 $0x1BF5;
	[smem:$0x3F55] =	sst s0  }
0x18: {  	s0 =	sld [smem:$0x3F38];
	_ =	swait.ge [sflag:s4], $0x0  }
0x19: {  	s7 =	sld [smem:$0x3F39]  }
0x1a: {  	s8 =	sadd.s32 $0xFFFFE003, lr  }
0x1b: {  	s9 =	sadd.s32 $0xFFFFFEF7, lr;
	s5 =	simm.s32 $0xFFFFFFFF;
	p2 =	slt.u32 s8, $0xFFFFF086  }
0x1c: {  	p1 =	slt.u32 s9, $0xF7A;
	s5 =	simm.s32 @!p2 $0x0  }
0x1d: {  	s5 =	simm.s32 @p1 $0x1;
	p0 =	seq.s32 s7, s2  }
0x1e: {  	s7 =	smul.u32 @!p0 $0xF7A, s2;
	p2 =	seq.s32 @!p0 s5, $0x0  }
0x1f: {  	s9 =	smul.u32 $0xF7A, s1;
	s8 =	simm.s32 @!p0 $0x1BF5;
	p2 =	por !p2, p0  }
0x20: {  	[sflag:s8] =	ssyncset.s32 @!p0 $0xFFFFF086;
	s6 =	sadd.s32 @!p0 s3, s7;
	s7 =	simm.s32 @!p0 $0x108  }
0x21: {  	s3 =	sadd.s32 s3, s9;
	s6 =	sadd.s32 @!p0 $0x88, s6;
	s7 =	simm.s32 @p2 $0x1082  }
0x22: {  	[simem:s7], [sflag:s8] =	dma.local @!p0 [hbm:s6], $0xF7A  }
0x23: {  	s9 =	sor.u32 $0xD0000000, s2;
	s6 =	simm.s32 $0x108;
	_ =	swait.ge @!p0 [sflag:s8], $0x0  }
0x24: {  	s3 =	sadd.s32 $0x88, s3;
	s6 =	simm.s32 @!p1 $0x1082;
	[sflag:s4] =	ssyncset.s32 $0xFFFFF086  }
0x25: {  	[simem:s6], [sflag:s4] =	dma.local [hbm:s3], $0xF7A  }
0x26: {  	[smem:$0x3F39] =	sst s1;
	(tag) =	ssettag s2;
	_ =	strace s9  }
0x27: {  	s1 =	sld [smem:$0x3F49]  }
0x28: {  	s2 =	sld [smem:$0x3F4A]  }
0x29: {  	s4 =	sld [smem:$0x3F4C]  }
0x2a: {  	p0 =	seq.s32 s5, $0x0;
	s5 =	sld [smem:$0x3F4D]  }
0x2b: {  	s6 =	sld [smem:$0x3F4E]  }
0x2c: {  	s7 =	sld [smem:$0x3F4F]  }
0x2d: {  	s3 =	simm.s32 $0x108;
	s8 =	sld [smem:$0x3F50]  }
0x2e: {  	s3 =	simm.s32 @!p0 $0x1082;
	s9 =	sld [smem:$0x3F51]  }
0x2f: {  	lr =	sadd.s32 s0, s3;
	s0 =	sld [smem:$0x3F48]  }
0x30: {  	s3 =	sld [smem:$0x3F4B]  }
0x31: {  	[smem:$0x3F54] =	sst s10  }
0x32: {  	s10 =	sld [smem:$0x3F52];
	_ =	sdelay $0x3  }
0x33: {  	p0 =	seq.s32 s10, $0x1;
	s10 =	sld [smem:$0x3F54];
	_ =	sdelay $0x3  }
0x34: {  	[smem:$0x3F54] =	sst s10  }
0x35: {  	s10 =	sld [smem:$0x3F53];
	_ =	sdelay $0x3  }
0x36: {  	p1 =	seq.s32 s10, $0x1;
	s10 =	sld [smem:$0x3F54];
	_ =	sdelay $0x3  }
0x37: {  	[smem:$0x3F54] =	sst s10  }
0x38: {  	s10 =	sld [smem:$0x3F55]  }
0x39: {  	_ = 	snop;
	(pc) =	sbr.ind lr, $3  }
0x3a: {  	_ = 	snop  }
0x3b: {  	_ = 	snop  }
0x3c: {  	p2 =	seq.s32 s10, $0x1;
	s10 =	sld [smem:$0x3F54]  }
0x3d: {  	_ =	shalt  }
0x3e: {  	_ =	shalt  }
0x3f: {  	_ =	shalt  }
0x40: {  	_ =	shalt  }
0x41: {  	_ =	shalt  }
0x42: {  	_ =	shalt  }
0x43: {  	_ =	shalt  }
0x44: {  	_ =	shalt  }
0x45: {  	_ =	shalt  }
0x46: {  	_ =	shalt  }
0x47: {  	_ =	shalt  }
0x48: {  	_ =	shalt  }
0x49: {  	_ =	shalt  }
0x4a: {  	_ =	shalt  }
0x4b: {  	_ =	shalt  }
0x4c: {  	_ =	shalt  }
0x4d: {  	_ =	shalt  }
0x4e: {  	_ =	shalt  }
0x4f: {  	_ =	shalt  }
0x50: {  	_ =	shalt  }
0x51: {  	_ =	shalt  }
0x52: {  	_ =	shalt  }
0x53: {  	_ =	shalt  }
0x54: {  	_ =	shalt  }
0x55: {  	_ =	shalt  }
0x56: {  	_ =	shalt  }
0x57: {  	_ =	shalt  }
0x58: {  	_ =	shalt  }
0x59: {  	_ =	shalt  }
0x5a: {  	_ =	shalt  }
0x5b: {  	_ =	shalt  }
0x5c: {  	_ =	shalt  }
0x5d: {  	_ =	shalt  }
0x5e: {  	_ =	shalt  }
0x5f: {  	_ =	shalt  }
0x60: {  	_ =	shalt  }
0x61: {  	_ =	shalt  }
0x62: {  	_ =	shalt  }
0x63: {  	_ =	shalt  }
0x64: {  	_ =	shalt  }
0x65: {  	_ =	shalt  }
0x66: {  	_ =	shalt  }
0x67: {  	_ =	shalt  }
0x68: {  	_ =	shalt  }
0x69: {  	_ =	shalt  }
0x6a: {  	_ =	shalt  }
0x6b: {  	_ =	shalt  }
0x6c: {  	_ =	shalt  }
0x6d: {  	_ =	shalt  }
0x6e: {  	_ =	shalt  }
0x6f: {  	_ =	shalt  }
0x70: {  	_ =	shalt  }
0x71: {  	_ =	shalt  }
0x72: {  	_ =	shalt  }
0x73: {  	_ =	shalt  }
0x74: {  	_ =	shalt  }
0x75: {  	_ =	shalt  }
0x76: {  	_ =	shalt  }
0x77: {  	_ =	shalt  }
0x78: {  	_ =	shalt  }
0x79: {  	_ =	shalt  }
0x7a: {  	_ =	shalt  }
0x7b: {  	_ =	shalt  }
0x7c: {  	_ =	shalt  }
0x7d: {  	_ =	shalt  }
0x7e: {  	_ =	shalt  }
0x7f: {  	_ =	shalt  }
0x80: {  	_ =	shalt  }
0x81: {  	_ =	shalt  }
0x82: {  	_ =	shalt  }
0x83: {  	_ =	shalt  }
0x84: {  	_ =	shalt  }
0x85: {  	_ =	shalt  }
0x86: {  	_ =	shalt  }
0x87: {  	_ =	shalt  }
.Lfunc_end0:
.L_simem_size_0:
called_computation.2_lowered:
.L_overlay_start_0:
0x88: {  	s2 =	sld [smem:$0x3FD9]  }
0x89: {  	s3 =	sld [smem:$0x3FFE];
	_ =	sdelay $0x1  }
0x8a: {  	s1 =	srdreg.scid  }
0x8b: {  	s0 =	sand.u32 $0x1, s1  }
0x8c: {  	s14 =	sshll.u32 s0, $0xA;
	s2 =	sadd.s32 s3, s2  }
0x8d: {  	s2 =	sadd.s32 s2, s14  }
0x8e: {  	[smem:$0x3F60] =	sst s2  }
0x8f: {  	_ = 	snop  }
0x90: {  	s2 =	sld [smem:$0x3FD0];
	_ =	sdelay $0x2  }
0x91: {  	s15 =	simm.s32 $0xC;
	s4 =	simm.s32 $0x10  }
0x92: {  	[smem:s4], [sflag:s15] =	dma.local [hbm:s2], $0x1  }
0x93: {  	_ =	swait.eq [sflag:s15], $0x1  }
0x94: {  	[sflag:s15] =	ssyncset.done $0x0  }
0x95: {  	[sflag:s15] =	ssyncadd.s32 $0xFFFFFFFF  }
0x96: {  	s16 =	sld [smem:$0x11];
	(tm) =	ssettm $0x1  }
0x97: {  	s17 =	sld [smem:$0x3FFB];
	_ =	sdelay $0x3  }
0x98: {  	_ =	strace s17  }
0x99: {  	s3 =	sld [smem:$0x3FFC];
	_ =	sdelay $0x3  }
0x9a: {  	_ =	strace s3  }
0x9b: {  	s3 =	sld [smem:$0x3FFD];
	_ =	sdelay $0x3  }
0x9c: {  	_ =	strace s3  }
0x9d: {  	_ =	strace $0x8FFFFFFF  }
0x9e: {  	s18 =	sld [smem:$0x3FDB];
	_ =	sdelay $0x1  }
0x9f: {  	s19 =	simm.s32 $_scs_section_size  }
0xa0: {  	s5 =	simm.s32 $_size__tile_overlayer_lowered;
	s6 =	simm.s32 $_tile_overlayer_lowered  }
0xa1: {  	s22 =	simm.s32 $0x1BFF;
	s21 =	sshll.u32 s6, $0x1;
	s3 =	sadd.s32 s19, s18  }
0xa2: {  	s7 =	simm.s32 $0x0;
	s20 =	sshll.u32 s5, $0x1;
	s5 =	sadd.s32 s21, s3  }
0xa3: {  	[timem:s7], [sflag:s22] =	dma.local [hbm:s5], s20  }
0xa4: {  	_ =	swait.ge [sflag:s22], s20  }
0xa5: {  	s4 =	ssub.s32 $0x0, s20;
	[sflag:s22] =	ssyncset.done $0x0  }
0xa6: {  	[sflag:s22] =	ssyncadd.s32 s4;
	_ =	sdelay $0x1  }
0xa7: {  	s23 =	simm.s32 $0x1B8B  }
0xa8: {  	_ =	swait.ge [sflag:s23], $0x1  }
0xa9: {  	[sflag:s23] =	ssyncset.done $0x0  }
0xaa: {  	s25 =	simm.s32 $0x1B8E;
	s24 =	sld [smem:$0x3FFE];
	[sflag:s23] =	ssyncadd.s32 $0xFFFFFFFF  }
0xab: {  	s26 =	simm.s32 $execute0_lowered;
	[smem:$0x3FD2] =	sst s25  }
0xac: {  	s5 =	sshll.u32 s26, $0x1;
	_ =	strace $0x80000046;
	[dreg:$0x1] =	wrdreg $0xFFFFFFFF  }
0xad: {  	s28 =	simm.s32 $_size_execute0_lowered;
	s3 =	sadd.s32 s3, s5;
	[dreg:$0x0] =	wrdreg $0x0  }
0xae: {  	s5 =	sshll.u32 s28, $0x1;
	[dreg:$0x2] =	wrdreg s3  }
0xaf: {  	[dreg:$0x3] =	wrdreg s5  }
0xb0: {  	[dreg:$0x4] =	wrdreg $0xC0  }
0xb1: {  	_ =	task [dreg:s7], $0x5FFFF  }
0xb2: {  	[dreg:$0x1] =	wrdreg $0xFFFFFFFF  }
0xb3: {  	[dreg:$0x0] =	wrdreg $0x60  }
0xb4: {  	[dreg:$0x2] =	wrdreg s24  }
0xb5: {  	[dreg:$0x3] =	wrdreg s16  }
0xb6: {  	[dreg:$0x4] =	wrdreg $0x9  }
0xb7: {  	_ =	task.clear_ibuf [dreg:s7], $0x5FFFF;
	_ =	strace $0x90000046  }
0xb8: {  	s29 =	simm.s32 $0x9;
	_ =	strace $0x80000048  }
0xb9: {  	_ =	swait.ge [sflag:s29], $0x1  }
0xba: {  	[sflag:s29] =	ssyncadd.s32 $0xFFFFFFFF  }
0xbb: {  	_ =	strace $0x90000048  }
0xbc: {  	_ =	sfence  }
0xbd: {  	s30 =	sld [smem:$0x0];
	_ =	sdelay $0x2  }
0xbe: {  	s31 =	sshll.u32 s1, $0xD;
	s1 =	sshrl.u32 s1, $0x2  }
0xbf: {  	s3 =	sand.u32 $0x4000, s31;
	s1 =	sadd.s32 s1, s30  }
0xc0: {  	s0 =	sor.u32 s3, s0;
	s1 =	sshll.u32 s1, $0x11  }
0xc1: {  	s0 =	sor.u32 s1, s0  }
0xc2: {  	s0 =	sadd.s32 $0x8F2B, s0  }
0xc3: {  	[sflag:s0] =	ssyncadd.remote.s32 $0x1  }
0xc4: {  	_ =	sfence.sel $0xFFFF  }
0xc5: {  	[dreg:$0x0] =	wrdreg $0xFFFFFFFF;
	(pc) =	sbr.abs _section_cstart, $3  }
0xc6: {  	[dreg:$0x1] =	wrdreg $0xFFFFFFFF  }
0xc7: {  	_ =	task.clear_ibuf [dreg:s7], $0x2FFFF;
	_ =	strace $0x9FFFFFFF  }
0xc8: {  	(tm) =	ssettm $0x7FFFFFFF  }
0xc9: {  	_ =	shalt  }
tec
execute0_lowered:
.L_overlay_start_1:
0x0: {  	(tag) =	ssettag $0x1  }
0x1: {  	s1 =	srdreg.scid  }
0x2: {  	s8 =	rddreg [dreg:$0x0];
	s0 =	stileid.u32  }
0x3: {  	s3 =	rddreg [dreg:$0x1];
	s2 =	simm.s32 $0x0;
	s6 =	sand.u32 $0x1, s1  }
0x4: {  	s4 =	sshll.u32 s0, $0x8;
	s1 =	rddreg [dreg:$0x2];
	s5 =	sshll.u32 s6, $0x7  }
0x5: {  	s7 =	simm.s32 $0x1;
	[smem:$0x7FF] =	sst s2;
	s9 =	sor.u32 s5, s4  }
0x6: {  	_ =	strace $0x80000047;
	s10 =	ssub.s32 $0x2, s6;
	s4 =	sshrl.u32 s9, $0x3  }
0x7: {  	s6 =	simm.s32 $0x80;
	s4 =	sadd.s32 s3, s4;
	s3 =	simm.s32 $0x2  }
0x8: {  	[tilespmem:s2], [sflag:$0x2] =	stream.linear.gather [hbm4b:s4+s2], $0x80, $0x38;
	[tilespmem:$0x4080] =	vst v63  }
0x9: {  	s5 =	sadd.s32 $0x4200, s8;
	s11 =	sshrl.u32 s10, $0x1;
	_ =	swait.ge [sflag:s3], $0x80  }
0xa: {  	s9 =	sshll.u32 s9, $0x4;
	s31 =	ssub.s32 s10, s11;
	[sflag:s3] =	ssyncset.done $0x0  }
0xb: {  	s8 =	sadd.s32 s9, s8;
	s9 =	smax.u32 s31, $0x1;
	[sflag:s3] =	ssyncadd.s32 $0xFFFFFF80  }
0xc: {  	[tilespmem:s6], [sflag:$0x1] =	stream.indirect.gather [hbm4b:s5+s6], $0x80, s2, s6, $0xb8;
	[tilespmem:$0x4080] =	vst v63  }
0xd: {  	p0 =	sne.s32 s9, $0x1;
	_ =	swait.ge [sflag:s7], $0x4000  }
.Ltmp0:
0xe: {  	[sflag:s7] =	ssyncset.done $0x0;
	(pc) =	sbr.rel @!p0 .LBB2_2-.Ltmp0, $4  }
0xf: {  	s8 =	sadd.s32 $0x44200, s8;
	[sflag:s7] =	ssyncadd.s32 $0xFFFFC000  }
0x10: {  	[hbm4b:s8+s2] =	stream.linear.scatter [tilespmem:s6], [sflag:$0x2], $0x4000, $0x38;
	[tilespmem:$0x4080] =	vst v63  }
0x11: {  	_ =	swait.ge [sflag:s3], $0x4000  }
0x12: {  	s9 =	sadd.s32 $0xFFFFFFFF, s9;
	[sflag:s3] =	ssyncset.done $0x0  }
.LBB2_1:
0x13: {  	p0 =	sne.s32 s9, $0x1;
	s9 =	sadd.s32 $0xFFFFFFFF, s9;
	[sflag:s3] =	ssyncadd.s32 $0xFFFFC000  }
0x14: {  	[tilespmem:s2], [sflag:$0x2] =	stream.linear.gather [hbm4b:s4+s2], $0x80, $0x38;
	[tilespmem:$0x4080] =	vst v63  }
0x15: {  	_ =	swait.ge [sflag:s3], $0x80  }
0x16: {  	[sflag:s3] =	ssyncset.done $0x0  }
0x17: {  	[sflag:s3] =	ssyncadd.s32 $0xFFFFFF80  }
0x18: {  	[tilespmem:s6], [sflag:$0x1] =	stream.indirect.gather [hbm4b:s5+s6], $0x80, s2, s6, $0xb8;
	[tilespmem:$0x4080] =	vst v63  }
0x19: {  	_ =	swait.ge [sflag:s7], $0x4000  }
.Ltmp1:
0x1a: {  	[sflag:s7] =	ssyncset.done $0x0;
	(pc) =	sbr.rel @p0 .LBB2_1-.Ltmp1, $4  }
0x1b: {  	[sflag:s7] =	ssyncadd.s32 $0xFFFFC000  }
0x1c: {  	[hbm4b:s8+s2] =	stream.linear.scatter [tilespmem:s6], [sflag:$0x2], $0x4000, $0x38;
	[tilespmem:$0x4080] =	vst v63  }
0x1d: {  	_ =	swait.ge [sflag:s3], $0x4000  }
0x1e: {  	[sflag:s3] =	ssyncset.done $0x0  }
.LBB2_2:
0x1f: {  	[sflag:s3] =	ssyncadd.s32 $0xFFFFC000  }
0x20: {  	_ =	sfence.sel $0x180000  }
0x21: {  	[bflag:$0x0] =	sbarrier.arrive $0xFFFF  }
0x22: {  	p0 =	sne.s32 s0, $0x0;
	_ =	strace $0x90000047  }
0x23: {  	s0 =	sadd.s32 @!p0 $0x100000, s1;
	[bflag:$0x2] =	sbarrier.arrive $0xFFFF  }
0x24: {  	[sflag:s0] =	ssyncadd.tile.s32 @!p0 $0x1;
	_ =	shalt  }
.Lfunc_end2:
_tile_overlayer_lowered:
.L_overlay_start_2:
0x25: {  	(tag) =	ssettag $0x2  }
0x26: {  	s0 =	rddreg [dreg:$0x0];
	s2 =	stileid.u32  }
0x27: {  	s1 =	rddreg [dreg:$0x1];
	p0 =	sne.s32 s2, $0x0  }
0x28: {  	s3 =	rddreg [dreg:$0x2];
	[bflag:$0x3] =	sbarrier.arrive $0xFFFF;
	s2 =	simm.s32 @!p0 $0x1C02  }
0x29: {  	[timem:s3], [sflag:s2] =	dma.local @!p0 [hbm:s0], s1  }
0x2a: {  	s0 =	simm.s32 @!p0 $0x2  }
0x2b: {  	_ =	swait.ge @!p0 [sflag:s0], s1  }
0x2c: {  	s1 =	ssub.s32 @!p0 $0x0, s1;
	[sflag:s0] =	ssyncset.done @!p0 $0x0  }
0x2d: {  	[sflag:s0] =	ssyncadd.s32 @!p0 s1  }
0x2e: {  	[bflag:$0x3] =	sbarrier.arrive $0xFFFF  }
0x2f: {  	_ =	shalt  }

// kernel: kernel.14.cloned.1.call-start
scs
__scs_entry_jumppad:
0x0: {  	(pc) =	sbr.rel $0x88, $3  }
0x1: {  	(tag) =	ssettag $0x0;
	lr =	simm.s32 $0x1  }
0x2: {  	[smem:$0x3F39] =	sst lr;
	_ =	strace $0xD0000000  }
0x3: {  	_ = 	snop  }
0x4: {  	_ = 	snop  }
0x5: {  	_ = 	snop  }
0x6: {  	_ = 	snop  }
0x7: {  	_ = 	snop  }
__scs_overlays_trampoline_lowered:
0x8: {  	[smem:$0x3F48] =	sst s0  }
0x9: {  	[smem:$0x3F49] =	sst s1  }
0xa: {  	[smem:$0x3F4A] =	sst s2  }
0xb: {  	[smem:$0x3F4B] =	sst s3  }
0xc: {  	[smem:$0x3F4C] =	sst s4  }
0xd: {  	[smem:$0x3F4D] =	sst s5  }
0xe: {  	[smem:$0x3F4E] =	sst s6  }
0xf: {  	[smem:$0x3F4F] =	sst s7  }
0x10: {  	[smem:$0x3F50] =	sst s8  }
0x11: {  	[smem:$0x3F51] =	sst s9;
	s0 =	simm.s32 @!p0 $0x0  }
0x12: {  	s1 =	sld [smem:$0x3F37];
	s0 =	simm.s32 @p0 $0x1  }
0x13: {  	[smem:$0x3F52] =	sst s0;
	s0 =	simm.s32 @!p1 $0x0  }
0x14: {  	s2 =	sld [smem:$0x3F36];
	s0 =	simm.s32 @p1 $0x1  }
0x15: {  	[smem:$0x3F53] =	sst s0;
	s0 =	simm.s32 @!p2 $0x0  }
0x16: {  	s3 =	sld [smem:$0x3FDB];
	s0 =	simm.s32 @p2 $0x1  }
0x17: {  	s4 =	simm.s32 $0x1BF5;
	[smem:$0x3F55] =	sst s0  }
0x18: {  	s0 =	sld [smem:$0x3F38];
	_ =	swait.ge [sflag:s4], $0x0  }
0x19: {  	s7 =	sld [smem:$0x3F39]  }
0x1a: {  	s8 =	sadd.s32 $0xFFFFE003, lr  }
0x1b: {  	s9 =	sadd.s32 $0xFFFFFEF7, lr;
	s5 =	simm.s32 $0xFFFFFFFF;
	p2 =	slt.u32 s8, $0xFFFFF086  }
0x1c: {  	p1 =	slt.u32 s9, $0xF7A;
	s5 =	simm.s32 @!p2 $0x0  }
0x1d: {  	s5 =	simm.s32 @p1 $0x1;
	p0 =	seq.s32 s7, s2  }
0x1e: {  	s7 =	smul.u32 @!p0 $0xF7A, s2;
	p2 =	seq.s32 @!p0 s5, $0x0  }
0x1f: {  	s9 =	smul.u32 $0xF7A, s1;
	s8 =	simm.s32 @!p0 $0x1BF5;
	p2 =	por !p2, p0  }
0x20: {  	[sflag:s8] =	ssyncset.s32 @!p0 $0xFFFFF086;
	s6 =	sadd.s32 @!p0 s3, s7;
	s7 =	simm.s32 @!p0 $0x108  }
0x21: {  	s3 =	sadd.s32 s3, s9;
	s6 =	sadd.s32 @!p0 $0x88, s6;
	s7 =	simm.s32 @p2 $0x1082  }
0x22: {  	[simem:s7], [sflag:s8] =	dma.local @!p0 [hbm:s6], $0xF7A  }
0x23: {  	s9 =	sor.u32 $0xD0000000, s2;
	s6 =	simm.s32 $0x108;
	_ =	swait.ge @!p0 [sflag:s8], $0x0  }
0x24: {  	s3 =	sadd.s32 $0x88, s3;
	s6 =	simm.s32 @!p1 $0x1082;
	[sflag:s4] =	ssyncset.s32 $0xFFFFF086  }
0x25: {  	[simem:s6], [sflag:s4] =	dma.local [hbm:s3], $0xF7A  }
0x26: {  	[smem:$0x3F39] =	sst s1;
	(tag) =	ssettag s2;
	_ =	strace s9  }
0x27: {  	s1 =	sld [smem:$0x3F49]  }
0x28: {  	s2 =	sld [smem:$0x3F4A]  }
0x29: {  	s4 =	sld [smem:$0x3F4C]  }
0x2a: {  	p0 =	seq.s32 s5, $0x0;
	s5 =	sld [smem:$0x3F4D]  }
0x2b: {  	s6 =	sld [smem:$0x3F4E]  }
0x2c: {  	s7 =	sld [smem:$0x3F4F]  }
0x2d: {  	s3 =	simm.s32 $0x108;
	s8 =	sld [smem:$0x3F50]  }
0x2e: {  	s3 =	simm.s32 @!p0 $0x1082;
	s9 =	sld [smem:$0x3F51]  }
0x2f: {  	lr =	sadd.s32 s0, s3;
	s0 =	sld [smem:$0x3F48]  }
0x30: {  	s3 =	sld [smem:$0x3F4B]  }
0x31: {  	[smem:$0x3F54] =	sst s10  }
0x32: {  	s10 =	sld [smem:$0x3F52];
	_ =	sdelay $0x3  }
0x33: {  	p0 =	seq.s32 s10, $0x1;
	s10 =	sld [smem:$0x3F54];
	_ =	sdelay $0x3  }
0x34: {  	[smem:$0x3F54] =	sst s10  }
0x35: {  	s10 =	sld [smem:$0x3F53];
	_ =	sdelay $0x3  }
0x36: {  	p1 =	seq.s32 s10, $0x1;
	s10 =	sld [smem:$0x3F54];
	_ =	sdelay $0x3  }
0x37: {  	[smem:$0x3F54] =	sst s10  }
0x38: {  	s10 =	sld [smem:$0x3F55]  }
0x39: {  	_ = 	snop;
	(pc) =	sbr.ind lr, $3  }
0x3a: {  	_ = 	snop  }
0x3b: {  	_ = 	snop  }
0x3c: {  	p2 =	seq.s32 s10, $0x1;
	s10 =	sld [smem:$0x3F54]  }
0x3d: {  	_ =	shalt  }
0x3e: {  	_ =	shalt  }
0x3f: {  	_ =	shalt  }
0x40: {  	_ =	shalt  }
0x41: {  	_ =	shalt  }
0x42: {  	_ =	shalt  }
0x43: {  	_ =	shalt  }
0x44: {  	_ =	shalt  }
0x45: {  	_ =	shalt  }
0x46: {  	_ =	shalt  }
0x47: {  	_ =	shalt  }
0x48: {  	_ =	shalt  }
0x49: {  	_ =	shalt  }
0x4a: {  	_ =	shalt  }
0x4b: {  	_ =	shalt  }
0x4c: {  	_ =	shalt  }
0x4d: {  	_ =	shalt  }
0x4e: {  	_ =	shalt  }
0x4f: {  	_ =	shalt  }
0x50: {  	_ =	shalt  }
0x51: {  	_ =	shalt  }
0x52: {  	_ =	shalt  }
0x53: {  	_ =	shalt  }
0x54: {  	_ =	shalt  }
0x55: {  	_ =	shalt  }
0x56: {  	_ =	shalt  }
0x57: {  	_ =	shalt  }
0x58: {  	_ =	shalt  }
0x59: {  	_ =	shalt  }
0x5a: {  	_ =	shalt  }
0x5b: {  	_ =	shalt  }
0x5c: {  	_ =	shalt  }
0x5d: {  	_ =	shalt  }
0x5e: {  	_ =	shalt  }
0x5f: {  	_ =	shalt  }
0x60: {  	_ =	shalt  }
0x61: {  	_ =	shalt  }
0x62: {  	_ =	shalt  }
0x63: {  	_ =	shalt  }
0x64: {  	_ =	shalt  }
0x65: {  	_ =	shalt  }
0x66: {  	_ =	shalt  }
0x67: {  	_ =	shalt  }
0x68: {  	_ =	shalt  }
0x69: {  	_ =	shalt  }
0x6a: {  	_ =	shalt  }
0x6b: {  	_ =	shalt  }
0x6c: {  	_ =	shalt  }
0x6d: {  	_ =	shalt  }
0x6e: {  	_ =	shalt  }
0x6f: {  	_ =	shalt  }
0x70: {  	_ =	shalt  }
0x71: {  	_ =	shalt  }
0x72: {  	_ =	shalt  }
0x73: {  	_ =	shalt  }
0x74: {  	_ =	shalt  }
0x75: {  	_ =	shalt  }
0x76: {  	_ =	shalt  }
0x77: {  	_ =	shalt  }
0x78: {  	_ =	shalt  }
0x79: {  	_ =	shalt  }
0x7a: {  	_ =	shalt  }
0x7b: {  	_ =	shalt  }
0x7c: {  	_ =	shalt  }
0x7d: {  	_ =	shalt  }
0x7e: {  	_ =	shalt  }
0x7f: {  	_ =	shalt  }
0x80: {  	_ =	shalt  }
0x81: {  	_ =	shalt  }
0x82: {  	_ =	shalt  }
0x83: {  	_ =	shalt  }
0x84: {  	_ =	shalt  }
0x85: {  	_ =	shalt  }
0x86: {  	_ =	shalt  }
0x87: {  	_ =	shalt  }
.Lfunc_end0:
.L_simem_size_0:
called_computation.3_lowered:
.L_overlay_start_0:
0x88: {  	s2 =	sld [smem:$0x3FD9]  }
0x89: {  	s3 =	sld [smem:$0x3FFE];
	_ =	sdelay $0x1  }
0x8a: {  	s1 =	srdreg.scid  }
0x8b: {  	s0 =	sand.u32 $0x1, s1  }
0x8c: {  	s16 =	sshll.u32 s0, $0xA;
	s2 =	sadd.s32 s3, s2  }
0x8d: {  	s2 =	sadd.s32 s2, s16  }
0x8e: {  	[smem:$0x3F60] =	sst s2  }
0x8f: {  	_ = 	snop  }
0x90: {  	(tm) =	ssettm $0x1  }
0x91: {  	s17 =	sld [smem:$0x3FFB];
	_ =	sdelay $0x3  }
0x92: {  	_ =	strace s17  }
0x93: {  	s2 =	sld [smem:$0x3FFC];
	_ =	sdelay $0x3  }
0x94: {  	_ =	strace s2  }
0x95: {  	s2 =	sld [smem:$0x3FFD];
	_ =	sdelay $0x3  }
0x96: {  	_ =	strace s2  }
0x97: {  	_ =	strace $0x8FFFFFFF  }
0x98: {  	s18 =	sld [smem:$0x3FDB];
	_ =	sdelay $0x1  }
0x99: {  	s19 =	simm.s32 $_scs_section_size  }
0x9a: {  	s4 =	simm.s32 $_size__tile_overlayer_lowered;
	s5 =	simm.s32 $_tile_overlayer_lowered  }
0x9b: {  	s22 =	simm.s32 $0x1BFF;
	s21 =	sshll.u32 s5, $0x1;
	s2 =	sadd.s32 s19, s18  }
0x9c: {  	s6 =	simm.s32 $0x0;
	s20 =	sshll.u32 s4, $0x1;
	s4 =	sadd.s32 s21, s2  }
0x9d: {  	[timem:s6], [sflag:s22] =	dma.local [hbm:s4], s20  }
0x9e: {  	_ =	swait.ge [sflag:s22], s20  }
0x9f: {  	s3 =	ssub.s32 $0x0, s20;
	[sflag:s22] =	ssyncset.done $0x0  }
0xa0: {  	[sflag:s22] =	ssyncadd.s32 s3;
	_ =	sdelay $0x1  }
0xa1: {  	s23 =	simm.s32 $0x1B8B  }
0xa2: {  	_ =	swait.ge [sflag:s23], $0x1  }
0xa3: {  	[sflag:s23] =	ssyncset.done $0x0  }
0xa4: {  	s25 =	simm.s32 $0x1B8E;
	s24 =	sld [smem:$0x3FFE];
	[sflag:s23] =	ssyncadd.s32 $0xFFFFFFFF  }
0xa5: {  	s26 =	simm.s32 $execute0_lowered;
	[smem:$0x3FD2] =	sst s25  }
0xa6: {  	s4 =	sshll.u32 s26, $0x1;
	_ =	strace $0x80000049;
	[dreg:$0x1] =	wrdreg $0xFFFFFFFF  }
0xa7: {  	s28 =	simm.s32 $_size_execute0_lowered;
	s2 =	sadd.s32 s2, s4;
	[dreg:$0x0] =	wrdreg $0x0  }
0xa8: {  	s4 =	sshll.u32 s28, $0x1;
	[dreg:$0x2] =	wrdreg s2  }
0xa9: {  	[dreg:$0x3] =	wrdreg s4  }
0xaa: {  	[dreg:$0x4] =	wrdreg $0xC0  }
0xab: {  	_ =	task [dreg:s6], $0x5FFFF  }
0xac: {  	[dreg:$0x1] =	wrdreg $0xFFFFFFFF  }
0xad: {  	[dreg:$0x0] =	wrdreg $0x60  }
0xae: {  	[dreg:$0x2] =	wrdreg s24  }
0xaf: {  	[dreg:$0x3] =	wrdreg $0x9  }
0xb0: {  	_ =	task.clear_ibuf [dreg:s6], $0x4FFFF;
	_ =	strace $0x90000049  }
0xb1: {  	s29 =	simm.s32 $0x9;
	_ =	strace $0x8000004B  }
0xb2: {  	_ =	swait.ge [sflag:s29], $0x1  }
0xb3: {  	[sflag:s29] =	ssyncadd.s32 $0xFFFFFFFF  }
0xb4: {  	_ =	strace $0x9000004B  }
0xb5: {  	_ =	sfence  }
0xb6: {  	s30 =	sld [smem:$0x0];
	_ =	sdelay $0x2  }
0xb7: {  	s31 =	sshll.u32 s1, $0xD;
	s1 =	sshrl.u32 s1, $0x2  }
0xb8: {  	s3 =	sand.u32 $0x4000, s31;
	s1 =	sadd.s32 s1, s30  }
0xb9: {  	s0 =	sor.u32 s3, s0;
	s1 =	sshll.u32 s1, $0x11  }
0xba: {  	s0 =	sor.u32 s1, s0  }
0xbb: {  	s0 =	sadd.s32 $0x8F2B, s0  }
0xbc: {  	[sflag:s0] =	ssyncadd.remote.s32 $0x1  }
0xbd: {  	_ =	sfence.sel $0xFFFF  }
0xbe: {  	[dreg:$0x0] =	wrdreg $0xFFFFFFFF;
	(pc) =	sbr.abs _section_cstart, $3  }
0xbf: {  	[dreg:$0x1] =	wrdreg $0xFFFFFFFF  }
0xc0: {  	_ =	task.clear_ibuf [dreg:s6], $0x2FFFF;
	_ =	strace $0x9FFFFFFF  }
0xc1: {  	(tm) =	ssettm $0x7FFFFFFF  }
tec
execute0_lowered:
.L_overlay_start_1:
0x0: {  	(tag) =	ssettag $0x1  }
0x1: {  	s4 =	rddreg [dreg:$0x0]  }
0x2: {  	s0 =	rddreg [dreg:$0x1];
	s2 =	simm.s32 $0x0;
	s3 =	srdreg.scid  }
0x3: {  	s1 =	stileid.u32;
	s10 =	simm.s32 $0x0;
	[smem:$0x7FF] =	sst s2  }
0x4: {  	s5 =	sand.u32 $0x1, s3;
	s6 =	sshll.u32 s1, $0xD;
	s3 =	sadd.s32 $0x4200, s4  }
0x5: {  	s8 =	sshll.u32 s1, $0x11;
	_ =	strace $0x8000004A;
	s7 =	sshll.u32 s5, $0xC  }
0x6: {  	s31 =	ssub.s32 $0x2, s5;
	s8 =	sadd.s32 s8, s4;
	s5 =	sshll.u32 s5, $0x10  }
0x7: {  	s6 =	sor.u32 s7, s6;
	s9 =	sshrl.u32 s31, $0x1;
	s5 =	sadd.s32 s5, s8  }
0x8: {  	s8 =	simm.s32 $0x80;
	s6 =	sshrl.u32 s6, $0x3;
	s7 =	ssub.s32 s31, s9  }
0x9: {  	s5 =	sadd.s32 $0x469400, s5;
	s9 =	simm.s32 $0x1;
	s6 =	sadd.s32 s6, s4  }
0xa: {  	s4 =	smax.u32 s7, $0x1;
	s7 =	simm.s32 $0x2;
	s6 =	sadd.s32 $0x465400, s6  }
.LBB2_1:
0xb: {  	s11 =	sadd.s32 $0x0, s6  }
0xc: {  	[tilespmem:s2], [sflag:$0x2] =	stream.linear.gather [hbm4b:s11+s2], $0x80, $0x38;
	[tilespmem:$0x4080] =	vst v63  }
0xd: {  	_ =	swait.ge [sflag:s7], $0x80  }
0xe: {  	[sflag:s7] =	ssyncset.done $0x0  }
0xf: {  	[sflag:s7] =	ssyncadd.s32 $0xFFFFFF80  }
0x10: {  	[tilespmem:s8], [sflag:$0x1] =	stream.indirect.gather [hbm4b:s3+s8], $0x80, s2, s8, $0xb8;
	[tilespmem:$0x4080] =	vst v63  }
0x11: {  	_ =	swait.ge [sflag:s9], $0x4000  }
0x12: {  	[sflag:s9] =	ssyncset.done $0x0  }
0x13: {  	[sflag:s9] =	ssyncadd.s32 $0xFFFFC000  }
0x14: {  	[hbm4b:s5+s2] =	stream.linear.scatter [tilespmem:s8], [sflag:$0x2], $0x4000, $0x38;
	[tilespmem:$0x4080] =	vst v63  }
0x15: {  	s12 =	simm.s32 $0x10;
	_ =	swait.ge [sflag:s7], $0x4000  }
0x16: {  	s13 =	simm.s32 $0x20;
	s11 =	sadd.s32 $0x800, s5;
	[sflag:s7] =	ssyncset.done $0x0  }
.LBB2_2:
0x17: {  	s14 =	sadd.s32 s12, s6  }
0x18: {  	[sflag:s7] =	ssyncadd.s32 $0xFFFFC000;
	s12 =	smov.u32 s13;
	s15 =	sadd.s32 $0x10, s13  }
0x19: {  	[tilespmem:s2], [sflag:$0x2] =	stream.linear.gather [hbm4b:s14+s2], $0x80, $0x38;
	[tilespmem:$0x4080] =	vst v63  }
0x1a: {  	p0 =	sne.s32 s13, $0x1F0;
	_ =	swait.ge [sflag:s7], $0x80  }
0x1b: {  	[sflag:s7] =	ssyncset.done $0x0  }
0x1c: {  	[sflag:s7] =	ssyncadd.s32 $0xFFFFFF80  }
0x1d: {  	[tilespmem:s8], [sflag:$0x1] =	stream.indirect.gather [hbm4b:s3+s8], $0x80, s2, s8, $0xb8;
	[tilespmem:$0x4080] =	vst v63  }
0x1e: {  	_ =	swait.ge [sflag:s9], $0x4000  }
.Ltmp0:
0x1f: {  	[sflag:s9] =	ssyncset.done $0x0;
	(pc) =	sbr.rel @p0 .LBB2_2-.Ltmp0, $4  }
0x20: {  	[sflag:s9] =	ssyncadd.s32 $0xFFFFC000  }
0x21: {  	[hbm4b:s11+s2] =	stream.linear.scatter [tilespmem:s8], [sflag:$0x2], $0x4000, $0x38;
	[tilespmem:$0x4080] =	vst v63  }
0x22: {  	_ =	swait.ge [sflag:s7], $0x4000  }
0x23: {  	s13 =	smov.u32 s15;
	s11 =	sadd.s32 $0x800, s11;
	[sflag:s7] =	ssyncset.done $0x0  }
0x24: {  	s12 =	sadd.s32 s12, s6;
	[sflag:s7] =	ssyncadd.s32 $0xFFFFC000  }
0x25: {  	[tilespmem:s2], [sflag:$0x2] =	stream.linear.gather [hbm4b:s12+s2], $0x80, $0x38;
	[tilespmem:$0x4080] =	vst v63  }
0x26: {  	_ =	swait.ge [sflag:s7], $0x80  }
0x27: {  	[sflag:s7] =	ssyncset.done $0x0  }
0x28: {  	[sflag:s7] =	ssyncadd.s32 $0xFFFFFF80  }
0x29: {  	[tilespmem:s8], [sflag:$0x1] =	stream.indirect.gather [hbm4b:s3+s8], $0x80, s2, s8, $0xb8;
	[tilespmem:$0x4080] =	vst v63  }
0x2a: {  	s10 =	sadd.s32 $0x1, s10;
	_ =	swait.ge [sflag:s9], $0x4000  }
0x2b: {  	p0 =	sne.s32 s10, s4;
	[sflag:s9] =	ssyncset.done $0x0  }
.Ltmp1:
0x2c: {  	[sflag:s9] =	ssyncadd.s32 $0xFFFFC000;
	(pc) =	sbr.rel @p0 .LBB2_1-.Ltmp1, $4  }
0x2d: {  	[hbm4b:s11+s2] =	stream.linear.scatter [tilespmem:s8], [sflag:$0x2], $0x4000, $0x38;
	[tilespmem:$0x4080] =	vst v63  }
0x2e: {  	_ =	swait.ge [sflag:s7], $0x4000  }
0x2f: {  	[sflag:s7] =	ssyncset.done $0x0  }
0x30: {  	[sflag:s7] =	ssyncadd.s32 $0xFFFFC000  }
0x31: {  	_ =	sfence.sel $0x180000  }
0x32: {  	[bflag:$0x0] =	sbarrier.arrive $0xFFFF  }
0x33: {  	p0 =	sne.s32 s1, $0x0;
	_ =	strace $0x9000004A  }
0x34: {  	s0 =	sadd.s32 @!p0 $0x100000, s0;
	[bflag:$0x2] =	sbarrier.arrive $0xFFFF  }
0x35: {  	[sflag:s0] =	ssyncadd.tile.s32 @!p0 $0x1;
	_ =	shalt  }
.Lfunc_end2:
_tile_overlayer_lowered:
.L_overlay_start_2:
0x36: {  	(tag) =	ssettag $0x2  }
0x37: {  	s0 =	rddreg [dreg:$0x0];
	s2 =	stileid.u32  }
0x38: {  	s1 =	rddreg [dreg:$0x1];
	p0 =	sne.s32 s2, $0x0  }
0x39: {  	s3 =	rddreg [dreg:$0x2];
	[bflag:$0x3] =	sbarrier.arrive $0xFFFF;
	s2 =	simm.s32 @!p0 $0x1C02  }
0x3a: {  	[timem:s3], [sflag:s2] =	dma.local @!p0 [hbm:s0], s1  }
0x3b: {  	s0 =	simm.s32 @!p0 $0x2  }
0x3c: {  	_ =	swait.ge @!p0 [sflag:s0], s1  }
0x3d: {  	s1 =	ssub.s32 @!p0 $0x0, s1;
	[sflag:s0] =	ssyncset.done @!p0 $0x0  }
0x3e: {  	[sflag:s0] =	ssyncadd.s32 @!p0 s1  }
0x3f: {  	[bflag:$0x3] =	sbarrier.arrive $0xFFFF  }
0x40: {  	_ =	shalt  }

// kernel: kernel.17.cloned.1.call-start
scs
__scs_entry_jumppad:
0x0: {  	(pc) =	sbr.rel $0x88, $3  }
0x1: {  	(tag) =	ssettag $0x0;
	lr =	simm.s32 $0x1  }
0x2: {  	[smem:$0x3F39] =	sst lr;
	_ =	strace $0xD0000000  }
0x3: {  	_ = 	snop  }
0x4: {  	_ = 	snop  }
0x5: {  	_ = 	snop  }
0x6: {  	_ = 	snop  }
0x7: {  	_ = 	snop  }
__scs_overlays_trampoline_lowered:
0x8: {  	[smem:$0x3F48] =	sst s0  }
0x9: {  	[smem:$0x3F49] =	sst s1  }
0xa: {  	[smem:$0x3F4A] =	sst s2  }
0xb: {  	[smem:$0x3F4B] =	sst s3  }
0xc: {  	[smem:$0x3F4C] =	sst s4  }
0xd: {  	[smem:$0x3F4D] =	sst s5  }
0xe: {  	[smem:$0x3F4E] =	sst s6  }
0xf: {  	[smem:$0x3F4F] =	sst s7  }
0x10: {  	[smem:$0x3F50] =	sst s8  }
0x11: {  	[smem:$0x3F51] =	sst s9;
	s0 =	simm.s32 @!p0 $0x0  }
0x12: {  	s1 =	sld [smem:$0x3F37];
	s0 =	simm.s32 @p0 $0x1  }
0x13: {  	[smem:$0x3F52] =	sst s0;
	s0 =	simm.s32 @!p1 $0x0  }
0x14: {  	s2 =	sld [smem:$0x3F36];
	s0 =	simm.s32 @p1 $0x1  }
0x15: {  	[smem:$0x3F53] =	sst s0;
	s0 =	simm.s32 @!p2 $0x0  }
0x16: {  	s3 =	sld [smem:$0x3FDB];
	s0 =	simm.s32 @p2 $0x1  }
0x17: {  	s4 =	simm.s32 $0x1BF5;
	[smem:$0x3F55] =	sst s0  }
0x18: {  	s0 =	sld [smem:$0x3F38];
	_ =	swait.ge [sflag:s4], $0x0  }
0x19: {  	s7 =	sld [smem:$0x3F39]  }
0x1a: {  	s8 =	sadd.s32 $0xFFFFE003, lr  }
0x1b: {  	s9 =	sadd.s32 $0xFFFFFEF7, lr;
	s5 =	simm.s32 $0xFFFFFFFF;
	p2 =	slt.u32 s8, $0xFFFFF086  }
0x1c: {  	p1 =	slt.u32 s9, $0xF7A;
	s5 =	simm.s32 @!p2 $0x0  }
0x1d: {  	s5 =	simm.s32 @p1 $0x1;
	p0 =	seq.s32 s7, s2  }
0x1e: {  	s7 =	smul.u32 @!p0 $0xF7A, s2;
	p2 =	seq.s32 @!p0 s5, $0x0  }
0x1f: {  	s9 =	smul.u32 $0xF7A, s1;
	s8 =	simm.s32 @!p0 $0x1BF5;
	p2 =	por !p2, p0  }
0x20: {  	[sflag:s8] =	ssyncset.s32 @!p0 $0xFFFFF086;
	s6 =	sadd.s32 @!p0 s3, s7;
	s7 =	simm.s32 @!p0 $0x108  }
0x21: {  	s3 =	sadd.s32 s3, s9;
	s6 =	sadd.s32 @!p0 $0x88, s6;
	s7 =	simm.s32 @p2 $0x1082  }
0x22: {  	[simem:s7], [sflag:s8] =	dma.local @!p0 [hbm:s6], $0xF7A  }
0x23: {  	s9 =	sor.u32 $0xD0000000, s2;
	s6 =	simm.s32 $0x108;
	_ =	swait.ge @!p0 [sflag:s8], $0x0  }
0x24: {  	s3 =	sadd.s32 $0x88, s3;
	s6 =	simm.s32 @!p1 $0x1082;
	[sflag:s4] =	ssyncset.s32 $0xFFFFF086  }
0x25: {  	[simem:s6], [sflag:s4] =	dma.local [hbm:s3], $0xF7A  }
0x26: {  	[smem:$0x3F39] =	sst s1;
	(tag) =	ssettag s2;
	_ =	strace s9  }
0x27: {  	s1 =	sld [smem:$0x3F49]  }
0x28: {  	s2 =	sld [smem:$0x3F4A]  }
0x29: {  	s4 =	sld [smem:$0x3F4C]  }
0x2a: {  	p0 =	seq.s32 s5, $0x0;
	s5 =	sld [smem:$0x3F4D]  }
0x2b: {  	s6 =	sld [smem:$0x3F4E]  }
0x2c: {  	s7 =	sld [smem:$0x3F4F]  }
0x2d: {  	s3 =	simm.s32 $0x108;
	s8 =	sld [smem:$0x3F50]  }
0x2e: {  	s3 =	simm.s32 @!p0 $0x1082;
	s9 =	sld [smem:$0x3F51]  }
0x2f: {  	lr =	sadd.s32 s0, s3;
	s0 =	sld [smem:$0x3F48]  }
0x30: {  	s3 =	sld [smem:$0x3F4B]  }
0x31: {  	[smem:$0x3F54] =	sst s10  }
0x32: {  	s10 =	sld [smem:$0x3F52];
	_ =	sdelay $0x3  }
0x33: {  	p0 =	seq.s32 s10, $0x1;
	s10 =	sld [smem:$0x3F54];
	_ =	sdelay $0x3  }
0x34: {  	[smem:$0x3F54] =	sst s10  }
0x35: {  	s10 =	sld [smem:$0x3F53];
	_ =	sdelay $0x3  }
0x36: {  	p1 =	seq.s32 s10, $0x1;
	s10 =	sld [smem:$0x3F54];
	_ =	sdelay $0x3  }
0x37: {  	[smem:$0x3F54] =	sst s10  }
0x38: {  	s10 =	sld [smem:$0x3F55]  }
0x39: {  	_ = 	snop;
	(pc) =	sbr.ind lr, $3  }
0x3a: {  	_ = 	snop  }
0x3b: {  	_ = 	snop  }
0x3c: {  	p2 =	seq.s32 s10, $0x1;
	s10 =	sld [smem:$0x3F54]  }
0x3d: {  	_ =	shalt  }
0x3e: {  	_ =	shalt  }
0x3f: {  	_ =	shalt  }
0x40: {  	_ =	shalt  }
0x41: {  	_ =	shalt  }
0x42: {  	_ =	shalt  }
0x43: {  	_ =	shalt  }
0x44: {  	_ =	shalt  }
0x45: {  	_ =	shalt  }
0x46: {  	_ =	shalt  }
0x47: {  	_ =	shalt  }
0x48: {  	_ =	shalt  }
0x49: {  	_ =	shalt  }
0x4a: {  	_ =	shalt  }
0x4b: {  	_ =	shalt  }
0x4c: {  	_ =	shalt  }
0x4d: {  	_ =	shalt  }
0x4e: {  	_ =	shalt  }
0x4f: {  	_ =	shalt  }
0x50: {  	_ =	shalt  }
0x51: {  	_ =	shalt  }
0x52: {  	_ =	shalt  }
0x53: {  	_ =	shalt  }
0x54: {  	_ =	shalt  }
0x55: {  	_ =	shalt  }
0x56: {  	_ =	shalt  }
0x57: {  	_ =	shalt  }
0x58: {  	_ =	shalt  }
0x59: {  	_ =	shalt  }
0x5a: {  	_ =	shalt  }
0x5b: {  	_ =	shalt  }
0x5c: {  	_ =	shalt  }
0x5d: {  	_ =	shalt  }
0x5e: {  	_ =	shalt  }
0x5f: {  	_ =	shalt  }
0x60: {  	_ =	shalt  }
0x61: {  	_ =	shalt  }
0x62: {  	_ =	shalt  }
0x63: {  	_ =	shalt  }
0x64: {  	_ =	shalt  }
0x65: {  	_ =	shalt  }
0x66: {  	_ =	shalt  }
0x67: {  	_ =	shalt  }
0x68: {  	_ =	shalt  }
0x69: {  	_ =	shalt  }
0x6a: {  	_ =	shalt  }
0x6b: {  	_ =	shalt  }
0x6c: {  	_ =	shalt  }
0x6d: {  	_ =	shalt  }
0x6e: {  	_ =	shalt  }
0x6f: {  	_ =	shalt  }
0x70: {  	_ =	shalt  }
0x71: {  	_ =	shalt  }
0x72: {  	_ =	shalt  }
0x73: {  	_ =	shalt  }
0x74: {  	_ =	shalt  }
0x75: {  	_ =	shalt  }
0x76: {  	_ =	shalt  }
0x77: {  	_ =	shalt  }
0x78: {  	_ =	shalt  }
0x79: {  	_ =	shalt  }
0x7a: {  	_ =	shalt  }
0x7b: {  	_ =	shalt  }
0x7c: {  	_ =	shalt  }
0x7d: {  	_ =	shalt  }
0x7e: {  	_ =	shalt  }
0x7f: {  	_ =	shalt  }
0x80: {  	_ =	shalt  }
0x81: {  	_ =	shalt  }
0x82: {  	_ =	shalt  }
0x83: {  	_ =	shalt  }
0x84: {  	_ =	shalt  }
0x85: {  	_ =	shalt  }
0x86: {  	_ =	shalt  }
0x87: {  	_ =	shalt  }
.Lfunc_end0:
.L_simem_size_0:
called_computation.4_lowered:
.L_overlay_start_0:
0x88: {  	s2 =	sld [smem:$0x3FD9]  }
0x89: {  	s3 =	sld [smem:$0x3FFE];
	_ =	sdelay $0x1  }
0x8a: {  	s1 =	srdreg.scid  }
0x8b: {  	s0 =	sand.u32 $0x1, s1  }
0x8c: {  	s17 =	sshll.u32 s0, $0xA;
	s2 =	sadd.s32 s3, s2  }
0x8d: {  	s2 =	sadd.s32 s2, s17  }
0x8e: {  	[smem:$0x3F60] =	sst s2  }
0x8f: {  	_ = 	snop  }
0x90: {  	(tm) =	ssettm $0x1  }
0x91: {  	s18 =	sld [smem:$0x3FFB];
	_ =	sdelay $0x3  }
0x92: {  	_ =	strace s18  }
0x93: {  	s2 =	sld [smem:$0x3FFC];
	_ =	sdelay $0x3  }
0x94: {  	_ =	strace s2  }
0x95: {  	s2 =	sld [smem:$0x3FFD];
	_ =	sdelay $0x3  }
0x96: {  	_ =	strace s2  }
0x97: {  	_ =	strace $0x8FFFFFFF  }
0x98: {  	s19 =	sld [smem:$0x3FDB];
	_ =	sdelay $0x1  }
0x99: {  	s20 =	simm.s32 $_scs_section_size  }
0x9a: {  	s4 =	simm.s32 $_size__tile_overlayer_lowered;
	s5 =	simm.s32 $_tile_overlayer_lowered  }
0x9b: {  	s6 =	simm.s32 $0x1BFF;
	s21 =	sshll.u32 s5, $0x1;
	s3 =	sadd.s32 s20, s19  }
0x9c: {  	s22 =	simm.s32 $0x0;
	s4 =	sshll.u32 s4, $0x1;
	s5 =	sadd.s32 s21, s3  }
0x9d: {  	[timem:s22], [sflag:s6] =	dma.local [hbm:s5], s4  }
0x9e: {  	_ =	swait.ge [sflag:s6], s4  }
0x9f: {  	s4 =	ssub.s32 $0x0, s4;
	[sflag:s6] =	ssyncset.done $0x0  }
0xa0: {  	[sflag:s6] =	ssyncadd.s32 s4;
	_ =	sdelay $0x1  }
0xa1: {  	s23 =	simm.s32 $0x1B8B  }
0xa2: {  	_ =	swait.ge [sflag:s23], $0x1  }
0xa3: {  	[sflag:s23] =	ssyncset.done $0x0  }
0xa4: {  	[sflag:s23] =	ssyncadd.s32 $0xFFFFFFFF  }
0xa5: {  	s4 =	sld [smem:$0x0]  }
0xa6: {  	s5 =	sand.u32 $0xFFFFFFFE, s1  }
0xa7: {  	p0 =	sne.s32 s1, s5  }
0xa8: {  	s5 =	sshll.u32 @p0 s5, $0xE  }
0xa9: {  	s5 =	sadd.s32 @p0 $0x11B8D, s5;
	s6 =	sshll.u32 @p0 s4, $0x11  }
0xaa: {  	s5 =	sor.u32 @p0 s6, s5  }
0xab: {  	[sflag:s5] =	ssyncadd.remote.s32 @p0 $0x1;
	_ =	sdelay $0x1  }
0xac: {  	s5 =	simm.s32 @p0 $0x1B8D  }
0xad: {  	_ =	swait.eq @p0 [sflag:s5], $0x1  }
0xae: {  	[sflag:s5] =	ssyncadd.s32 @p0 $0xFFFFFFFF  }
0xaf: {  	s6 =	sshll.u32 @!p0 s1, $0xE  }
0xb0: {  	s6 =	sor.u32 @!p0 $0x4000, s6;
	s5 =	simm.s32 @!p0 $0x1B8D  }
0xb1: {  	s4 =	sshll.u32 @!p0 s4, $0x11;
	s6 =	sadd.s32 @!p0 $0x11B8D, s6;
	_ =	swait.eq @!p0 [sflag:s5], $0x1  }
0xb2: {  	s4 =	sor.u32 @!p0 s4, s6;
	[sflag:s5] =	ssyncadd.s32 @!p0 $0xFFFFFFFF  }
0xb3: {  	s25 =	simm.s32 $0x1B8E;
	s24 =	sld [smem:$0x3FFE];
	[sflag:s4] =	ssyncadd.remote.s32 @!p0 $0x1  }
0xb4: {  	s26 =	simm.s32 $execute0_lowered;
	[smem:$0x3FD2] =	sst s25  }
0xb5: {  	s5 =	sshll.u32 s26, $0x1;
	_ =	strace $0x8000004C;
	[dreg:$0x1] =	wrdreg $0xFFFFFFFF  }
0xb6: {  	s28 =	simm.s32 $_size_execute0_lowered;
	s3 =	sadd.s32 s3, s5;
	[dreg:$0x0] =	wrdreg $0x0  }
0xb7: {  	s5 =	sshll.u32 s28, $0x1;
	[dreg:$0x2] =	wrdreg s3  }
0xb8: {  	[dreg:$0x3] =	wrdreg s5  }
0xb9: {  	[dreg:$0x4] =	wrdreg $0xC0  }
0xba: {  	_ =	task [dreg:s22], $0x5FFFF  }
0xbb: {  	[dreg:$0x1] =	wrdreg $0xFFFFFFFF  }
0xbc: {  	[dreg:$0x0] =	wrdreg $0x60  }
0xbd: {  	[dreg:$0x2] =	wrdreg s24  }
0xbe: {  	[dreg:$0x3] =	wrdreg $0xA  }
0xbf: {  	_ =	task.clear_ibuf [dreg:s22], $0x4FFFF;
	_ =	strace $0x9000004C  }
0xc0: {  	s29 =	simm.s32 $0xA;
	_ =	strace $0x8000004E  }
0xc1: {  	_ =	swait.ge [sflag:s29], $0x1  }
0xc2: {  	[sflag:s29] =	ssyncadd.s32 $0xFFFFFFFF  }
0xc3: {  	_ =	strace $0x9000004E  }
0xc4: {  	_ =	sfence  }
0xc5: {  	s30 =	sld [smem:$0x0];
	_ =	sdelay $0x2  }
0xc6: {  	s31 =	sshll.u32 s1, $0xD;
	s1 =	sshrl.u32 s1, $0x2  }
0xc7: {  	s4 =	sand.u32 $0x4000, s31;
	s1 =	sadd.s32 s1, s30  }
0xc8: {  	s0 =	sor.u32 s4, s0;
	s1 =	sshll.u32 s1, $0x11  }
0xc9: {  	s0 =	sor.u32 s1, s0  }
0xca: {  	s0 =	sadd.s32 $0x8F2B, s0  }
0xcb: {  	[sflag:s0] =	ssyncadd.remote.s32 $0x1  }
0xcc: {  	_ =	sfence.sel $0xFFFF  }
0xcd: {  	[dreg:$0x0] =	wrdreg $0xFFFFFFFF;
	(pc) =	sbr.abs _section_cstart, $3  }
0xce: {  	[dreg:$0x1] =	wrdreg $0xFFFFFFFF  }
0xcf: {  	_ =	task.clear_ibuf [dreg:s22], $0x2FFFF;
	_ =	strace $0x9FFFFFFF  }
0xd0: {  	(tm) =	ssettm $0x7FFFFFFF  }
0xd1: {  	_ =	shalt  }
tec
execute0_lowered:
.L_overlay_start_1:
0x0: {  	(tag) =	ssettag $0x1  }
0x1: {  	s4 =	rddreg [dreg:$0x0]  }
0x2: {  	s0 =	rddreg [dreg:$0x1];
	s2 =	simm.s32 $0x0;
	s3 =	srdreg.scid  }
0x3: {  	s1 =	stileid.u32;
	s10 =	simm.s32 $0x0;
	[smem:$0x7FF] =	sst s2  }
0x4: {  	s5 =	sand.u32 $0x1, s3;
	s6 =	sshll.u32 s1, $0xE;
	s3 =	sadd.s32 $0x4200, s4  }
0x5: {  	s8 =	sshll.u32 s1, $0x12;
	_ =	strace $0x8000004D;
	s7 =	sshll.u32 s5, $0xD  }
0x6: {  	s31 =	ssub.s32 $0x2, s5;
	s8 =	sadd.s32 s8, s4;
	s5 =	sshll.u32 s5, $0x11  }
0x7: {  	s6 =	sor.u32 s7, s6;
	s9 =	sshrl.u32 s31, $0x1;
	s5 =	sadd.s32 s5, s8  }
0x8: {  	s8 =	simm.s32 $0x80;
	s6 =	sshrl.u32 s6, $0x3;
	s7 =	ssub.s32 s31, s9  }
0x9: {  	s5 =	sadd.s32 $0x669400, s5;
	s9 =	simm.s32 $0x1;
	s6 =	sadd.s32 s6, s4  }
0xa: {  	s4 =	smax.u32 s7, $0x1;
	s7 =	simm.s32 $0x2;
	s6 =	sadd.s32 $0x165400, s6  }
.LBB2_1:
0xb: {  	s11 =	sadd.s32 $0x0, s6  }
0xc: {  	[tilespmem:s2], [sflag:$0x2] =	stream.linear.gather [hbm4b:s11+s2], $0x80, $0x38;
	[tilespmem:$0x4080] =	vst v63  }
0xd: {  	_ =	swait.ge [sflag:s7], $0x80  }
0xe: {  	[sflag:s7] =	ssyncset.done $0x0  }
0xf: {  	[sflag:s7] =	ssyncadd.s32 $0xFFFFFF80  }
0x10: {  	[tilespmem:s8], [sflag:$0x1] =	stream.indirect.gather [hbm4b:s3+s8], $0x80, s2, s8, $0xb8;
	[tilespmem:$0x4080] =	vst v63  }
0x11: {  	_ =	swait.ge [sflag:s9], $0x4000  }
0x12: {  	[sflag:s9] =	ssyncset.done $0x0  }
0x13: {  	[sflag:s9] =	ssyncadd.s32 $0xFFFFC000  }
0x14: {  	[hbm4b:s5+s2] =	stream.linear.scatter [tilespmem:s8], [sflag:$0x2], $0x4000, $0x38;
	[tilespmem:$0x4080] =	vst v63  }
0x15: {  	s12 =	simm.s32 $0x10;
	_ =	swait.ge [sflag:s7], $0x4000  }
0x16: {  	s13 =	simm.s32 $0x20;
	s11 =	sadd.s32 $0x800, s5;
	[sflag:s7] =	ssyncset.done $0x0  }
.LBB2_2:
0x17: {  	s14 =	sadd.s32 s12, s6  }
0x18: {  	[sflag:s7] =	ssyncadd.s32 $0xFFFFC000;
	s12 =	smov.u32 s13;
	s15 =	sadd.s32 $0x10, s13  }
0x19: {  	[tilespmem:s2], [sflag:$0x2] =	stream.linear.gather [hbm4b:s14+s2], $0x80, $0x38;
	[tilespmem:$0x4080] =	vst v63  }
0x1a: {  	p0 =	sne.s32 s13, $0x3F0;
	_ =	swait.ge [sflag:s7], $0x80  }
0x1b: {  	[sflag:s7] =	ssyncset.done $0x0  }
0x1c: {  	[sflag:s7] =	ssyncadd.s32 $0xFFFFFF80  }
0x1d: {  	[tilespmem:s8], [sflag:$0x1] =	stream.indirect.gather [hbm4b:s3+s8], $0x80, s2, s8, $0xb8;
	[tilespmem:$0x4080] =	vst v63  }
0x1e: {  	_ =	swait.ge [sflag:s9], $0x4000  }
.Ltmp0:
0x1f: {  	[sflag:s9] =	ssyncset.done $0x0;
	(pc) =	sbr.rel @p0 .LBB2_2-.Ltmp0, $4  }
0x20: {  	[sflag:s9] =	ssyncadd.s32 $0xFFFFC000  }
0x21: {  	[hbm4b:s11+s2] =	stream.linear.scatter [tilespmem:s8], [sflag:$0x2], $0x4000, $0x38;
	[tilespmem:$0x4080] =	vst v63  }
0x22: {  	_ =	swait.ge [sflag:s7], $0x4000  }
0x23: {  	s13 =	smov.u32 s15;
	s11 =	sadd.s32 $0x800, s11;
	[sflag:s7] =	ssyncset.done $0x0  }
0x24: {  	s12 =	sadd.s32 s12, s6;
	[sflag:s7] =	ssyncadd.s32 $0xFFFFC000  }
0x25: {  	[tilespmem:s2], [sflag:$0x2] =	stream.linear.gather [hbm4b:s12+s2], $0x80, $0x38;
	[tilespmem:$0x4080] =	vst v63  }
0x26: {  	_ =	swait.ge [sflag:s7], $0x80  }
0x27: {  	[sflag:s7] =	ssyncset.done $0x0  }
0x28: {  	[sflag:s7] =	ssyncadd.s32 $0xFFFFFF80  }
0x29: {  	[tilespmem:s8], [sflag:$0x1] =	stream.indirect.gather [hbm4b:s3+s8], $0x80, s2, s8, $0xb8;
	[tilespmem:$0x4080] =	vst v63  }
0x2a: {  	s10 =	sadd.s32 $0x1, s10;
	_ =	swait.ge [sflag:s9], $0x4000  }
0x2b: {  	p0 =	sne.s32 s10, s4;
	[sflag:s9] =	ssyncset.done $0x0  }
.Ltmp1:
0x2c: {  	[sflag:s9] =	ssyncadd.s32 $0xFFFFC000;
	(pc) =	sbr.rel @p0 .LBB2_1-.Ltmp1, $4  }
0x2d: {  	[hbm4b:s11+s2] =	stream.linear.scatter [tilespmem:s8], [sflag:$0x2], $0x4000, $0x38;
	[tilespmem:$0x4080] =	vst v63  }
0x2e: {  	_ =	swait.ge [sflag:s7], $0x4000  }
0x2f: {  	[sflag:s7] =	ssyncset.done $0x0  }
0x30: {  	[sflag:s7] =	ssyncadd.s32 $0xFFFFC000  }
0x31: {  	_ =	sfence.sel $0x180000  }
0x32: {  	[bflag:$0x0] =	sbarrier.arrive $0xFFFF  }
0x33: {  	p0 =	sne.s32 s1, $0x0;
	_ =	strace $0x9000004D  }
0x34: {  	s0 =	sadd.s32 @!p0 $0x100000, s0;
	[bflag:$0x2] =	sbarrier.arrive $0xFFFF  }
0x35: {  	[sflag:s0] =	ssyncadd.tile.s32 @!p0 $0x1;
	_ =	shalt  }
.Lfunc_end2:
_tile_overlayer_lowered:
.L_overlay_start_2:
0x36: {  	(tag) =	ssettag $0x2  }
0x37: {  	s0 =	rddreg [dreg:$0x0];
	s2 =	stileid.u32  }
0x38: {  	s1 =	rddreg [dreg:$0x1];
	p0 =	sne.s32 s2, $0x0  }
0x39: {  	s3 =	rddreg [dreg:$0x2];
	[bflag:$0x3] =	sbarrier.arrive $0xFFFF;
	s2 =	simm.s32 @!p0 $0x1C02  }
0x3a: {  	[timem:s3], [sflag:s2] =	dma.local @!p0 [hbm:s0], s1  }
0x3b: {  	s0 =	simm.s32 @!p0 $0x2  }
0x3c: {  	_ =	swait.ge @!p0 [sflag:s0], s1  }
0x3d: {  	s1 =	ssub.s32 @!p0 $0x0, s1;
	[sflag:s0] =	ssyncset.done @!p0 $0x0  }
0x3e: {  	[sflag:s0] =	ssyncadd.s32 @!p0 s1  }
0x3f: {  	[bflag:$0x3] =	sbarrier.arrive $0xFFFF  }
0x40: {  	_ =	shalt  }

// kernel: kernel.20.cloned.1.call-start
scs
__scs_entry_jumppad:
0x0: {  	(pc) =	sbr.rel $0x88, $3  }
0x1: {  	(tag) =	ssettag $0x0;
	lr =	simm.s32 $0x1  }
0x2: {  	[smem:$0x3F39] =	sst lr;
	_ =	strace $0xD0000000  }
0x3: {  	_ = 	snop  }
0x4: {  	_ = 	snop  }
0x5: {  	_ = 	snop  }
0x6: {  	_ = 	snop  }
0x7: {  	_ = 	snop  }
__scs_overlays_trampoline_lowered:
0x8: {  	[smem:$0x3F48] =	sst s0  }
0x9: {  	[smem:$0x3F49] =	sst s1  }
0xa: {  	[smem:$0x3F4A] =	sst s2  }
0xb: {  	[smem:$0x3F4B] =	sst s3  }
0xc: {  	[smem:$0x3F4C] =	sst s4  }
0xd: {  	[smem:$0x3F4D] =	sst s5  }
0xe: {  	[smem:$0x3F4E] =	sst s6  }
0xf: {  	[smem:$0x3F4F] =	sst s7  }
0x10: {  	[smem:$0x3F50] =	sst s8  }
0x11: {  	[smem:$0x3F51] =	sst s9;
	s0 =	simm.s32 @!p0 $0x0  }
0x12: {  	s1 =	sld [smem:$0x3F37];
	s0 =	simm.s32 @p0 $0x1  }
0x13: {  	[smem:$0x3F52] =	sst s0;
	s0 =	simm.s32 @!p1 $0x0  }
0x14: {  	s2 =	sld [smem:$0x3F36];
	s0 =	simm.s32 @p1 $0x1  }
0x15: {  	[smem:$0x3F53] =	sst s0;
	s0 =	simm.s32 @!p2 $0x0  }
0x16: {  	s3 =	sld [smem:$0x3FDB];
	s0 =	simm.s32 @p2 $0x1  }
0x17: {  	s4 =	simm.s32 $0x1BF5;
	[smem:$0x3F55] =	sst s0  }
0x18: {  	s0 =	sld [smem:$0x3F38];
	_ =	swait.ge [sflag:s4], $0x0  }
0x19: {  	s7 =	sld [smem:$0x3F39]  }
0x1a: {  	s8 =	sadd.s32 $0xFFFFE003, lr  }
0x1b: {  	s9 =	sadd.s32 $0xFFFFFEF7, lr;
	s5 =	simm.s32 $0xFFFFFFFF;
	p2 =	slt.u32 s8, $0xFFFFF086  }
0x1c: {  	p1 =	slt.u32 s9, $0xF7A;
	s5 =	simm.s32 @!p2 $0x0  }
0x1d: {  	s5 =	simm.s32 @p1 $0x1;
	p0 =	seq.s32 s7, s2  }
0x1e: {  	s7 =	smul.u32 @!p0 $0xF7A, s2;
	p2 =	seq.s32 @!p0 s5, $0x0  }
0x1f: {  	s9 =	smul.u32 $0xF7A, s1;
	s8 =	simm.s32 @!p0 $0x1BF5;
	p2 =	por !p2, p0  }
0x20: {  	[sflag:s8] =	ssyncset.s32 @!p0 $0xFFFFF086;
	s6 =	sadd.s32 @!p0 s3, s7;
	s7 =	simm.s32 @!p0 $0x108  }
0x21: {  	s3 =	sadd.s32 s3, s9;
	s6 =	sadd.s32 @!p0 $0x88, s6;
	s7 =	simm.s32 @p2 $0x1082  }
0x22: {  	[simem:s7], [sflag:s8] =	dma.local @!p0 [hbm:s6], $0xF7A  }
0x23: {  	s9 =	sor.u32 $0xD0000000, s2;
	s6 =	simm.s32 $0x108;
	_ =	swait.ge @!p0 [sflag:s8], $0x0  }
0x24: {  	s3 =	sadd.s32 $0x88, s3;
	s6 =	simm.s32 @!p1 $0x1082;
	[sflag:s4] =	ssyncset.s32 $0xFFFFF086  }
0x25: {  	[simem:s6], [sflag:s4] =	dma.local [hbm:s3], $0xF7A  }
0x26: {  	[smem:$0x3F39] =	sst s1;
	(tag) =	ssettag s2;
	_ =	strace s9  }
0x27: {  	s1 =	sld [smem:$0x3F49]  }
0x28: {  	s2 =	sld [smem:$0x3F4A]  }
0x29: {  	s4 =	sld [smem:$0x3F4C]  }
0x2a: {  	p0 =	seq.s32 s5, $0x0;
	s5 =	sld [smem:$0x3F4D]  }
0x2b: {  	s6 =	sld [smem:$0x3F4E]  }
0x2c: {  	s7 =	sld [smem:$0x3F4F]  }
0x2d: {  	s3 =	simm.s32 $0x108;
	s8 =	sld [smem:$0x3F50]  }
0x2e: {  	s3 =	simm.s32 @!p0 $0x1082;
	s9 =	sld [smem:$0x3F51]  }
0x2f: {  	lr =	sadd.s32 s0, s3;
	s0 =	sld [smem:$0x3F48]  }
0x30: {  	s3 =	sld [smem:$0x3F4B]  }
0x31: {  	[smem:$0x3F54] =	sst s10  }
0x32: {  	s10 =	sld [smem:$0x3F52];
	_ =	sdelay $0x3  }
0x33: {  	p0 =	seq.s32 s10, $0x1;
	s10 =	sld [smem:$0x3F54];
	_ =	sdelay $0x3  }
0x34: {  	[smem:$0x3F54] =	sst s10  }
0x35: {  	s10 =	sld [smem:$0x3F53];
	_ =	sdelay $0x3  }
0x36: {  	p1 =	seq.s32 s10, $0x1;
	s10 =	sld [smem:$0x3F54];
	_ =	sdelay $0x3  }
0x37: {  	[smem:$0x3F54] =	sst s10  }
0x38: {  	s10 =	sld [smem:$0x3F55]  }
0x39: {  	_ = 	snop;
	(pc) =	sbr.ind lr, $3  }
0x3a: {  	_ = 	snop  }
0x3b: {  	_ = 	snop  }
0x3c: {  	p2 =	seq.s32 s10, $0x1;
	s10 =	sld [smem:$0x3F54]  }
0x3d: {  	_ =	shalt  }
0x3e: {  	_ =	shalt  }
0x3f: {  	_ =	shalt  }
0x40: {  	_ =	shalt  }
0x41: {  	_ =	shalt  }
0x42: {  	_ =	shalt  }
0x43: {  	_ =	shalt  }
0x44: {  	_ =	shalt  }
0x45: {  	_ =	shalt  }
0x46: {  	_ =	shalt  }
0x47: {  	_ =	shalt  }
0x48: {  	_ =	shalt  }
0x49: {  	_ =	shalt  }
0x4a: {  	_ =	shalt  }
0x4b: {  	_ =	shalt  }
0x4c: {  	_ =	shalt  }
0x4d: {  	_ =	shalt  }
0x4e: {  	_ =	shalt  }
0x4f: {  	_ =	shalt  }
0x50: {  	_ =	shalt  }
0x51: {  	_ =	shalt  }
0x52: {  	_ =	shalt  }
0x53: {  	_ =	shalt  }
0x54: {  	_ =	shalt  }
0x55: {  	_ =	shalt  }
0x56: {  	_ =	shalt  }
0x57: {  	_ =	shalt  }
0x58: {  	_ =	shalt  }
0x59: {  	_ =	shalt  }
0x5a: {  	_ =	shalt  }
0x5b: {  	_ =	shalt  }
0x5c: {  	_ =	shalt  }
0x5d: {  	_ =	shalt  }
0x5e: {  	_ =	shalt  }
0x5f: {  	_ =	shalt  }
0x60: {  	_ =	shalt  }
0x61: {  	_ =	shalt  }
0x62: {  	_ =	shalt  }
0x63: {  	_ =	shalt  }
0x64: {  	_ =	shalt  }
0x65: {  	_ =	shalt  }
0x66: {  	_ =	shalt  }
0x67: {  	_ =	shalt  }
0x68: {  	_ =	shalt  }
0x69: {  	_ =	shalt  }
0x6a: {  	_ =	shalt  }
0x6b: {  	_ =	shalt  }
0x6c: {  	_ =	shalt  }
0x6d: {  	_ =	shalt  }
0x6e: {  	_ =	shalt  }
0x6f: {  	_ =	shalt  }
0x70: {  	_ =	shalt  }
0x71: {  	_ =	shalt  }
0x72: {  	_ =	shalt  }
0x73: {  	_ =	shalt  }
0x74: {  	_ =	shalt  }
0x75: {  	_ =	shalt  }
0x76: {  	_ =	shalt  }
0x77: {  	_ =	shalt  }
0x78: {  	_ =	shalt  }
0x79: {  	_ =	shalt  }
0x7a: {  	_ =	shalt  }
0x7b: {  	_ =	shalt  }
0x7c: {  	_ =	shalt  }
0x7d: {  	_ =	shalt  }
0x7e: {  	_ =	shalt  }
0x7f: {  	_ =	shalt  }
0x80: {  	_ =	shalt  }
0x81: {  	_ =	shalt  }
0x82: {  	_ =	shalt  }
0x83: {  	_ =	shalt  }
0x84: {  	_ =	shalt  }
0x85: {  	_ =	shalt  }
0x86: {  	_ =	shalt  }
0x87: {  	_ =	shalt  }
.Lfunc_end0:
.L_simem_size_0:
called_computation.5_lowered:
.L_overlay_start_0:
0x88: {  	s2 =	sld [smem:$0x3FD9]  }
0x89: {  	s3 =	sld [smem:$0x3FFE];
	_ =	sdelay $0x1  }
0x8a: {  	s1 =	srdreg.scid  }
0x8b: {  	s0 =	sand.u32 $0x1, s1  }
0x8c: {  	s15 =	sshll.u32 s0, $0xA;
	s2 =	sadd.s32 s3, s2  }
0x8d: {  	s2 =	sadd.s32 s2, s15  }
0x8e: {  	[smem:$0x3F60] =	sst s2  }
0x8f: {  	_ = 	snop  }
0x90: {  	s2 =	sld [smem:$0x3FD0];
	_ =	sdelay $0x2  }
0x91: {  	s16 =	simm.s32 $0xC;
	s4 =	simm.s32 $0x10  }
0x92: {  	[smem:s4], [sflag:s16] =	dma.local [hbm:s2], $0x1  }
0x93: {  	_ =	swait.eq [sflag:s16], $0x1  }
0x94: {  	[sflag:s16] =	ssyncset.done $0x0  }
0x95: {  	[sflag:s16] =	ssyncadd.s32 $0xFFFFFFFF  }
0x96: {  	s17 =	sld [smem:$0x10];
	(tm) =	ssettm $0x1  }
0x97: {  	s18 =	sld [smem:$0x3FFB];
	_ =	sdelay $0x3  }
0x98: {  	_ =	strace s18  }
0x99: {  	s2 =	sld [smem:$0x3FFC];
	_ =	sdelay $0x3  }
0x9a: {  	_ =	strace s2  }
0x9b: {  	s2 =	sld [smem:$0x3FFD];
	_ =	sdelay $0x3  }
0x9c: {  	_ =	strace s2  }
0x9d: {  	_ =	strace $0x8FFFFFFF  }
0x9e: {  	s19 =	sld [smem:$0x3FDB];
	_ =	sdelay $0x1  }
0x9f: {  	s20 =	simm.s32 $_scs_section_size  }
0xa0: {  	s5 =	simm.s32 $_size__tile_overlayer_lowered;
	s6 =	simm.s32 $_tile_overlayer_lowered  }
0xa1: {  	s7 =	simm.s32 $0x1BFF;
	s21 =	sshll.u32 s6, $0x1;
	s4 =	sadd.s32 s20, s19  }
0xa2: {  	s22 =	simm.s32 $0x0;
	s5 =	sshll.u32 s5, $0x1;
	s6 =	sadd.s32 s21, s4  }
0xa3: {  	[timem:s22], [sflag:s7] =	dma.local [hbm:s6], s5  }
0xa4: {  	_ =	swait.ge [sflag:s7], s5  }
0xa5: {  	s5 =	ssub.s32 $0x0, s5;
	[sflag:s7] =	ssyncset.done $0x0  }
0xa6: {  	[sflag:s7] =	ssyncadd.s32 s5;
	_ =	sdelay $0x1  }
0xa7: {  	s23 =	simm.s32 $0x1B8B  }
0xa8: {  	_ =	swait.ge [sflag:s23], $0x1  }
0xa9: {  	[sflag:s23] =	ssyncset.done $0x0  }
0xaa: {  	[sflag:s23] =	ssyncadd.s32 $0xFFFFFFFF  }
0xab: {  	s5 =	sld [smem:$0x0]  }
0xac: {  	s6 =	sand.u32 $0xFFFFFFFE, s1  }
0xad: {  	p0 =	sne.s32 s1, s6  }
0xae: {  	s6 =	sshll.u32 @p0 s6, $0xE  }
0xaf: {  	s6 =	sadd.s32 @p0 $0x11B8D, s6;
	s7 =	sshll.u32 @p0 s5, $0x11  }
0xb0: {  	s6 =	sor.u32 @p0 s7, s6  }
0xb1: {  	[sflag:s6] =	ssyncadd.remote.s32 @p0 $0x1;
	_ =	sdelay $0x1  }
0xb2: {  	s6 =	simm.s32 @p0 $0x1B8D  }
0xb3: {  	_ =	swait.eq @p0 [sflag:s6], $0x1  }
0xb4: {  	[sflag:s6] =	ssyncadd.s32 @p0 $0xFFFFFFFF  }
0xb5: {  	s7 =	sshll.u32 @!p0 s1, $0xE  }
0xb6: {  	s7 =	sor.u32 @!p0 $0x4000, s7;
	s6 =	simm.s32 @!p0 $0x1B8D  }
0xb7: {  	s5 =	sshll.u32 @!p0 s5, $0x11;
	s7 =	sadd.s32 @!p0 $0x11B8D, s7;
	_ =	swait.eq @!p0 [sflag:s6], $0x1  }
0xb8: {  	s5 =	sor.u32 @!p0 s5, s7;
	[sflag:s6] =	ssyncadd.s32 @!p0 $0xFFFFFFFF  }
0xb9: {  	s25 =	simm.s32 $0x1B8E;
	s24 =	sld [smem:$0x3FFE];
	[sflag:s5] =	ssyncadd.remote.s32 @!p0 $0x1  }
0xba: {  	s26 =	simm.s32 $execute0_lowered;
	[smem:$0x3FD2] =	sst s25  }
0xbb: {  	s6 =	sshll.u32 s26, $0x1;
	_ =	strace $0x8000004F;
	[dreg:$0x1] =	wrdreg $0xFFFFFFFF  }
0xbc: {  	s28 =	simm.s32 $_size_execute0_lowered;
	s4 =	sadd.s32 s4, s6;
	[dreg:$0x0] =	wrdreg $0x0  }
0xbd: {  	s6 =	sshll.u32 s28, $0x1;
	[dreg:$0x2] =	wrdreg s4  }
0xbe: {  	[dreg:$0x3] =	wrdreg s6  }
0xbf: {  	[dreg:$0x4] =	wrdreg $0xC0  }
0xc0: {  	_ =	task [dreg:s22], $0x5FFFF  }
0xc1: {  	[dreg:$0x1] =	wrdreg $0xFFFFFFFF  }
0xc2: {  	[dreg:$0x0] =	wrdreg $0x60  }
0xc3: {  	[dreg:$0x2] =	wrdreg s24  }
0xc4: {  	[dreg:$0x3] =	wrdreg s17  }
0xc5: {  	[dreg:$0x4] =	wrdreg $0xB  }
0xc6: {  	_ =	task.clear_ibuf [dreg:s22], $0x5FFFF;
	_ =	strace $0x9000004F  }
0xc7: {  	s29 =	simm.s32 $0xB;
	_ =	strace $0x80000051  }
0xc8: {  	_ =	swait.ge [sflag:s29], $0x1  }
0xc9: {  	[sflag:s29] =	ssyncadd.s32 $0xFFFFFFFF  }
0xca: {  	_ =	strace $0x90000051  }
0xcb: {  	_ =	sfence  }
0xcc: {  	s30 =	sld [smem:$0x0];
	_ =	sdelay $0x2  }
0xcd: {  	s31 =	sshll.u32 s1, $0xD;
	s1 =	sshrl.u32 s1, $0x2  }
0xce: {  	s4 =	sand.u32 $0x4000, s31;
	s1 =	sadd.s32 s1, s30  }
0xcf: {  	s0 =	sor.u32 s4, s0;
	s1 =	sshll.u32 s1, $0x11  }
0xd0: {  	s0 =	sor.u32 s1, s0  }
0xd1: {  	s0 =	sadd.s32 $0x8F2B, s0  }
0xd2: {  	[sflag:s0] =	ssyncadd.remote.s32 $0x1  }
0xd3: {  	_ =	sfence.sel $0xFFFF  }
0xd4: {  	[dreg:$0x0] =	wrdreg $0xFFFFFFFF;
	(pc) =	sbr.abs _section_cstart, $3  }
0xd5: {  	[dreg:$0x1] =	wrdreg $0xFFFFFFFF  }
0xd6: {  	_ =	task.clear_ibuf [dreg:s22], $0x2FFFF;
	_ =	strace $0x9FFFFFFF  }
0xd7: {  	(tm) =	ssettm $0x7FFFFFFF  }
tec
execute0_lowered:
.L_overlay_start_1:
0x0: {  	(tag) =	ssettag $0x1  }
0x1: {  	s4 =	rddreg [dreg:$0x0]  }
0x2: {  	s6 =	rddreg [dreg:$0x1]  }
0x3: {  	s0 =	rddreg [dreg:$0x2];
	s2 =	simm.s32 $0x0;
	s1 =	stileid.u32  }
0x4: {  	s3 =	srdreg.scid;
	[smem:$0x7FF] =	sst s2  }
0x5: {  	s5 =	sshll.u32 s1, $0x13;
	s7 =	sand.u32 $0x1, s3;
	s3 =	sadd.s32 $0x4200, s4  }
0x6: {  	s9 =	sshll.u32 s1, $0xF;
	_ =	strace $0x80000050;
	s5 =	sadd.s32 s5, s4  }
0x7: {  	s29 =	ssub.s32 $0x2, s7;
	s10 =	sshll.u32 s7, $0xE;
	s7 =	sshll.u32 s7, $0x12  }
0x8: {  	s8 =	sshrl.u32 s29, $0x1;
	s30 =	sor.u32 s10, s9;
	s5 =	sadd.s32 s7, s5  }
0x9: {  	s7 =	simm.s32 $0x2;
	s9 =	simm.s32 $0x1;
	s10 =	simm.s32 $0x0  }
0xa: {  	s4 =	ssub.s32 s29, s8;
	s31 =	sshrl.u32 s30, $0x3;
	s5 =	sadd.s32 $0xA69400, s5  }
0xb: {  	s8 =	simm.s32 $0x80;
	s4 =	smax.u32 s4, $0x1;
	s6 =	sadd.s32 s31, s6  }
.LBB2_1:
0xc: {  	s11 =	sadd.s32 $0x0, s6  }
0xd: {  	[tilespmem:s2], [sflag:$0x2] =	stream.linear.gather [hbm4b:s11+s2], $0x80, $0x38;
	[tilespmem:$0x4080] =	vst v63  }
0xe: {  	_ =	swait.ge [sflag:s7], $0x80  }
0xf: {  	[sflag:s7] =	ssyncset.done $0x0  }
0x10: {  	[sflag:s7] =	ssyncadd.s32 $0xFFFFFF80  }
0x11: {  	[tilespmem:s8], [sflag:$0x1] =	stream.indirect.gather [hbm4b:s3+s8], $0x80, s2, s8, $0xb8;
	[tilespmem:$0x4080] =	vst v63  }
0x12: {  	_ =	swait.ge [sflag:s9], $0x4000  }
0x13: {  	[sflag:s9] =	ssyncset.done $0x0  }
0x14: {  	[sflag:s9] =	ssyncadd.s32 $0xFFFFC000  }
0x15: {  	[hbm4b:s5+s2] =	stream.linear.scatter [tilespmem:s8], [sflag:$0x2], $0x4000, $0x38;
	[tilespmem:$0x4080] =	vst v63  }
0x16: {  	s12 =	simm.s32 $0x10;
	_ =	swait.ge [sflag:s7], $0x4000  }
0x17: {  	s13 =	simm.s32 $0x20;
	s11 =	sadd.s32 $0x800, s5;
	[sflag:s7] =	ssyncset.done $0x0  }
.LBB2_2:
0x18: {  	s14 =	sadd.s32 s12, s6  }
0x19: {  	[sflag:s7] =	ssyncadd.s32 $0xFFFFC000;
	s12 =	smov.u32 s13;
	s15 =	sadd.s32 $0x10, s13  }
0x1a: {  	[tilespmem:s2], [sflag:$0x2] =	stream.linear.gather [hbm4b:s14+s2], $0x80, $0x38;
	[tilespmem:$0x4080] =	vst v63  }
0x1b: {  	p0 =	sne.s32 s13, $0x7F0;
	_ =	swait.ge [sflag:s7], $0x80  }
0x1c: {  	[sflag:s7] =	ssyncset.done $0x0  }
0x1d: {  	[sflag:s7] =	ssyncadd.s32 $0xFFFFFF80  }
0x1e: {  	[tilespmem:s8], [sflag:$0x1] =	stream.indirect.gather [hbm4b:s3+s8], $0x80, s2, s8, $0xb8;
	[tilespmem:$0x4080] =	vst v63  }
0x1f: {  	_ =	swait.ge [sflag:s9], $0x4000  }
.Ltmp0:
0x20: {  	[sflag:s9] =	ssyncset.done $0x0;
	(pc) =	sbr.rel @p0 .LBB2_2-.Ltmp0, $4  }
0x21: {  	[sflag:s9] =	ssyncadd.s32 $0xFFFFC000  }
0x22: {  	[hbm4b:s11+s2] =	stream.linear.scatter [tilespmem:s8], [sflag:$0x2], $0x4000, $0x38;
	[tilespmem:$0x4080] =	vst v63  }
0x23: {  	_ =	swait.ge [sflag:s7], $0x4000  }
0x24: {  	s13 =	smov.u32 s15;
	s11 =	sadd.s32 $0x800, s11;
	[sflag:s7] =	ssyncset.done $0x0  }
0x25: {  	s12 =	sadd.s32 s12, s6;
	[sflag:s7] =	ssyncadd.s32 $0xFFFFC000  }
0x26: {  	[tilespmem:s2], [sflag:$0x2] =	stream.linear.gather [hbm4b:s12+s2], $0x80, $0x38;
	[tilespmem:$0x4080] =	vst v63  }
0x27: {  	_ =	swait.ge [sflag:s7], $0x80  }
0x28: {  	[sflag:s7] =	ssyncset.done $0x0  }
0x29: {  	[sflag:s7] =	ssyncadd.s32 $0xFFFFFF80  }
0x2a: {  	[tilespmem:s8], [sflag:$0x1] =	stream.indirect.gather [hbm4b:s3+s8], $0x80, s2, s8, $0xb8;
	[tilespmem:$0x4080] =	vst v63  }
0x2b: {  	s10 =	sadd.s32 $0x1, s10;
	_ =	swait.ge [sflag:s9], $0x4000  }
0x2c: {  	p0 =	sne.s32 s10, s4;
	[sflag:s9] =	ssyncset.done $0x0  }
.Ltmp1:
0x2d: {  	[sflag:s9] =	ssyncadd.s32 $0xFFFFC000;
	(pc) =	sbr.rel @p0 .LBB2_1-.Ltmp1, $4  }
0x2e: {  	[hbm4b:s11+s2] =	stream.linear.scatter [tilespmem:s8], [sflag:$0x2], $0x4000, $0x38;
	[tilespmem:$0x4080] =	vst v63  }
0x2f: {  	_ =	swait.ge [sflag:s7], $0x4000  }
0x30: {  	[sflag:s7] =	ssyncset.done $0x0  }
0x31: {  	[sflag:s7] =	ssyncadd.s32 $0xFFFFC000  }
0x32: {  	_ =	sfence.sel $0x180000  }
0x33: {  	[bflag:$0x0] =	sbarrier.arrive $0xFFFF  }
0x34: {  	p0 =	sne.s32 s1, $0x0;
	_ =	strace $0x90000050  }
0x35: {  	s0 =	sadd.s32 @!p0 $0x100000, s0;
	[bflag:$0x2] =	sbarrier.arrive $0xFFFF  }
0x36: {  	[sflag:s0] =	ssyncadd.tile.s32 @!p0 $0x1;
	_ =	shalt  }
.Lfunc_end2:
_tile_overlayer_lowered:
.L_overlay_start_2:
0x37: {  	(tag) =	ssettag $0x2  }
0x38: {  	s0 =	rddreg [dreg:$0x0];
	s2 =	stileid.u32  }
0x39: {  	s1 =	rddreg [dreg:$0x1];
	p0 =	sne.s32 s2, $0x0  }
0x3a: {  	s3 =	rddreg [dreg:$0x2];
	[bflag:$0x3] =	sbarrier.arrive $0xFFFF;
	s2 =	simm.s32 @!p0 $0x1C02  }
0x3b: {  	[timem:s3], [sflag:s2] =	dma.local @!p0 [hbm:s0], s1  }
0x3c: {  	s0 =	simm.s32 @!p0 $0x2  }
0x3d: {  	_ =	swait.ge @!p0 [sflag:s0], s1  }
0x3e: {  	s1 =	ssub.s32 @!p0 $0x0, s1;
	[sflag:s0] =	ssyncset.done @!p0 $0x0  }
0x3f: {  	[sflag:s0] =	ssyncadd.s32 @!p0 s1  }
0x40: {  	[bflag:$0x3] =	sbarrier.arrive $0xFFFF  }
0x41: {  	_ =	shalt  }

// kernel: kernel.23.cloned.1.call-start
scs
__scs_entry_jumppad:
0x0: {  	(pc) =	sbr.rel $0x88, $3  }
0x1: {  	(tag) =	ssettag $0x0;
	lr =	simm.s32 $0x1  }
0x2: {  	[smem:$0x3F39] =	sst lr;
	_ =	strace $0xD0000000  }
0x3: {  	_ = 	snop  }
0x4: {  	_ = 	snop  }
0x5: {  	_ = 	snop  }
0x6: {  	_ = 	snop  }
0x7: {  	_ = 	snop  }
__scs_overlays_trampoline_lowered:
0x8: {  	[smem:$0x3F48] =	sst s0  }
0x9: {  	[smem:$0x3F49] =	sst s1  }
0xa: {  	[smem:$0x3F4A] =	sst s2  }
0xb: {  	[smem:$0x3F4B] =	sst s3  }
0xc: {  	[smem:$0x3F4C] =	sst s4  }
0xd: {  	[smem:$0x3F4D] =	sst s5  }
0xe: {  	[smem:$0x3F4E] =	sst s6  }
0xf: {  	[smem:$0x3F4F] =	sst s7  }
0x10: {  	[smem:$0x3F50] =	sst s8  }
0x11: {  	[smem:$0x3F51] =	sst s9;
	s0 =	simm.s32 @!p0 $0x0  }
0x12: {  	s1 =	sld [smem:$0x3F37];
	s0 =	simm.s32 @p0 $0x1  }
0x13: {  	[smem:$0x3F52] =	sst s0;
	s0 =	simm.s32 @!p1 $0x0  }
0x14: {  	s2 =	sld [smem:$0x3F36];
	s0 =	simm.s32 @p1 $0x1  }
0x15: {  	[smem:$0x3F53] =	sst s0;
	s0 =	simm.s32 @!p2 $0x0  }
0x16: {  	s3 =	sld [smem:$0x3FDB];
	s0 =	simm.s32 @p2 $0x1  }
0x17: {  	s4 =	simm.s32 $0x1BF5;
	[smem:$0x3F55] =	sst s0  }
0x18: {  	s0 =	sld [smem:$0x3F38];
	_ =	swait.ge [sflag:s4], $0x0  }
0x19: {  	s7 =	sld [smem:$0x3F39]  }
0x1a: {  	s8 =	sadd.s32 $0xFFFFE003, lr  }
0x1b: {  	s9 =	sadd.s32 $0xFFFFFEF7, lr;
	s5 =	simm.s32 $0xFFFFFFFF;
	p2 =	slt.u32 s8, $0xFFFFF086  }
0x1c: {  	p1 =	slt.u32 s9, $0xF7A;
	s5 =	simm.s32 @!p2 $0x0  }
0x1d: {  	s5 =	simm.s32 @p1 $0x1;
	p0 =	seq.s32 s7, s2  }
0x1e: {  	s7 =	smul.u32 @!p0 $0xF7A, s2;
	p2 =	seq.s32 @!p0 s5, $0x0  }
0x1f: {  	s9 =	smul.u32 $0xF7A, s1;
	s8 =	simm.s32 @!p0 $0x1BF5;
	p2 =	por !p2, p0  }
0x20: {  	[sflag:s8] =	ssyncset.s32 @!p0 $0xFFFFF086;
	s6 =	sadd.s32 @!p0 s3, s7;
	s7 =	simm.s32 @!p0 $0x108  }
0x21: {  	s3 =	sadd.s32 s3, s9;
	s6 =	sadd.s32 @!p0 $0x88, s6;
	s7 =	simm.s32 @p2 $0x1082  }
0x22: {  	[simem:s7], [sflag:s8] =	dma.local @!p0 [hbm:s6], $0xF7A  }
0x23: {  	s9 =	sor.u32 $0xD0000000, s2;
	s6 =	simm.s32 $0x108;
	_ =	swait.ge @!p0 [sflag:s8], $0x0  }
0x24: {  	s3 =	sadd.s32 $0x88, s3;
	s6 =	simm.s32 @!p1 $0x1082;
	[sflag:s4] =	ssyncset.s32 $0xFFFFF086  }
0x25: {  	[simem:s6], [sflag:s4] =	dma.local [hbm:s3], $0xF7A  }
0x26: {  	[smem:$0x3F39] =	sst s1;
	(tag) =	ssettag s2;
	_ =	strace s9  }
0x27: {  	s1 =	sld [smem:$0x3F49]  }
0x28: {  	s2 =	sld [smem:$0x3F4A]  }
0x29: {  	s4 =	sld [smem:$0x3F4C]  }
0x2a: {  	p0 =	seq.s32 s5, $0x0;
	s5 =	sld [smem:$0x3F4D]  }
0x2b: {  	s6 =	sld [smem:$0x3F4E]  }
0x2c: {  	s7 =	sld [smem:$0x3F4F]  }
0x2d: {  	s3 =	simm.s32 $0x108;
	s8 =	sld [smem:$0x3F50]  }
0x2e: {  	s3 =	simm.s32 @!p0 $0x1082;
	s9 =	sld [smem:$0x3F51]  }
0x2f: {  	lr =	sadd.s32 s0, s3;
	s0 =	sld [smem:$0x3F48]  }
0x30: {  	s3 =	sld [smem:$0x3F4B]  }
0x31: {  	[smem:$0x3F54] =	sst s10  }
0x32: {  	s10 =	sld [smem:$0x3F52];
	_ =	sdelay $0x3  }
0x33: {  	p0 =	seq.s32 s10, $0x1;
	s10 =	sld [smem:$0x3F54];
	_ =	sdelay $0x3  }
0x34: {  	[smem:$0x3F54] =	sst s10  }
0x35: {  	s10 =	sld [smem:$0x3F53];
	_ =	sdelay $0x3  }
0x36: {  	p1 =	seq.s32 s10, $0x1;
	s10 =	sld [smem:$0x3F54];
	_ =	sdelay $0x3  }
0x37: {  	[smem:$0x3F54] =	sst s10  }
0x38: {  	s10 =	sld [smem:$0x3F55]  }
0x39: {  	_ = 	snop;
	(pc) =	sbr.ind lr, $3  }
0x3a: {  	_ = 	snop  }
0x3b: {  	_ = 	snop  }
0x3c: {  	p2 =	seq.s32 s10, $0x1;
	s10 =	sld [smem:$0x3F54]  }
0x3d: {  	_ =	shalt  }
0x3e: {  	_ =	shalt  }
0x3f: {  	_ =	shalt  }
0x40: {  	_ =	shalt  }
0x41: {  	_ =	shalt  }
0x42: {  	_ =	shalt  }
0x43: {  	_ =	shalt  }
0x44: {  	_ =	shalt  }
0x45: {  	_ =	shalt  }
0x46: {  	_ =	shalt  }
0x47: {  	_ =	shalt  }
0x48: {  	_ =	shalt  }
0x49: {  	_ =	shalt  }
0x4a: {  	_ =	shalt  }
0x4b: {  	_ =	shalt  }
0x4c: {  	_ =	shalt  }
0x4d: {  	_ =	shalt  }
0x4e: {  	_ =	shalt  }
0x4f: {  	_ =	shalt  }
0x50: {  	_ =	shalt  }
0x51: {  	_ =	shalt  }
0x52: {  	_ =	shalt  }
0x53: {  	_ =	shalt  }
0x54: {  	_ =	shalt  }
0x55: {  	_ =	shalt  }
0x56: {  	_ =	shalt  }
0x57: {  	_ =	shalt  }
0x58: {  	_ =	shalt  }
0x59: {  	_ =	shalt  }
0x5a: {  	_ =	shalt  }
0x5b: {  	_ =	shalt  }
0x5c: {  	_ =	shalt  }
0x5d: {  	_ =	shalt  }
0x5e: {  	_ =	shalt  }
0x5f: {  	_ =	shalt  }
0x60: {  	_ =	shalt  }
0x61: {  	_ =	shalt  }
0x62: {  	_ =	shalt  }
0x63: {  	_ =	shalt  }
0x64: {  	_ =	shalt  }
0x65: {  	_ =	shalt  }
0x66: {  	_ =	shalt  }
0x67: {  	_ =	shalt  }
0x68: {  	_ =	shalt  }
0x69: {  	_ =	shalt  }
0x6a: {  	_ =	shalt  }
0x6b: {  	_ =	shalt  }
0x6c: {  	_ =	shalt  }
0x6d: {  	_ =	shalt  }
0x6e: {  	_ =	shalt  }
0x6f: {  	_ =	shalt  }
0x70: {  	_ =	shalt  }
0x71: {  	_ =	shalt  }
0x72: {  	_ =	shalt  }
0x73: {  	_ =	shalt  }
0x74: {  	_ =	shalt  }
0x75: {  	_ =	shalt  }
0x76: {  	_ =	shalt  }
0x77: {  	_ =	shalt  }
0x78: {  	_ =	shalt  }
0x79: {  	_ =	shalt  }
0x7a: {  	_ =	shalt  }
0x7b: {  	_ =	shalt  }
0x7c: {  	_ =	shalt  }
0x7d: {  	_ =	shalt  }
0x7e: {  	_ =	shalt  }
0x7f: {  	_ =	shalt  }
0x80: {  	_ =	shalt  }
0x81: {  	_ =	shalt  }
0x82: {  	_ =	shalt  }
0x83: {  	_ =	shalt  }
0x84: {  	_ =	shalt  }
0x85: {  	_ =	shalt  }
0x86: {  	_ =	shalt  }
0x87: {  	_ =	shalt  }
.Lfunc_end0:
.L_simem_size_0:
called_computation.6_lowered:
.L_overlay_start_0:
0x88: {  	s2 =	sld [smem:$0x3FD9]  }
0x89: {  	s3 =	sld [smem:$0x3FFE];
	_ =	sdelay $0x1  }
0x8a: {  	s1 =	srdreg.scid  }
0x8b: {  	s0 =	sand.u32 $0x1, s1  }
0x8c: {  	s14 =	sshll.u32 s0, $0xA;
	s2 =	sadd.s32 s3, s2  }
0x8d: {  	s2 =	sadd.s32 s2, s14  }
0x8e: {  	[smem:$0x3F60] =	sst s2  }
0x8f: {  	_ = 	snop  }
0x90: {  	s2 =	sld [smem:$0x3FD0];
	_ =	sdelay $0x2  }
0x91: {  	s15 =	simm.s32 $0xC;
	s4 =	simm.s32 $0x10  }
0x92: {  	[smem:s4], [sflag:s15] =	dma.local [hbm:s2], $0x1  }
0x93: {  	_ =	swait.eq [sflag:s15], $0x1  }
0x94: {  	[sflag:s15] =	ssyncset.done $0x0  }
0x95: {  	[sflag:s15] =	ssyncadd.s32 $0xFFFFFFFF  }
0x96: {  	s16 =	sld [smem:$0x11];
	(tm) =	ssettm $0x1  }
0x97: {  	s17 =	sld [smem:$0x3FFB];
	_ =	sdelay $0x3  }
0x98: {  	_ =	strace s17  }
0x99: {  	s3 =	sld [smem:$0x3FFC];
	_ =	sdelay $0x3  }
0x9a: {  	_ =	strace s3  }
0x9b: {  	s3 =	sld [smem:$0x3FFD];
	_ =	sdelay $0x3  }
0x9c: {  	_ =	strace s3  }
0x9d: {  	_ =	strace $0x8FFFFFFF  }
0x9e: {  	s18 =	sld [smem:$0x3FDB];
	_ =	sdelay $0x1  }
0x9f: {  	s19 =	simm.s32 $_scs_section_size  }
0xa0: {  	s5 =	simm.s32 $_size__tile_overlayer_lowered;
	s6 =	simm.s32 $_tile_overlayer_lowered  }
0xa1: {  	s22 =	simm.s32 $0x1BFF;
	s21 =	sshll.u32 s6, $0x1;
	s3 =	sadd.s32 s19, s18  }
0xa2: {  	s7 =	simm.s32 $0x0;
	s20 =	sshll.u32 s5, $0x1;
	s5 =	sadd.s32 s21, s3  }
0xa3: {  	[timem:s7], [sflag:s22] =	dma.local [hbm:s5], s20  }
0xa4: {  	_ =	swait.ge [sflag:s22], s20  }
0xa5: {  	s4 =	ssub.s32 $0x0, s20;
	[sflag:s22] =	ssyncset.done $0x0  }
0xa6: {  	[sflag:s22] =	ssyncadd.s32 s4;
	_ =	sdelay $0x1  }
0xa7: {  	s23 =	simm.s32 $0x1B8B  }
0xa8: {  	_ =	swait.ge [sflag:s23], $0x1  }
0xa9: {  	[sflag:s23] =	ssyncset.done $0x0  }
0xaa: {  	s25 =	simm.s32 $0x1B8E;
	s24 =	sld [smem:$0x3FFE];
	[sflag:s23] =	ssyncadd.s32 $0xFFFFFFFF  }
0xab: {  	s26 =	simm.s32 $execute0_lowered;
	[smem:$0x3FD2] =	sst s25  }
0xac: {  	s5 =	sshll.u32 s26, $0x1;
	_ =	strace $0x80000052;
	[dreg:$0x1] =	wrdreg $0xFFFFFFFF  }
0xad: {  	s28 =	simm.s32 $_size_execute0_lowered;
	s3 =	sadd.s32 s3, s5;
	[dreg:$0x0] =	wrdreg $0x0  }
0xae: {  	s5 =	sshll.u32 s28, $0x1;
	[dreg:$0x2] =	wrdreg s3  }
0xaf: {  	[dreg:$0x3] =	wrdreg s5  }
0xb0: {  	[dreg:$0x4] =	wrdreg $0xC0  }
0xb1: {  	_ =	task [dreg:s7], $0x5FFFF  }
0xb2: {  	[dreg:$0x1] =	wrdreg $0xFFFFFFFF  }
0xb3: {  	[dreg:$0x0] =	wrdreg $0x60  }
0xb4: {  	[dreg:$0x2] =	wrdreg s24  }
0xb5: {  	[dreg:$0x3] =	wrdreg s16  }
0xb6: {  	[dreg:$0x4] =	wrdreg $0x9  }
0xb7: {  	_ =	task.clear_ibuf [dreg:s7], $0x5FFFF;
	_ =	strace $0x90000052  }
0xb8: {  	s29 =	simm.s32 $0x9;
	_ =	strace $0x80000054  }
0xb9: {  	_ =	swait.ge [sflag:s29], $0x1  }
0xba: {  	[sflag:s29] =	ssyncadd.s32 $0xFFFFFFFF  }
0xbb: {  	_ =	strace $0x90000054  }
0xbc: {  	_ =	sfence  }
0xbd: {  	s30 =	sld [smem:$0x0];
	_ =	sdelay $0x2  }
0xbe: {  	s31 =	sshll.u32 s1, $0xD;
	s1 =	sshrl.u32 s1, $0x2  }
0xbf: {  	s3 =	sand.u32 $0x4000, s31;
	s1 =	sadd.s32 s1, s30  }
0xc0: {  	s0 =	sor.u32 s3, s0;
	s1 =	sshll.u32 s1, $0x11  }
0xc1: {  	s0 =	sor.u32 s1, s0  }
0xc2: {  	s0 =	sadd.s32 $0x8F2B, s0  }
0xc3: {  	[sflag:s0] =	ssyncadd.remote.s32 $0x1  }
0xc4: {  	_ =	sfence.sel $0xFFFF  }
0xc5: {  	[dreg:$0x0] =	wrdreg $0xFFFFFFFF;
	(pc) =	sbr.abs _section_cstart, $3  }
0xc6: {  	[dreg:$0x1] =	wrdreg $0xFFFFFFFF  }
0xc7: {  	_ =	task.clear_ibuf [dreg:s7], $0x2FFFF;
	_ =	strace $0x9FFFFFFF  }
0xc8: {  	(tm) =	ssettm $0x7FFFFFFF  }
0xc9: {  	_ =	shalt  }
tec
execute0_lowered:
.L_overlay_start_1:
0x0: {  	(tag) =	ssettag $0x1  }
0x1: {  	s1 =	srdreg.scid;
	s5 =	rddreg [dreg:$0x0]  }
0x2: {  	s0 =	stileid.u32;
	s4 =	rddreg [dreg:$0x1];
	s2 =	simm.s32 $0x0  }
0x3: {  	s10 =	simm.s32 $0x880;
	s11 =	simm.s32 $0xC80;
	s12 =	simm.s32 $0x1480  }
0x4: {  	s13 =	simm.s32 $0x1880;
	s14 =	simm.s32 $0x2080;
	s15 =	simm.s32 $0x2480  }
0x5: {  	s16 =	simm.s32 $0x2C80;
	s17 =	simm.s32 $0x1;
	s3 =	sand.u32 $0x1, s1  }
0x6: {  	s6 =	sshll.u32 s0, $0x3;
	s1 =	rddreg [dreg:$0x2];
	s7 =	sshll.u32 s3, $0x2  }
0x7: {  	[smem:$0x7FF] =	sst s2;
	s8 =	ssub.s32 $0x2, s3;
	s6 =	sor.u32 s7, s6  }
0x8: {  	_ =	strace $0x80000053;
	s9 =	sshrl.u32 s8, $0x1;
	s7 =	smul.u32 $0x180, s6  }
0x9: {  	v2 =	vlaneseq.u32;
	s3 =	sadd.s32 $0x65800, s5;
	s8 =	ssub.s32 s8, s9;
	s4 =	sadd.s32 s4, s6  }
0xa: {  	vm0 =	vmmov $0xffff;
	vm1 =	vmmov $0xff;
	v1 =	vshrl.u32 v2, $0x3;
	s9 =	simm.s32 $0x80;
	s7 =	sadd.s32 s7, s5;
	s5 =	sadd.s32 $0x65900, s5  }
0xb: {  	v0 =	vand.u32 $0x7, v2;
	v2 =	vor.u32 $0x8, v2;
	v1 =	vmul.u32 $0x8, v1;
	s6 =	sadd.s32 $0x54A00, s7;
	s7 =	smax.u32 s8, $0x1;
	s8 =	simm.s32 $0x2  }
.LBB2_1:
0xc: {  	[tilespmem:s2], [sflag:$0x2] =	stream.linear.gather [hbm4b:s4+s2], $0x20, $0x38;
	[tilespmem:$0x3080] =	vst v63  }
0xd: {  	_ =	swait.ge [sflag:s8], $0x20  }
0xe: {  	[sflag:s8] =	ssyncset.done $0x0  }
0xf: {  	[sflag:s8] =	ssyncadd.s32 $0xFFFFFFE0  }
0x10: {  	v3 =	vld [tilespmem:$0x0];
	_ =	sdelay $0x4  }
0x11: {  	v4 =	vshrl.u32 v3, $0x3  }
0x12: {  	v4 =	vmul.u32 $0x18, v4  }
0x13: {  	v3 =	vand.u32 $0x7, v3  }
0x14: {  	v3 =	vor.u32 v3, v4  }
0x15: {  	v4 =	vperm.xlane v3, v0;
	_ =	sdelay $0x1  }
0x16: {  	v4 =	vadd.s32 v1, v4;
	_ =	sdelay $0x1  }
0x17: {  	v3 =	vperm.xlane v3, v2;
	_ =	sdelay $0x1  }
0x18: {  	v3 =	vadd.s32 v1, v3  }
0x19: {  	[tilespmem:s9], [sflag:$0x1] =	stream.indirect_vreg.gather [hbm4b:s3+s2], $0x80, v4, vm0, $0xb8;
	[tilespmem:$0x3080] =	vst v63  }
0x1a: {  	_ = 	snop  }
0x1b: {  	[tilespmem:s10], [sflag:$0x1] =	stream.indirect_vreg.gather [hbm4b:s5+s2], $0x80, v4, vm1, $0xb8;
	[tilespmem:$0x3080] =	vst v63  }
0x1c: {  	_ = 	snop  }
0x1d: {  	[tilespmem:s11], [sflag:$0x1] =	stream.indirect_vreg.gather [hbm4b:s3+s2], $0x80, v3, vm0, $0xb8;
	[tilespmem:$0x3080] =	vst v63  }
0x1e: {  	_ = 	snop  }
0x1f: {  	[tilespmem:s12], [sflag:$0x1] =	stream.indirect_vreg.gather [hbm4b:s5+s2], $0x80, v3, vm1, $0xb8;
	[tilespmem:$0x3080] =	vst v63  }
0x20: {  	v3 =	vld [tilespmem:$0x10];
	_ =	sdelay $0x4  }
0x21: {  	v63 =	vshrl.u32 v3, $0x3  }
0x22: {  	v4 =	vmul.u32 $0x18, v63  }
0x23: {  	v3 =	vand.u32 $0x7, v3  }
0x24: {  	v3 =	vor.u32 v3, v4  }
0x25: {  	v4 =	vperm.xlane v3, v0;
	_ =	sdelay $0x1  }
0x26: {  	v4 =	vadd.s32 v1, v4;
	_ =	sdelay $0x1  }
0x27: {  	v3 =	vperm.xlane v3, v2;
	_ =	sdelay $0x1  }
0x28: {  	v3 =	vadd.s32 v1, v3  }
0x29: {  	[tilespmem:s13], [sflag:$0x1] =	stream.indirect_vreg.gather [hbm4b:s3+s2], $0x80, v4, vm0, $0xb8;
	[tilespmem:$0x3080] =	vst v63  }
0x2a: {  	_ = 	snop  }
0x2b: {  	[tilespmem:s14], [sflag:$0x1] =	stream.indirect_vreg.gather [hbm4b:s5+s2], $0x80, v4, vm1, $0xb8;
	[tilespmem:$0x3080] =	vst v63  }
0x2c: {  	_ = 	snop  }
0x2d: {  	[tilespmem:s15], [sflag:$0x1] =	stream.indirect_vreg.gather [hbm4b:s3+s2], $0x80, v3, vm0, $0xb8;
	[tilespmem:$0x3080] =	vst v63  }
0x2e: {  	_ = 	snop  }
0x2f: {  	[tilespmem:s16], [sflag:$0x1] =	stream.indirect_vreg.gather [hbm4b:s5+s2], $0x80, v3, vm1, $0xb8;
	[tilespmem:$0x3080] =	vst v63  }
0x30: {  	_ =	swait.ge [sflag:s17], $0x3000  }
0x31: {  	p0 =	sne.s32 s7, $0x1;
	[sflag:s17] =	ssyncset.done $0x0  }
.Ltmp0:
0x32: {  	[sflag:s17] =	ssyncadd.s32 $0xFFFFD000;
	(pc) =	sbr.rel @p0 .LBB2_1-.Ltmp0, $4  }
0x33: {  	[hbm4b:s6+s2] =	stream.linear.scatter [tilespmem:s9], [sflag:$0x2], $0x3000, $0x38;
	[tilespmem:$0x3080] =	vst v63  }
0x34: {  	_ =	swait.ge [sflag:s8], $0x3000  }
0x35: {  	[sflag:s8] =	ssyncset.done $0x0  }
0x36: {  	s7 =	sadd.s32 $0xFFFFFFFF, s7;
	[sflag:s8] =	ssyncadd.s32 $0xFFFFD000  }
0x37: {  	_ =	sfence.sel $0x180000  }
0x38: {  	[bflag:$0x0] =	sbarrier.arrive $0xFFFF  }
0x39: {  	p0 =	sne.s32 s0, $0x0;
	_ =	strace $0x90000053  }
0x3a: {  	s0 =	sadd.s32 @!p0 $0x100000, s1;
	[bflag:$0x2] =	sbarrier.arrive $0xFFFF  }
0x3b: {  	[sflag:s0] =	ssyncadd.tile.s32 @!p0 $0x1;
	_ =	shalt  }
.Lfunc_end2:
_tile_overlayer_lowered:
.L_overlay_start_2:
0x3c: {  	(tag) =	ssettag $0x2  }
0x3d: {  	s0 =	rddreg [dreg:$0x0];
	s2 =	stileid.u32  }
0x3e: {  	s1 =	rddreg [dreg:$0x1];
	p0 =	sne.s32 s2, $0x0  }
0x3f: {  	s3 =	rddreg [dreg:$0x2];
	[bflag:$0x3] =	sbarrier.arrive $0xFFFF;
	s2 =	simm.s32 @!p0 $0x1C02  }
0x40: {  	[timem:s3], [sflag:s2] =	dma.local @!p0 [hbm:s0], s1  }
0x41: {  	s0 =	simm.s32 @!p0 $0x2  }
0x42: {  	_ =	swait.ge @!p0 [sflag:s0], s1  }
0x43: {  	s1 =	ssub.s32 @!p0 $0x0, s1;
	[sflag:s0] =	ssyncset.done @!p0 $0x0  }
0x44: {  	[sflag:s0] =	ssyncadd.s32 @!p0 s1  }
0x45: {  	[bflag:$0x3] =	sbarrier.arrive $0xFFFF  }
0x46: {  	_ =	shalt  }

// kernel: kernel.26.cloned.1.call-start
scs
__scs_entry_jumppad:
0x0: {  	(pc) =	sbr.rel $0x88, $3  }
0x1: {  	(tag) =	ssettag $0x0;
	lr =	simm.s32 $0x1  }
0x2: {  	[smem:$0x3F39] =	sst lr;
	_ =	strace $0xD0000000  }
0x3: {  	_ = 	snop  }
0x4: {  	_ = 	snop  }
0x5: {  	_ = 	snop  }
0x6: {  	_ = 	snop  }
0x7: {  	_ = 	snop  }
__scs_overlays_trampoline_lowered:
0x8: {  	[smem:$0x3F48] =	sst s0  }
0x9: {  	[smem:$0x3F49] =	sst s1  }
0xa: {  	[smem:$0x3F4A] =	sst s2  }
0xb: {  	[smem:$0x3F4B] =	sst s3  }
0xc: {  	[smem:$0x3F4C] =	sst s4  }
0xd: {  	[smem:$0x3F4D] =	sst s5  }
0xe: {  	[smem:$0x3F4E] =	sst s6  }
0xf: {  	[smem:$0x3F4F] =	sst s7  }
0x10: {  	[smem:$0x3F50] =	sst s8  }
0x11: {  	[smem:$0x3F51] =	sst s9;
	s0 =	simm.s32 @!p0 $0x0  }
0x12: {  	s1 =	sld [smem:$0x3F37];
	s0 =	simm.s32 @p0 $0x1  }
0x13: {  	[smem:$0x3F52] =	sst s0;
	s0 =	simm.s32 @!p1 $0x0  }
0x14: {  	s2 =	sld [smem:$0x3F36];
	s0 =	simm.s32 @p1 $0x1  }
0x15: {  	[smem:$0x3F53] =	sst s0;
	s0 =	simm.s32 @!p2 $0x0  }
0x16: {  	s3 =	sld [smem:$0x3FDB];
	s0 =	simm.s32 @p2 $0x1  }
0x17: {  	s4 =	simm.s32 $0x1BF5;
	[smem:$0x3F55] =	sst s0  }
0x18: {  	s0 =	sld [smem:$0x3F38];
	_ =	swait.ge [sflag:s4], $0x0  }
0x19: {  	s7 =	sld [smem:$0x3F39]  }
0x1a: {  	s8 =	sadd.s32 $0xFFFFE003, lr  }
0x1b: {  	s9 =	sadd.s32 $0xFFFFFEF7, lr;
	s5 =	simm.s32 $0xFFFFFFFF;
	p2 =	slt.u32 s8, $0xFFFFF086  }
0x1c: {  	p1 =	slt.u32 s9, $0xF7A;
	s5 =	simm.s32 @!p2 $0x0  }
0x1d: {  	s5 =	simm.s32 @p1 $0x1;
	p0 =	seq.s32 s7, s2  }
0x1e: {  	s7 =	smul.u32 @!p0 $0xF7A, s2;
	p2 =	seq.s32 @!p0 s5, $0x0  }
0x1f: {  	s9 =	smul.u32 $0xF7A, s1;
	s8 =	simm.s32 @!p0 $0x1BF5;
	p2 =	por !p2, p0  }
0x20: {  	[sflag:s8] =	ssyncset.s32 @!p0 $0xFFFFF086;
	s6 =	sadd.s32 @!p0 s3, s7;
	s7 =	simm.s32 @!p0 $0x108  }
0x21: {  	s3 =	sadd.s32 s3, s9;
	s6 =	sadd.s32 @!p0 $0x88, s6;
	s7 =	simm.s32 @p2 $0x1082  }
0x22: {  	[simem:s7], [sflag:s8] =	dma.local @!p0 [hbm:s6], $0xF7A  }
0x23: {  	s9 =	sor.u32 $0xD0000000, s2;
	s6 =	simm.s32 $0x108;
	_ =	swait.ge @!p0 [sflag:s8], $0x0  }
0x24: {  	s3 =	sadd.s32 $0x88, s3;
	s6 =	simm.s32 @!p1 $0x1082;
	[sflag:s4] =	ssyncset.s32 $0xFFFFF086  }
0x25: {  	[simem:s6], [sflag:s4] =	dma.local [hbm:s3], $0xF7A  }
0x26: {  	[smem:$0x3F39] =	sst s1;
	(tag) =	ssettag s2;
	_ =	strace s9  }
0x27: {  	s1 =	sld [smem:$0x3F49]  }
0x28: {  	s2 =	sld [smem:$0x3F4A]  }
0x29: {  	s4 =	sld [smem:$0x3F4C]  }
0x2a: {  	p0 =	seq.s32 s5, $0x0;
	s5 =	sld [smem:$0x3F4D]  }
0x2b: {  	s6 =	sld [smem:$0x3F4E]  }
0x2c: {  	s7 =	sld [smem:$0x3F4F]  }
0x2d: {  	s3 =	simm.s32 $0x108;
	s8 =	sld [smem:$0x3F50]  }
0x2e: {  	s3 =	simm.s32 @!p0 $0x1082;
	s9 =	sld [smem:$0x3F51]  }
0x2f: {  	lr =	sadd.s32 s0, s3;
	s0 =	sld [smem:$0x3F48]  }
0x30: {  	s3 =	sld [smem:$0x3F4B]  }
0x31: {  	[smem:$0x3F54] =	sst s10  }
0x32: {  	s10 =	sld [smem:$0x3F52];
	_ =	sdelay $0x3  }
0x33: {  	p0 =	seq.s32 s10, $0x1;
	s10 =	sld [smem:$0x3F54];
	_ =	sdelay $0x3  }
0x34: {  	[smem:$0x3F54] =	sst s10  }
0x35: {  	s10 =	sld [smem:$0x3F53];
	_ =	sdelay $0x3  }
0x36: {  	p1 =	seq.s32 s10, $0x1;
	s10 =	sld [smem:$0x3F54];
	_ =	sdelay $0x3  }
0x37: {  	[smem:$0x3F54] =	sst s10  }
0x38: {  	s10 =	sld [smem:$0x3F55]  }
0x39: {  	_ = 	snop;
	(pc) =	sbr.ind lr, $3  }
0x3a: {  	_ = 	snop  }
0x3b: {  	_ = 	snop  }
0x3c: {  	p2 =	seq.s32 s10, $0x1;
	s10 =	sld [smem:$0x3F54]  }
0x3d: {  	_ =	shalt  }
0x3e: {  	_ =	shalt  }
0x3f: {  	_ =	shalt  }
0x40: {  	_ =	shalt  }
0x41: {  	_ =	shalt  }
0x42: {  	_ =	shalt  }
0x43: {  	_ =	shalt  }
0x44: {  	_ =	shalt  }
0x45: {  	_ =	shalt  }
0x46: {  	_ =	shalt  }
0x47: {  	_ =	shalt  }
0x48: {  	_ =	shalt  }
0x49: {  	_ =	shalt  }
0x4a: {  	_ =	shalt  }
0x4b: {  	_ =	shalt  }
0x4c: {  	_ =	shalt  }
0x4d: {  	_ =	shalt  }
0x4e: {  	_ =	shalt  }
0x4f: {  	_ =	shalt  }
0x50: {  	_ =	shalt  }
0x51: {  	_ =	shalt  }
0x52: {  	_ =	shalt  }
0x53: {  	_ =	shalt  }
0x54: {  	_ =	shalt  }
0x55: {  	_ =	shalt  }
0x56: {  	_ =	shalt  }
0x57: {  	_ =	shalt  }
0x58: {  	_ =	shalt  }
0x59: {  	_ =	shalt  }
0x5a: {  	_ =	shalt  }
0x5b: {  	_ =	shalt  }
0x5c: {  	_ =	shalt  }
0x5d: {  	_ =	shalt  }
0x5e: {  	_ =	shalt  }
0x5f: {  	_ =	shalt  }
0x60: {  	_ =	shalt  }
0x61: {  	_ =	shalt  }
0x62: {  	_ =	shalt  }
0x63: {  	_ =	shalt  }
0x64: {  	_ =	shalt  }
0x65: {  	_ =	shalt  }
0x66: {  	_ =	shalt  }
0x67: {  	_ =	shalt  }
0x68: {  	_ =	shalt  }
0x69: {  	_ =	shalt  }
0x6a: {  	_ =	shalt  }
0x6b: {  	_ =	shalt  }
0x6c: {  	_ =	shalt  }
0x6d: {  	_ =	shalt  }
0x6e: {  	_ =	shalt  }
0x6f: {  	_ =	shalt  }
0x70: {  	_ =	shalt  }
0x71: {  	_ =	shalt  }
0x72: {  	_ =	shalt  }
0x73: {  	_ =	shalt  }
0x74: {  	_ =	shalt  }
0x75: {  	_ =	shalt  }
0x76: {  	_ =	shalt  }
0x77: {  	_ =	shalt  }
0x78: {  	_ =	shalt  }
0x79: {  	_ =	shalt  }
0x7a: {  	_ =	shalt  }
0x7b: {  	_ =	shalt  }
0x7c: {  	_ =	shalt  }
0x7d: {  	_ =	shalt  }
0x7e: {  	_ =	shalt  }
0x7f: {  	_ =	shalt  }
0x80: {  	_ =	shalt  }
0x81: {  	_ =	shalt  }
0x82: {  	_ =	shalt  }
0x83: {  	_ =	shalt  }
0x84: {  	_ =	shalt  }
0x85: {  	_ =	shalt  }
0x86: {  	_ =	shalt  }
0x87: {  	_ =	shalt  }
.Lfunc_end0:
.L_simem_size_0:
called_computation.7_lowered:
.L_overlay_start_0:
0x88: {  	s2 =	sld [smem:$0x3FD9]  }
0x89: {  	s3 =	sld [smem:$0x3FFE];
	_ =	sdelay $0x1  }
0x8a: {  	s1 =	srdreg.scid  }
0x8b: {  	s0 =	sand.u32 $0x1, s1  }
0x8c: {  	s16 =	sshll.u32 s0, $0xA;
	s2 =	sadd.s32 s3, s2  }
0x8d: {  	s2 =	sadd.s32 s2, s16  }
0x8e: {  	[smem:$0x3F60] =	sst s2  }
0x8f: {  	_ = 	snop  }
0x90: {  	(tm) =	ssettm $0x1  }
0x91: {  	s17 =	sld [smem:$0x3FFB];
	_ =	sdelay $0x3  }
0x92: {  	_ =	strace s17  }
0x93: {  	s2 =	sld [smem:$0x3FFC];
	_ =	sdelay $0x3  }
0x94: {  	_ =	strace s2  }
0x95: {  	s2 =	sld [smem:$0x3FFD];
	_ =	sdelay $0x3  }
0x96: {  	_ =	strace s2  }
0x97: {  	_ =	strace $0x8FFFFFFF  }
0x98: {  	s18 =	sld [smem:$0x3FDB];
	_ =	sdelay $0x1  }
0x99: {  	s19 =	simm.s32 $_scs_section_size  }
0x9a: {  	s4 =	simm.s32 $_size__tile_overlayer_lowered;
	s5 =	simm.s32 $_tile_overlayer_lowered  }
0x9b: {  	s22 =	simm.s32 $0x1BFF;
	s21 =	sshll.u32 s5, $0x1;
	s2 =	sadd.s32 s19, s18  }
0x9c: {  	s6 =	simm.s32 $0x0;
	s20 =	sshll.u32 s4, $0x1;
	s4 =	sadd.s32 s21, s2  }
0x9d: {  	[timem:s6], [sflag:s22] =	dma.local [hbm:s4], s20  }
0x9e: {  	_ =	swait.ge [sflag:s22], s20  }
0x9f: {  	s3 =	ssub.s32 $0x0, s20;
	[sflag:s22] =	ssyncset.done $0x0  }
0xa0: {  	[sflag:s22] =	ssyncadd.s32 s3;
	_ =	sdelay $0x1  }
0xa1: {  	s23 =	simm.s32 $0x1B8B  }
0xa2: {  	_ =	swait.ge [sflag:s23], $0x1  }
0xa3: {  	[sflag:s23] =	ssyncset.done $0x0  }
0xa4: {  	s25 =	simm.s32 $0x1B8E;
	s24 =	sld [smem:$0x3FFE];
	[sflag:s23] =	ssyncadd.s32 $0xFFFFFFFF  }
0xa5: {  	s26 =	simm.s32 $execute0_lowered;
	[smem:$0x3FD2] =	sst s25  }
0xa6: {  	s4 =	sshll.u32 s26, $0x1;
	_ =	strace $0x80000055;
	[dreg:$0x1] =	wrdreg $0xFFFFFFFF  }
0xa7: {  	s28 =	simm.s32 $_size_execute0_lowered;
	s2 =	sadd.s32 s2, s4;
	[dreg:$0x0] =	wrdreg $0x0  }
0xa8: {  	s4 =	sshll.u32 s28, $0x1;
	[dreg:$0x2] =	wrdreg s2  }
0xa9: {  	[dreg:$0x3] =	wrdreg s4  }
0xaa: {  	[dreg:$0x4] =	wrdreg $0xC0  }
0xab: {  	_ =	task [dreg:s6], $0x5FFFF  }
0xac: {  	[dreg:$0x1] =	wrdreg $0xFFFFFFFF  }
0xad: {  	[dreg:$0x0] =	wrdreg $0x60  }
0xae: {  	[dreg:$0x2] =	wrdreg s24  }
0xaf: {  	[dreg:$0x3] =	wrdreg $0x9  }
0xb0: {  	_ =	task.clear_ibuf [dreg:s6], $0x4FFFF;
	_ =	strace $0x90000055  }
0xb1: {  	s29 =	simm.s32 $0x9;
	_ =	strace $0x80000057  }
0xb2: {  	_ =	swait.ge [sflag:s29], $0x1  }
0xb3: {  	[sflag:s29] =	ssyncadd.s32 $0xFFFFFFFF  }
0xb4: {  	_ =	strace $0x90000057  }
0xb5: {  	_ =	sfence  }
0xb6: {  	s30 =	sld [smem:$0x0];
	_ =	sdelay $0x2  }
0xb7: {  	s31 =	sshll.u32 s1, $0xD;
	s1 =	sshrl.u32 s1, $0x2  }
0xb8: {  	s3 =	sand.u32 $0x4000, s31;
	s1 =	sadd.s32 s1, s30  }
0xb9: {  	s0 =	sor.u32 s3, s0;
	s1 =	sshll.u32 s1, $0x11  }
0xba: {  	s0 =	sor.u32 s1, s0  }
0xbb: {  	s0 =	sadd.s32 $0x8F2B, s0  }
0xbc: {  	[sflag:s0] =	ssyncadd.remote.s32 $0x1  }
0xbd: {  	_ =	sfence.sel $0xFFFF  }
0xbe: {  	[dreg:$0x0] =	wrdreg $0xFFFFFFFF;
	(pc) =	sbr.abs _section_cstart, $3  }
0xbf: {  	[dreg:$0x1] =	wrdreg $0xFFFFFFFF  }
0xc0: {  	_ =	task.clear_ibuf [dreg:s6], $0x2FFFF;
	_ =	strace $0x9FFFFFFF  }
0xc1: {  	(tm) =	ssettm $0x7FFFFFFF  }
tec
execute0_lowered:
.L_overlay_start_1:
0x0: {  	(tag) =	ssettag $0x1  }
0x1: {  	s0 =	rddreg [dreg:$0x0]  }
0x2: {  	s5 =	stileid.u32;
	s1 =	srdreg.scid  }
0x3: {  	s2 =	simm.s32 $0x0;
	s14 =	simm.s32 $0x880;
	s15 =	simm.s32 $0xC80  }
0x4: {  	s17 =	simm.s32 $0x1480;
	s18 =	simm.s32 $0x1880;
	s19 =	simm.s32 $0x2080  }
0x5: {  	s20 =	simm.s32 $0x2480;
	s21 =	simm.s32 $0x2C80;
	[smem:$0x7FF] =	sst s2  }
0x6: {  	s22 =	simm.s32 $0x3080;
	_ =	strace $0x80000056;
	[dreg:$0x3] =	wrdreg s14  }
0x7: {  	s23 =	simm.s32 $0x3880;
	s25 =	simm.s32 $0x3C80;
	[dreg:$0x4] =	wrdreg s15  }
0x8: {  	s26 =	simm.s32 $0x4480;
	s8 =	simm.s32 $0x80;
	[dreg:$0x5] =	wrdreg s17  }
0x9: {  	s9 =	simm.s32 $0x4880;
	s10 =	simm.s32 $0x5080;
	[dreg:$0x6] =	wrdreg s18  }
0xa: {  	s11 =	simm.s32 $0x5480;
	s28 =	simm.s32 $0xB480;
	[dreg:$0x7] =	wrdreg s19  }
0xb: {  	s29 =	simm.s32 $0xBC80;
	s30 =	simm.s32 $0x1;
	[dreg:$0x8] =	wrdreg s20  }
0xc: {  	s31 =	simm.s32 $0x0;
	s3 =	sshll.u32 s5, $0x9;
	[dreg:$0x9] =	wrdreg s21  }
0xd: {  	s1 =	sand.u32 $0x1, s1;
	s12 =	smul.u32 $0x30000, s5;
	[dreg:$0xa] =	wrdreg s22  }
0xe: {  	s3 =	sadd.s32 s3, s0;
	s4 =	sshll.u32 s1, $0x8;
	[dreg:$0xb] =	wrdreg s23  }
0xf: {  	s16 =	ssub.s32 $0x2, s1;
	s1 =	smul.u32 $0x18000, s1;
	[dreg:$0xc] =	wrdreg s25  }
0x10: {  	[dreg:$0xd] =	wrdreg s26;
	s14 =	simm.s32 $0x6880;
	s15 =	simm.s32 $0x6C80  }
0x11: {  	s17 =	simm.s32 $0x7880;
	s18 =	simm.s32 $0x8080;
	s19 =	simm.s32 $0x8480  }
0x12: {  	s20 =	simm.s32 $0x8C80;
	s21 =	simm.s32 $0x9080;
	s22 =	simm.s32 $0x9880  }
0x13: {  	s23 =	simm.s32 $0x9C80;
	s25 =	simm.s32 $0xA880;
	s26 =	simm.s32 $0xB080  }
0x14: {  	s3 =	sadd.s32 s4, s3;
	s6 =	sadd.s32 s12, s0;
	s7 =	sshrl.u32 s16, $0x1  }
0x15: {  	s4 =	sadd.s32 $0x65900, s0;
	s12 =	simm.s32 $0x5C80;
	s13 =	sadd.s32 $0x60C00, s3  }
0x16: {  	s3 =	sadd.s32 $0x65800, s0;
	s5 =	ssub.s32 s16, s7;
	s1 =	sadd.s32 s1, s6  }
0x17: {  	v2 =	vlaneseq.u32;
	s7 =	simm.s32 $0x2;
	[dreg:$0x2] =	wrdreg s13;
	s5 =	smax.u32 s5, $0x1  }
0x18: {  	vm0 =	vmmov $0xffff;
	vm1 =	vmmov $0xff;
	v1 =	vshrl.u32 v2, $0x3;
	s16 =	simm.s32 $0x7480;
	s24 =	sadd.s32 $0x465400, s1;
	[dreg:$0xe] =	wrdreg s5  }
0x19: {  	v0 =	vand.u32 $0x7, v2;
	v2 =	vor.u32 $0x8, v2;
	v1 =	vmul.u32 $0x8, v1;
	s13 =	simm.s32 $0x6080;
	[dreg:$0xf] =	wrdreg s24;
	s24 =	simm.s32 $0xA480  }
.LBB2_1:
0x1a: {  	s6 =	rddreg [dreg:$0xf];
	s1 =	simm.s32 $0x0  }
.LBB2_2:
0x1b: {  	s5 =	rddreg [dreg:$0x2]  }
0x1c: {  	s5 =	sadd.s32 s1, s5  }
0x1d: {  	[tilespmem:s2], [sflag:$0x2] =	stream.linear.gather [hbm4b:s5+s2], $0x80, $0x38;
	[tilespmem:$0xC080] =	vst v63  }
0x1e: {  	_ =	swait.ge [sflag:s7], $0x80  }
0x1f: {  	[sflag:s7] =	ssyncset.done $0x0  }
0x20: {  	[sflag:s7] =	ssyncadd.s32 $0xFFFFFF80  }
0x21: {  	v3 =	vld [tilespmem:$0x0];
	_ =	sdelay $0x4  }
0x22: {  	v4 =	vshrl.u32 v3, $0x3  }
0x23: {  	v4 =	vmul.u32 $0x18, v4  }
0x24: {  	v3 =	vand.u32 $0x7, v3  }
0x25: {  	v3 =	vor.u32 v3, v4  }
0x26: {  	v4 =	vperm.xlane v3, v0;
	_ =	sdelay $0x1  }
0x27: {  	v4 =	vadd.s32 v1, v4;
	_ =	sdelay $0x1  }
0x28: {  	v3 =	vperm.xlane v3, v2;
	_ =	sdelay $0x1  }
0x29: {  	v3 =	vadd.s32 v1, v3  }
0x2a: {  	[tilespmem:s8], [sflag:$0x1] =	stream.indirect_vreg.gather [hbm4b:s3+s2], $0x80, v4, vm0, $0xb8;
	[tilespmem:$0xC080] =	vst v63  }
0x2b: {  	s5 =	rddreg [dreg:$0x3]  }
0x2c: {  	[tilespmem:s5], [sflag:$0x1] =	stream.indirect_vreg.gather [hbm4b:s4+s2], $0x80, v4, vm1, $0xb8;
	[tilespmem:$0xC080] =	vst v63  }
0x2d: {  	s0 =	rddreg [dreg:$0x4]  }
0x2e: {  	[tilespmem:s0], [sflag:$0x1] =	stream.indirect_vreg.gather [hbm4b:s3+s2], $0x80, v3, vm0, $0xb8;
	[tilespmem:$0xC080] =	vst v63  }
0x2f: {  	s5 =	rddreg [dreg:$0x5]  }
0x30: {  	[tilespmem:s5], [sflag:$0x1] =	stream.indirect_vreg.gather [hbm4b:s4+s2], $0x80, v3, vm1, $0xb8;
	[tilespmem:$0xC080] =	vst v63  }
0x31: {  	v3 =	vld [tilespmem:$0x10];
	_ =	sdelay $0x4  }
0x32: {  	v57 =	vshrl.u32 v3, $0x3  }
0x33: {  	v4 =	vmul.u32 $0x18, v57  }
0x34: {  	v3 =	vand.u32 $0x7, v3  }
0x35: {  	v3 =	vor.u32 v3, v4  }
0x36: {  	v4 =	vperm.xlane v3, v0;
	_ =	sdelay $0x1  }
0x37: {  	v4 =	vadd.s32 v1, v4;
	_ =	sdelay $0x1  }
0x38: {  	v3 =	vperm.xlane v3, v2;
	_ =	sdelay $0x1  }
0x39: {  	s0 =	rddreg [dreg:$0x6];
	v3 =	vadd.s32 v1, v3  }
0x3a: {  	[tilespmem:s0], [sflag:$0x1] =	stream.indirect_vreg.gather [hbm4b:s3+s2], $0x80, v4, vm0, $0xb8;
	[tilespmem:$0xC080] =	vst v63  }
0x3b: {  	s5 =	rddreg [dreg:$0x7]  }
0x3c: {  	[tilespmem:s5], [sflag:$0x1] =	stream.indirect_vreg.gather [hbm4b:s4+s2], $0x80, v4, vm1, $0xb8;
	[tilespmem:$0xC080] =	vst v63  }
0x3d: {  	s0 =	rddreg [dreg:$0x8]  }
0x3e: {  	[tilespmem:s0], [sflag:$0x1] =	stream.indirect_vreg.gather [hbm4b:s3+s2], $0x80, v3, vm0, $0xb8;
	[tilespmem:$0xC080] =	vst v63  }
0x3f: {  	s5 =	rddreg [dreg:$0x9]  }
0x40: {  	[tilespmem:s5], [sflag:$0x1] =	stream.indirect_vreg.gather [hbm4b:s4+s2], $0x80, v3, vm1, $0xb8;
	[tilespmem:$0xC080] =	vst v63  }
0x41: {  	v3 =	vld [tilespmem:$0x20];
	_ =	sdelay $0x4  }
0x42: {  	v58 =	vshrl.u32 v3, $0x3  }
0x43: {  	v4 =	vmul.u32 $0x18, v58  }
0x44: {  	v3 =	vand.u32 $0x7, v3  }
0x45: {  	v3 =	vor.u32 v3, v4  }
0x46: {  	v4 =	vperm.xlane v3, v0;
	_ =	sdelay $0x1  }
0x47: {  	v4 =	vadd.s32 v1, v4;
	_ =	sdelay $0x1  }
0x48: {  	v3 =	vperm.xlane v3, v2;
	_ =	sdelay $0x1  }
0x49: {  	s0 =	rddreg [dreg:$0xa];
	v3 =	vadd.s32 v1, v3  }
0x4a: {  	[tilespmem:s0], [sflag:$0x1] =	stream.indirect_vreg.gather [hbm4b:s3+s2], $0x80, v4, vm0, $0xb8;
	[tilespmem:$0xC080] =	vst v63  }
0x4b: {  	s5 =	rddreg [dreg:$0xb]  }
0x4c: {  	[tilespmem:s5], [sflag:$0x1] =	stream.indirect_vreg.gather [hbm4b:s4+s2], $0x80, v4, vm1, $0xb8;
	[tilespmem:$0xC080] =	vst v63  }
0x4d: {  	s0 =	rddreg [dreg:$0xc]  }
0x4e: {  	[tilespmem:s0], [sflag:$0x1] =	stream.indirect_vreg.gather [hbm4b:s3+s2], $0x80, v3, vm0, $0xb8;
	[tilespmem:$0xC080] =	vst v63  }
0x4f: {  	s5 =	rddreg [dreg:$0xd]  }
0x50: {  	[tilespmem:s5], [sflag:$0x1] =	stream.indirect_vreg.gather [hbm4b:s4+s2], $0x80, v3, vm1, $0xb8;
	[tilespmem:$0xC080] =	vst v63  }
0x51: {  	v3 =	vld [tilespmem:$0x30];
	_ =	sdelay $0x4  }
0x52: {  	v59 =	vshrl.u32 v3, $0x3  }
0x53: {  	v4 =	vmul.u32 $0x18, v59  }
0x54: {  	v3 =	vand.u32 $0x7, v3  }
0x55: {  	v3 =	vor.u32 v3, v4  }
0x56: {  	v4 =	vperm.xlane v3, v0;
	_ =	sdelay $0x1  }
0x57: {  	v4 =	vadd.s32 v1, v4;
	_ =	sdelay $0x1  }
0x58: {  	v3 =	vperm.xlane v3, v2;
	_ =	sdelay $0x1  }
0x59: {  	v3 =	vadd.s32 v1, v3  }
0x5a: {  	[tilespmem:s9], [sflag:$0x1] =	stream.indirect_vreg.gather [hbm4b:s3+s2], $0x80, v4, vm0, $0xb8;
	[tilespmem:$0xC080] =	vst v63  }
0x5b: {  	_ = 	snop  }
0x5c: {  	[tilespmem:s10], [sflag:$0x1] =	stream.indirect_vreg.gather [hbm4b:s4+s2], $0x80, v4, vm1, $0xb8;
	[tilespmem:$0xC080] =	vst v63  }
0x5d: {  	_ = 	snop  }
0x5e: {  	[tilespmem:s11], [sflag:$0x1] =	stream.indirect_vreg.gather [hbm4b:s3+s2], $0x80, v3, vm0, $0xb8;
	[tilespmem:$0xC080] =	vst v63  }
0x5f: {  	_ = 	snop  }
0x60: {  	[tilespmem:s12], [sflag:$0x1] =	stream.indirect_vreg.gather [hbm4b:s4+s2], $0x80, v3, vm1, $0xb8;
	[tilespmem:$0xC080] =	vst v63  }
0x61: {  	v3 =	vld [tilespmem:$0x40];
	_ =	sdelay $0x4  }
0x62: {  	v60 =	vshrl.u32 v3, $0x3  }
0x63: {  	v4 =	vmul.u32 $0x18, v60  }
0x64: {  	v3 =	vand.u32 $0x7, v3  }
0x65: {  	v3 =	vor.u32 v3, v4  }
0x66: {  	v4 =	vperm.xlane v3, v0;
	_ =	sdelay $0x1  }
0x67: {  	v4 =	vadd.s32 v1, v4;
	_ =	sdelay $0x1  }
0x68: {  	v3 =	vperm.xlane v3, v2;
	_ =	sdelay $0x1  }
0x69: {  	v3 =	vadd.s32 v1, v3  }
0x6a: {  	[tilespmem:s13], [sflag:$0x1] =	stream.indirect_vreg.gather [hbm4b:s3+s2], $0x80, v4, vm0, $0xb8;
	[tilespmem:$0xC080] =	vst v63  }
0x6b: {  	_ = 	snop  }
0x6c: {  	[tilespmem:s14], [sflag:$0x1] =	stream.indirect_vreg.gather [hbm4b:s4+s2], $0x80, v4, vm1, $0xb8;
	[tilespmem:$0xC080] =	vst v63  }
0x6d: {  	_ = 	snop  }
0x6e: {  	[tilespmem:s15], [sflag:$0x1] =	stream.indirect_vreg.gather [hbm4b:s3+s2], $0x80, v3, vm0, $0xb8;
	[tilespmem:$0xC080] =	vst v63  }
0x6f: {  	_ = 	snop  }
0x70: {  	[tilespmem:s16], [sflag:$0x1] =	stream.indirect_vreg.gather [hbm4b:s4+s2], $0x80, v3, vm1, $0xb8;
	[tilespmem:$0xC080] =	vst v63  }
0x71: {  	v3 =	vld [tilespmem:$0x50];
	_ =	sdelay $0x4  }
0x72: {  	v61 =	vshrl.u32 v3, $0x3  }
0x73: {  	v4 =	vmul.u32 $0x18, v61  }
0x74: {  	v3 =	vand.u32 $0x7, v3  }
0x75: {  	v3 =	vor.u32 v3, v4  }
0x76: {  	v4 =	vperm.xlane v3, v0;
	_ =	sdelay $0x1  }
0x77: {  	v4 =	vadd.s32 v1, v4;
	_ =	sdelay $0x1  }
0x78: {  	v3 =	vperm.xlane v3, v2;
	_ =	sdelay $0x1  }
0x79: {  	v3 =	vadd.s32 v1, v3  }
0x7a: {  	[tilespmem:s17], [sflag:$0x1] =	stream.indirect_vreg.gather [hbm4b:s3+s2], $0x80, v4, vm0, $0xb8;
	[tilespmem:$0xC080] =	vst v63  }
0x7b: {  	_ = 	snop  }
0x7c: {  	[tilespmem:s18], [sflag:$0x1] =	stream.indirect_vreg.gather [hbm4b:s4+s2], $0x80, v4, vm1, $0xb8;
	[tilespmem:$0xC080] =	vst v63  }
0x7d: {  	_ = 	snop  }
0x7e: {  	[tilespmem:s19], [sflag:$0x1] =	stream.indirect_vreg.gather [hbm4b:s3+s2], $0x80, v3, vm0, $0xb8;
	[tilespmem:$0xC080] =	vst v63  }
0x7f: {  	_ = 	snop  }
0x80: {  	[tilespmem:s20], [sflag:$0x1] =	stream.indirect_vreg.gather [hbm4b:s4+s2], $0x80, v3, vm1, $0xb8;
	[tilespmem:$0xC080] =	vst v63  }
0x81: {  	v3 =	vld [tilespmem:$0x60];
	_ =	sdelay $0x4  }
0x82: {  	v62 =	vshrl.u32 v3, $0x3  }
0x83: {  	v4 =	vmul.u32 $0x18, v62  }
0x84: {  	v3 =	vand.u32 $0x7, v3  }
0x85: {  	v3 =	vor.u32 v3, v4  }
0x86: {  	v4 =	vperm.xlane v3, v0;
	_ =	sdelay $0x1  }
0x87: {  	v4 =	vadd.s32 v1, v4;
	_ =	sdelay $0x1  }
0x88: {  	v3 =	vperm.xlane v3, v2;
	_ =	sdelay $0x1  }
0x89: {  	v3 =	vadd.s32 v1, v3  }
0x8a: {  	[tilespmem:s21], [sflag:$0x1] =	stream.indirect_vreg.gather [hbm4b:s3+s2], $0x80, v4, vm0, $0xb8;
	[tilespmem:$0xC080] =	vst v63  }
0x8b: {  	_ = 	snop  }
0x8c: {  	[tilespmem:s22], [sflag:$0x1] =	stream.indirect_vreg.gather [hbm4b:s4+s2], $0x80, v4, vm1, $0xb8;
	[tilespmem:$0xC080] =	vst v63  }
0x8d: {  	_ = 	snop  }
0x8e: {  	[tilespmem:s23], [sflag:$0x1] =	stream.indirect_vreg.gather [hbm4b:s3+s2], $0x80, v3, vm0, $0xb8;
	[tilespmem:$0xC080] =	vst v63  }
0x8f: {  	_ = 	snop  }
0x90: {  	[tilespmem:s24], [sflag:$0x1] =	stream.indirect_vreg.gather [hbm4b:s4+s2], $0x80, v3, vm1, $0xb8;
	[tilespmem:$0xC080] =	vst v63  }
0x91: {  	v3 =	vld [tilespmem:$0x70];
	_ =	sdelay $0x4  }
0x92: {  	v63 =	vshrl.u32 v3, $0x3  }
0x93: {  	v4 =	vmul.u32 $0x18, v63  }
0x94: {  	v3 =	vand.u32 $0x7, v3  }
0x95: {  	v3 =	vor.u32 v3, v4  }
0x96: {  	v4 =	vperm.xlane v3, v0;
	_ =	sdelay $0x1  }
0x97: {  	v4 =	vadd.s32 v1, v4;
	_ =	sdelay $0x1  }
0x98: {  	v3 =	vperm.xlane v3, v2;
	_ =	sdelay $0x1  }
0x99: {  	v3 =	vadd.s32 v1, v3  }
0x9a: {  	[tilespmem:s25], [sflag:$0x1] =	stream.indirect_vreg.gather [hbm4b:s3+s2], $0x80, v4, vm0, $0xb8;
	[tilespmem:$0xC080] =	vst v63  }
0x9b: {  	_ = 	snop  }
0x9c: {  	[tilespmem:s26], [sflag:$0x1] =	stream.indirect_vreg.gather [hbm4b:s4+s2], $0x80, v4, vm1, $0xb8;
	[tilespmem:$0xC080] =	vst v63  }
0x9d: {  	_ = 	snop  }
0x9e: {  	[tilespmem:s28], [sflag:$0x1] =	stream.indirect_vreg.gather [hbm4b:s3+s2], $0x80, v3, vm0, $0xb8;
	[tilespmem:$0xC080] =	vst v63  }
0x9f: {  	_ = 	snop  }
0xa0: {  	[tilespmem:s29], [sflag:$0x1] =	stream.indirect_vreg.gather [hbm4b:s4+s2], $0x80, v3, vm1, $0xb8;
	[tilespmem:$0xC080] =	vst v63  }
0xa1: {  	_ =	swait.ge [sflag:s30], $0xC000  }
0xa2: {  	p0 =	sne.s32 s1, $0xF0;
	[sflag:s30] =	ssyncset.done $0x0  }
.Ltmp0:
0xa3: {  	[sflag:s30] =	ssyncadd.s32 $0xFFFF4000;
	(pc) =	sbr.rel @p0 .LBB2_2-.Ltmp0, $4  }
0xa4: {  	[hbm4b:s6+s2] =	stream.linear.scatter [tilespmem:s8], [sflag:$0x2], $0xC000, $0x38;
	[tilespmem:$0xC080] =	vst v63  }
0xa5: {  	_ =	swait.ge [sflag:s7], $0xC000  }
0xa6: {  	[sflag:s7] =	ssyncset.done $0x0  }
0xa7: {  	s1 =	sadd.s32 $0x10, s1;
	s6 =	sadd.s32 $0x1800, s6;
	[sflag:s7] =	ssyncadd.s32 $0xFFFF4000  }
0xa8: {  	s31 =	sadd.s32 $0x1, s31;
	s0 =	rddreg [dreg:$0xe]  }
0xa9: {  	p0 =	sne.s32 s31, s0  }
.Ltmp1:
0xaa: {  	_ = 	snop;
	(pc) =	sbr.rel @p0 .LBB2_1-.Ltmp1, $1  }
0xab: {  	_ =	sdelay $0x3  }
0xac: {  	_ =	sfence.sel $0x180000  }
0xad: {  	[bflag:$0x0] =	sbarrier.arrive $0xFFFF  }
0xae: {  	_ =	strace $0x90000056  }
0xaf: {  	s0 =	stileid.u32;
	[bflag:$0x2] =	sbarrier.arrive $0xFFFF  }
0xb0: {  	p0 =	sne.s32 s0, $0x0;
	s0 =	rddreg [dreg:$0x1]  }
0xb1: {  	s0 =	sadd.s32 @!p0 $0x100000, s0  }
0xb2: {  	[sflag:s0] =	ssyncadd.tile.s32 @!p0 $0x1;
	_ =	shalt  }
.Lfunc_end2:
_tile_overlayer_lowered:
.L_overlay_start_2:
0xb3: {  	(tag) =	ssettag $0x2  }
0xb4: {  	s0 =	rddreg [dreg:$0x0];
	s2 =	stileid.u32  }
0xb5: {  	s1 =	rddreg [dreg:$0x1];
	p0 =	sne.s32 s2, $0x0  }
0xb6: {  	s3 =	rddreg [dreg:$0x2];
	[bflag:$0x3] =	sbarrier.arrive $0xFFFF;
	s2 =	simm.s32 @!p0 $0x1C02  }
0xb7: {  	[timem:s3], [sflag:s2] =	dma.local @!p0 [hbm:s0], s1  }
0xb8: {  	s0 =	simm.s32 @!p0 $0x2  }
0xb9: {  	_ =	swait.ge @!p0 [sflag:s0], s1  }
0xba: {  	s1 =	ssub.s32 @!p0 $0x0, s1;
	[sflag:s0] =	ssyncset.done @!p0 $0x0  }
0xbb: {  	[sflag:s0] =	ssyncadd.s32 @!p0 s1  }
0xbc: {  	[bflag:$0x3] =	sbarrier.arrive $0xFFFF  }
0xbd: {  	_ =	shalt  }

// kernel: kernel.29.cloned.1.call-start
scs
__scs_entry_jumppad:
0x0: {  	(pc) =	sbr.rel $0x88, $3  }
0x1: {  	(tag) =	ssettag $0x0;
	lr =	simm.s32 $0x1  }
0x2: {  	[smem:$0x3F39] =	sst lr;
	_ =	strace $0xD0000000  }
0x3: {  	_ = 	snop  }
0x4: {  	_ = 	snop  }
0x5: {  	_ = 	snop  }
0x6: {  	_ = 	snop  }
0x7: {  	_ = 	snop  }
__scs_overlays_trampoline_lowered:
0x8: {  	[smem:$0x3F48] =	sst s0  }
0x9: {  	[smem:$0x3F49] =	sst s1  }
0xa: {  	[smem:$0x3F4A] =	sst s2  }
0xb: {  	[smem:$0x3F4B] =	sst s3  }
0xc: {  	[smem:$0x3F4C] =	sst s4  }
0xd: {  	[smem:$0x3F4D] =	sst s5  }
0xe: {  	[smem:$0x3F4E] =	sst s6  }
0xf: {  	[smem:$0x3F4F] =	sst s7  }
0x10: {  	[smem:$0x3F50] =	sst s8  }
0x11: {  	[smem:$0x3F51] =	sst s9;
	s0 =	simm.s32 @!p0 $0x0  }
0x12: {  	s1 =	sld [smem:$0x3F37];
	s0 =	simm.s32 @p0 $0x1  }
0x13: {  	[smem:$0x3F52] =	sst s0;
	s0 =	simm.s32 @!p1 $0x0  }
0x14: {  	s2 =	sld [smem:$0x3F36];
	s0 =	simm.s32 @p1 $0x1  }
0x15: {  	[smem:$0x3F53] =	sst s0;
	s0 =	simm.s32 @!p2 $0x0  }
0x16: {  	s3 =	sld [smem:$0x3FDB];
	s0 =	simm.s32 @p2 $0x1  }
0x17: {  	s4 =	simm.s32 $0x1BF5;
	[smem:$0x3F55] =	sst s0  }
0x18: {  	s0 =	sld [smem:$0x3F38];
	_ =	swait.ge [sflag:s4], $0x0  }
0x19: {  	s7 =	sld [smem:$0x3F39]  }
0x1a: {  	s8 =	sadd.s32 $0xFFFFE003, lr  }
0x1b: {  	s9 =	sadd.s32 $0xFFFFFEF7, lr;
	s5 =	simm.s32 $0xFFFFFFFF;
	p2 =	slt.u32 s8, $0xFFFFF086  }
0x1c: {  	p1 =	slt.u32 s9, $0xF7A;
	s5 =	simm.s32 @!p2 $0x0  }
0x1d: {  	s5 =	simm.s32 @p1 $0x1;
	p0 =	seq.s32 s7, s2  }
0x1e: {  	s7 =	smul.u32 @!p0 $0xF7A, s2;
	p2 =	seq.s32 @!p0 s5, $0x0  }
0x1f: {  	s9 =	smul.u32 $0xF7A, s1;
	s8 =	simm.s32 @!p0 $0x1BF5;
	p2 =	por !p2, p0  }
0x20: {  	[sflag:s8] =	ssyncset.s32 @!p0 $0xFFFFF086;
	s6 =	sadd.s32 @!p0 s3, s7;
	s7 =	simm.s32 @!p0 $0x108  }
0x21: {  	s3 =	sadd.s32 s3, s9;
	s6 =	sadd.s32 @!p0 $0x88, s6;
	s7 =	simm.s32 @p2 $0x1082  }
0x22: {  	[simem:s7], [sflag:s8] =	dma.local @!p0 [hbm:s6], $0xF7A  }
0x23: {  	s9 =	sor.u32 $0xD0000000, s2;
	s6 =	simm.s32 $0x108;
	_ =	swait.ge @!p0 [sflag:s8], $0x0  }
0x24: {  	s3 =	sadd.s32 $0x88, s3;
	s6 =	simm.s32 @!p1 $0x1082;
	[sflag:s4] =	ssyncset.s32 $0xFFFFF086  }
0x25: {  	[simem:s6], [sflag:s4] =	dma.local [hbm:s3], $0xF7A  }
0x26: {  	[smem:$0x3F39] =	sst s1;
	(tag) =	ssettag s2;
	_ =	strace s9  }
0x27: {  	s1 =	sld [smem:$0x3F49]  }
0x28: {  	s2 =	sld [smem:$0x3F4A]  }
0x29: {  	s4 =	sld [smem:$0x3F4C]  }
0x2a: {  	p0 =	seq.s32 s5, $0x0;
	s5 =	sld [smem:$0x3F4D]  }
0x2b: {  	s6 =	sld [smem:$0x3F4E]  }
0x2c: {  	s7 =	sld [smem:$0x3F4F]  }
0x2d: {  	s3 =	simm.s32 $0x108;
	s8 =	sld [smem:$0x3F50]  }
0x2e: {  	s3 =	simm.s32 @!p0 $0x1082;
	s9 =	sld [smem:$0x3F51]  }
0x2f: {  	lr =	sadd.s32 s0, s3;
	s0 =	sld [smem:$0x3F48]  }
0x30: {  	s3 =	sld [smem:$0x3F4B]  }
0x31: {  	[smem:$0x3F54] =	sst s10  }
0x32: {  	s10 =	sld [smem:$0x3F52];
	_ =	sdelay $0x3  }
0x33: {  	p0 =	seq.s32 s10, $0x1;
	s10 =	sld [smem:$0x3F54];
	_ =	sdelay $0x3  }
0x34: {  	[smem:$0x3F54] =	sst s10  }
0x35: {  	s10 =	sld [smem:$0x3F53];
	_ =	sdelay $0x3  }
0x36: {  	p1 =	seq.s32 s10, $0x1;
	s10 =	sld [smem:$0x3F54];
	_ =	sdelay $0x3  }
0x37: {  	[smem:$0x3F54] =	sst s10  }
0x38: {  	s10 =	sld [smem:$0x3F55]  }
0x39: {  	_ = 	snop;
	(pc) =	sbr.ind lr, $3  }
0x3a: {  	_ = 	snop  }
0x3b: {  	_ = 	snop  }
0x3c: {  	p2 =	seq.s32 s10, $0x1;
	s10 =	sld [smem:$0x3F54]  }
0x3d: {  	_ =	shalt  }
0x3e: {  	_ =	shalt  }
0x3f: {  	_ =	shalt  }
0x40: {  	_ =	shalt  }
0x41: {  	_ =	shalt  }
0x42: {  	_ =	shalt  }
0x43: {  	_ =	shalt  }
0x44: {  	_ =	shalt  }
0x45: {  	_ =	shalt  }
0x46: {  	_ =	shalt  }
0x47: {  	_ =	shalt  }
0x48: {  	_ =	shalt  }
0x49: {  	_ =	shalt  }
0x4a: {  	_ =	shalt  }
0x4b: {  	_ =	shalt  }
0x4c: {  	_ =	shalt  }
0x4d: {  	_ =	shalt  }
0x4e: {  	_ =	shalt  }
0x4f: {  	_ =	shalt  }
0x50: {  	_ =	shalt  }
0x51: {  	_ =	shalt  }
0x52: {  	_ =	shalt  }
0x53: {  	_ =	shalt  }
0x54: {  	_ =	shalt  }
0x55: {  	_ =	shalt  }
0x56: {  	_ =	shalt  }
0x57: {  	_ =	shalt  }
0x58: {  	_ =	shalt  }
0x59: {  	_ =	shalt  }
0x5a: {  	_ =	shalt  }
0x5b: {  	_ =	shalt  }
0x5c: {  	_ =	shalt  }
0x5d: {  	_ =	shalt  }
0x5e: {  	_ =	shalt  }
0x5f: {  	_ =	shalt  }
0x60: {  	_ =	shalt  }
0x61: {  	_ =	shalt  }
0x62: {  	_ =	shalt  }
0x63: {  	_ =	shalt  }
0x64: {  	_ =	shalt  }
0x65: {  	_ =	shalt  }
0x66: {  	_ =	shalt  }
0x67: {  	_ =	shalt  }
0x68: {  	_ =	shalt  }
0x69: {  	_ =	shalt  }
0x6a: {  	_ =	shalt  }
0x6b: {  	_ =	shalt  }
0x6c: {  	_ =	shalt  }
0x6d: {  	_ =	shalt  }
0x6e: {  	_ =	shalt  }
0x6f: {  	_ =	shalt  }
0x70: {  	_ =	shalt  }
0x71: {  	_ =	shalt  }
0x72: {  	_ =	shalt  }
0x73: {  	_ =	shalt  }
0x74: {  	_ =	shalt  }
0x75: {  	_ =	shalt  }
0x76: {  	_ =	shalt  }
0x77: {  	_ =	shalt  }
0x78: {  	_ =	shalt  }
0x79: {  	_ =	shalt  }
0x7a: {  	_ =	shalt  }
0x7b: {  	_ =	shalt  }
0x7c: {  	_ =	shalt  }
0x7d: {  	_ =	shalt  }
0x7e: {  	_ =	shalt  }
0x7f: {  	_ =	shalt  }
0x80: {  	_ =	shalt  }
0x81: {  	_ =	shalt  }
0x82: {  	_ =	shalt  }
0x83: {  	_ =	shalt  }
0x84: {  	_ =	shalt  }
0x85: {  	_ =	shalt  }
0x86: {  	_ =	shalt  }
0x87: {  	_ =	shalt  }
.Lfunc_end0:
.L_simem_size_0:
called_computation.8_lowered:
.L_overlay_start_0:
0x88: {  	s2 =	sld [smem:$0x3FD9]  }
0x89: {  	s3 =	sld [smem:$0x3FFE];
	_ =	sdelay $0x1  }
0x8a: {  	s1 =	srdreg.scid  }
0x8b: {  	s0 =	sand.u32 $0x1, s1  }
0x8c: {  	s17 =	sshll.u32 s0, $0xA;
	s2 =	sadd.s32 s3, s2  }
0x8d: {  	s2 =	sadd.s32 s2, s17  }
0x8e: {  	[smem:$0x3F60] =	sst s2  }
0x8f: {  	_ = 	snop  }
0x90: {  	(tm) =	ssettm $0x1  }
0x91: {  	s18 =	sld [smem:$0x3FFB];
	_ =	sdelay $0x3  }
0x92: {  	_ =	strace s18  }
0x93: {  	s2 =	sld [smem:$0x3FFC];
	_ =	sdelay $0x3  }
0x94: {  	_ =	strace s2  }
0x95: {  	s2 =	sld [smem:$0x3FFD];
	_ =	sdelay $0x3  }
0x96: {  	_ =	strace s2  }
0x97: {  	_ =	strace $0x8FFFFFFF  }
0x98: {  	s19 =	sld [smem:$0x3FDB];
	_ =	sdelay $0x1  }
0x99: {  	s20 =	simm.s32 $_scs_section_size  }
0x9a: {  	s4 =	simm.s32 $_size__tile_overlayer_lowered;
	s5 =	simm.s32 $_tile_overlayer_lowered  }
0x9b: {  	s6 =	simm.s32 $0x1BFF;
	s21 =	sshll.u32 s5, $0x1;
	s3 =	sadd.s32 s20, s19  }
0x9c: {  	s22 =	simm.s32 $0x0;
	s4 =	sshll.u32 s4, $0x1;
	s5 =	sadd.s32 s21, s3  }
0x9d: {  	[timem:s22], [sflag:s6] =	dma.local [hbm:s5], s4  }
0x9e: {  	_ =	swait.ge [sflag:s6], s4  }
0x9f: {  	s4 =	ssub.s32 $0x0, s4;
	[sflag:s6] =	ssyncset.done $0x0  }
0xa0: {  	[sflag:s6] =	ssyncadd.s32 s4;
	_ =	sdelay $0x1  }
0xa1: {  	s23 =	simm.s32 $0x1B8B  }
0xa2: {  	_ =	swait.ge [sflag:s23], $0x1  }
0xa3: {  	[sflag:s23] =	ssyncset.done $0x0  }
0xa4: {  	[sflag:s23] =	ssyncadd.s32 $0xFFFFFFFF  }
0xa5: {  	s4 =	sld [smem:$0x0]  }
0xa6: {  	s5 =	sand.u32 $0xFFFFFFFE, s1  }
0xa7: {  	p0 =	sne.s32 s1, s5  }
0xa8: {  	s5 =	sshll.u32 @p0 s5, $0xE  }
0xa9: {  	s5 =	sadd.s32 @p0 $0x11B8D, s5;
	s6 =	sshll.u32 @p0 s4, $0x11  }
0xaa: {  	s5 =	sor.u32 @p0 s6, s5  }
0xab: {  	[sflag:s5] =	ssyncadd.remote.s32 @p0 $0x1;
	_ =	sdelay $0x1  }
0xac: {  	s5 =	simm.s32 @p0 $0x1B8D  }
0xad: {  	_ =	swait.eq @p0 [sflag:s5], $0x1  }
0xae: {  	[sflag:s5] =	ssyncadd.s32 @p0 $0xFFFFFFFF  }
0xaf: {  	s6 =	sshll.u32 @!p0 s1, $0xE  }
0xb0: {  	s6 =	sor.u32 @!p0 $0x4000, s6;
	s5 =	simm.s32 @!p0 $0x1B8D  }
0xb1: {  	s4 =	sshll.u32 @!p0 s4, $0x11;
	s6 =	sadd.s32 @!p0 $0x11B8D, s6;
	_ =	swait.eq @!p0 [sflag:s5], $0x1  }
0xb2: {  	s4 =	sor.u32 @!p0 s4, s6;
	[sflag:s5] =	ssyncadd.s32 @!p0 $0xFFFFFFFF  }
0xb3: {  	s25 =	simm.s32 $0x1B8E;
	s24 =	sld [smem:$0x3FFE];
	[sflag:s4] =	ssyncadd.remote.s32 @!p0 $0x1  }
0xb4: {  	s26 =	simm.s32 $execute0_lowered;
	[smem:$0x3FD2] =	sst s25  }
0xb5: {  	s5 =	sshll.u32 s26, $0x1;
	_ =	strace $0x80000058;
	[dreg:$0x1] =	wrdreg $0xFFFFFFFF  }
0xb6: {  	s28 =	simm.s32 $_size_execute0_lowered;
	s3 =	sadd.s32 s3, s5;
	[dreg:$0x0] =	wrdreg $0x0  }
0xb7: {  	s5 =	sshll.u32 s28, $0x1;
	[dreg:$0x2] =	wrdreg s3  }
0xb8: {  	[dreg:$0x3] =	wrdreg s5  }
0xb9: {  	[dreg:$0x4] =	wrdreg $0xC0  }
0xba: {  	_ =	task [dreg:s22], $0x5FFFF  }
0xbb: {  	[dreg:$0x1] =	wrdreg $0xFFFFFFFF  }
0xbc: {  	[dreg:$0x0] =	wrdreg $0x60  }
0xbd: {  	[dreg:$0x2] =	wrdreg s24  }
0xbe: {  	[dreg:$0x3] =	wrdreg $0xA  }
0xbf: {  	_ =	task.clear_ibuf [dreg:s22], $0x4FFFF;
	_ =	strace $0x90000058  }
0xc0: {  	s29 =	simm.s32 $0xA;
	_ =	strace $0x8000005A  }
0xc1: {  	_ =	swait.ge [sflag:s29], $0x1  }
0xc2: {  	[sflag:s29] =	ssyncadd.s32 $0xFFFFFFFF  }
0xc3: {  	_ =	strace $0x9000005A  }
0xc4: {  	_ =	sfence  }
0xc5: {  	s30 =	sld [smem:$0x0];
	_ =	sdelay $0x2  }
0xc6: {  	s31 =	sshll.u32 s1, $0xD;
	s1 =	sshrl.u32 s1, $0x2  }
0xc7: {  	s4 =	sand.u32 $0x4000, s31;
	s1 =	sadd.s32 s1, s30  }
0xc8: {  	s0 =	sor.u32 s4, s0;
	s1 =	sshll.u32 s1, $0x11  }
0xc9: {  	s0 =	sor.u32 s1, s0  }
0xca: {  	s0 =	sadd.s32 $0x8F2B, s0  }
0xcb: {  	[sflag:s0] =	ssyncadd.remote.s32 $0x1  }
0xcc: {  	_ =	sfence.sel $0xFFFF  }
0xcd: {  	[dreg:$0x0] =	wrdreg $0xFFFFFFFF;
	(pc) =	sbr.abs _section_cstart, $3  }
0xce: {  	[dreg:$0x1] =	wrdreg $0xFFFFFFFF  }
0xcf: {  	_ =	task.clear_ibuf [dreg:s22], $0x2FFFF;
	_ =	strace $0x9FFFFFFF  }
0xd0: {  	(tm) =	ssettm $0x7FFFFFFF  }
0xd1: {  	_ =	shalt  }
tec
execute0_lowered:
.L_overlay_start_1:
0x0: {  	(tag) =	ssettag $0x1  }
0x1: {  	s0 =	rddreg [dreg:$0x0]  }
0x2: {  	s5 =	stileid.u32;
	s1 =	srdreg.scid  }
0x3: {  	s2 =	simm.s32 $0x0;
	s14 =	simm.s32 $0x880;
	s15 =	simm.s32 $0xC80  }
0x4: {  	s17 =	simm.s32 $0x1480;
	s18 =	simm.s32 $0x1880;
	s19 =	simm.s32 $0x2080  }
0x5: {  	s20 =	simm.s32 $0x2480;
	s21 =	simm.s32 $0x2C80;
	[smem:$0x7FF] =	sst s2  }
0x6: {  	s22 =	simm.s32 $0x3080;
	_ =	strace $0x80000059;
	[dreg:$0x3] =	wrdreg s14  }
0x7: {  	s23 =	simm.s32 $0x3880;
	s25 =	simm.s32 $0x3C80;
	[dreg:$0x4] =	wrdreg s15  }
0x8: {  	s26 =	simm.s32 $0x4480;
	s8 =	simm.s32 $0x80;
	[dreg:$0x5] =	wrdreg s17  }
0x9: {  	s9 =	simm.s32 $0x4880;
	s10 =	simm.s32 $0x5080;
	[dreg:$0x6] =	wrdreg s18  }
0xa: {  	s11 =	simm.s32 $0x5480;
	s28 =	simm.s32 $0xB480;
	[dreg:$0x7] =	wrdreg s19  }
0xb: {  	s29 =	simm.s32 $0xBC80;
	s30 =	simm.s32 $0x1;
	[dreg:$0x8] =	wrdreg s20  }
0xc: {  	s31 =	simm.s32 $0x0;
	s3 =	sshll.u32 s5, $0xA;
	[dreg:$0x9] =	wrdreg s21  }
0xd: {  	s1 =	sand.u32 $0x1, s1;
	s12 =	smul.u32 $0x60000, s5;
	[dreg:$0xa] =	wrdreg s22  }
0xe: {  	s3 =	sadd.s32 s3, s0;
	s4 =	sshll.u32 s1, $0x9;
	[dreg:$0xb] =	wrdreg s23  }
0xf: {  	s16 =	ssub.s32 $0x2, s1;
	s1 =	smul.u32 $0x30000, s1;
	[dreg:$0xc] =	wrdreg s25  }
0x10: {  	[dreg:$0xd] =	wrdreg s26;
	s14 =	simm.s32 $0x6880;
	s15 =	simm.s32 $0x6C80  }
0x11: {  	s17 =	simm.s32 $0x7880;
	s18 =	simm.s32 $0x8080;
	s19 =	simm.s32 $0x8480  }
0x12: {  	s20 =	simm.s32 $0x8C80;
	s21 =	simm.s32 $0x9080;
	s22 =	simm.s32 $0x9880  }
0x13: {  	s23 =	simm.s32 $0x9C80;
	s25 =	simm.s32 $0xA880;
	s26 =	simm.s32 $0xB080  }
0x14: {  	s3 =	sadd.s32 s4, s3;
	s6 =	sadd.s32 s12, s0;
	s7 =	sshrl.u32 s16, $0x1  }
0x15: {  	s4 =	sadd.s32 $0x65900, s0;
	s12 =	simm.s32 $0x5C80;
	s13 =	sadd.s32 $0x2C200, s3  }
0x16: {  	s3 =	sadd.s32 $0x65800, s0;
	s5 =	ssub.s32 s16, s7;
	s1 =	sadd.s32 s1, s6  }
0x17: {  	v2 =	vlaneseq.u32;
	s7 =	simm.s32 $0x2;
	[dreg:$0x2] =	wrdreg s13;
	s5 =	smax.u32 s5, $0x1  }
0x18: {  	vm0 =	vmmov $0xffff;
	vm1 =	vmmov $0xff;
	v1 =	vshrl.u32 v2, $0x3;
	s16 =	simm.s32 $0x7480;
	s24 =	sadd.s32 $0x765400, s1;
	[dreg:$0xe] =	wrdreg s5  }
0x19: {  	v0 =	vand.u32 $0x7, v2;
	v2 =	vor.u32 $0x8, v2;
	v1 =	vmul.u32 $0x8, v1;
	s13 =	simm.s32 $0x6080;
	[dreg:$0xf] =	wrdreg s24;
	s24 =	simm.s32 $0xA480  }
.LBB2_1:
0x1a: {  	s6 =	rddreg [dreg:$0xf];
	s1 =	simm.s32 $0x0  }
.LBB2_2:
0x1b: {  	s5 =	rddreg [dreg:$0x2]  }
0x1c: {  	s5 =	sadd.s32 s1, s5  }
0x1d: {  	[tilespmem:s2], [sflag:$0x2] =	stream.linear.gather [hbm4b:s5+s2], $0x80, $0x38;
	[tilespmem:$0xC080] =	vst v63  }
0x1e: {  	_ =	swait.ge [sflag:s7], $0x80  }
0x1f: {  	[sflag:s7] =	ssyncset.done $0x0  }
0x20: {  	[sflag:s7] =	ssyncadd.s32 $0xFFFFFF80  }
0x21: {  	v3 =	vld [tilespmem:$0x0];
	_ =	sdelay $0x4  }
0x22: {  	v4 =	vshrl.u32 v3, $0x3  }
0x23: {  	v4 =	vmul.u32 $0x18, v4  }
0x24: {  	v3 =	vand.u32 $0x7, v3  }
0x25: {  	v3 =	vor.u32 v3, v4  }
0x26: {  	v4 =	vperm.xlane v3, v0;
	_ =	sdelay $0x1  }
0x27: {  	v4 =	vadd.s32 v1, v4;
	_ =	sdelay $0x1  }
0x28: {  	v3 =	vperm.xlane v3, v2;
	_ =	sdelay $0x1  }
0x29: {  	v3 =	vadd.s32 v1, v3  }
0x2a: {  	[tilespmem:s8], [sflag:$0x1] =	stream.indirect_vreg.gather [hbm4b:s3+s2], $0x80, v4, vm0, $0xb8;
	[tilespmem:$0xC080] =	vst v63  }
0x2b: {  	s5 =	rddreg [dreg:$0x3]  }
0x2c: {  	[tilespmem:s5], [sflag:$0x1] =	stream.indirect_vreg.gather [hbm4b:s4+s2], $0x80, v4, vm1, $0xb8;
	[tilespmem:$0xC080] =	vst v63  }
0x2d: {  	s0 =	rddreg [dreg:$0x4]  }
0x2e: {  	[tilespmem:s0], [sflag:$0x1] =	stream.indirect_vreg.gather [hbm4b:s3+s2], $0x80, v3, vm0, $0xb8;
	[tilespmem:$0xC080] =	vst v63  }
0x2f: {  	s5 =	rddreg [dreg:$0x5]  }
0x30: {  	[tilespmem:s5], [sflag:$0x1] =	stream.indirect_vreg.gather [hbm4b:s4+s2], $0x80, v3, vm1, $0xb8;
	[tilespmem:$0xC080] =	vst v63  }
0x31: {  	v3 =	vld [tilespmem:$0x10];
	_ =	sdelay $0x4  }
0x32: {  	v57 =	vshrl.u32 v3, $0x3  }
0x33: {  	v4 =	vmul.u32 $0x18, v57  }
0x34: {  	v3 =	vand.u32 $0x7, v3  }
0x35: {  	v3 =	vor.u32 v3, v4  }
0x36: {  	v4 =	vperm.xlane v3, v0;
	_ =	sdelay $0x1  }
0x37: {  	v4 =	vadd.s32 v1, v4;
	_ =	sdelay $0x1  }
0x38: {  	v3 =	vperm.xlane v3, v2;
	_ =	sdelay $0x1  }
0x39: {  	s0 =	rddreg [dreg:$0x6];
	v3 =	vadd.s32 v1, v3  }
0x3a: {  	[tilespmem:s0], [sflag:$0x1] =	stream.indirect_vreg.gather [hbm4b:s3+s2], $0x80, v4, vm0, $0xb8;
	[tilespmem:$0xC080] =	vst v63  }
0x3b: {  	s5 =	rddreg [dreg:$0x7]  }
0x3c: {  	[tilespmem:s5], [sflag:$0x1] =	stream.indirect_vreg.gather [hbm4b:s4+s2], $0x80, v4, vm1, $0xb8;
	[tilespmem:$0xC080] =	vst v63  }
0x3d: {  	s0 =	rddreg [dreg:$0x8]  }
0x3e: {  	[tilespmem:s0], [sflag:$0x1] =	stream.indirect_vreg.gather [hbm4b:s3+s2], $0x80, v3, vm0, $0xb8;
	[tilespmem:$0xC080] =	vst v63  }
0x3f: {  	s5 =	rddreg [dreg:$0x9]  }
0x40: {  	[tilespmem:s5], [sflag:$0x1] =	stream.indirect_vreg.gather [hbm4b:s4+s2], $0x80, v3, vm1, $0xb8;
	[tilespmem:$0xC080] =	vst v63  }
0x41: {  	v3 =	vld [tilespmem:$0x20];
	_ =	sdelay $0x4  }
0x42: {  	v58 =	vshrl.u32 v3, $0x3  }
0x43: {  	v4 =	vmul.u32 $0x18, v58  }
0x44: {  	v3 =	vand.u32 $0x7, v3  }
0x45: {  	v3 =	vor.u32 v3, v4  }
0x46: {  	v4 =	vperm.xlane v3, v0;
	_ =	sdelay $0x1  }
0x47: {  	v4 =	vadd.s32 v1, v4;
	_ =	sdelay $0x1  }
0x48: {  	v3 =	vperm.xlane v3, v2;
	_ =	sdelay $0x1  }
0x49: {  	s0 =	rddreg [dreg:$0xa];
	v3 =	vadd.s32 v1, v3  }
0x4a: {  	[tilespmem:s0], [sflag:$0x1] =	stream.indirect_vreg.gather [hbm4b:s3+s2], $0x80, v4, vm0, $0xb8;
	[tilespmem:$0xC080] =	vst v63  }
0x4b: {  	s5 =	rddreg [dreg:$0xb]  }
0x4c: {  	[tilespmem:s5], [sflag:$0x1] =	stream.indirect_vreg.gather [hbm4b:s4+s2], $0x80, v4, vm1, $0xb8;
	[tilespmem:$0xC080] =	vst v63  }
0x4d: {  	s0 =	rddreg [dreg:$0xc]  }
0x4e: {  	[tilespmem:s0], [sflag:$0x1] =	stream.indirect_vreg.gather [hbm4b:s3+s2], $0x80, v3, vm0, $0xb8;
	[tilespmem:$0xC080] =	vst v63  }
0x4f: {  	s5 =	rddreg [dreg:$0xd]  }
0x50: {  	[tilespmem:s5], [sflag:$0x1] =	stream.indirect_vreg.gather [hbm4b:s4+s2], $0x80, v3, vm1, $0xb8;
	[tilespmem:$0xC080] =	vst v63  }
0x51: {  	v3 =	vld [tilespmem:$0x30];
	_ =	sdelay $0x4  }
0x52: {  	v59 =	vshrl.u32 v3, $0x3  }
0x53: {  	v4 =	vmul.u32 $0x18, v59  }
0x54: {  	v3 =	vand.u32 $0x7, v3  }
0x55: {  	v3 =	vor.u32 v3, v4  }
0x56: {  	v4 =	vperm.xlane v3, v0;
	_ =	sdelay $0x1  }
0x57: {  	v4 =	vadd.s32 v1, v4;
	_ =	sdelay $0x1  }
0x58: {  	v3 =	vperm.xlane v3, v2;
	_ =	sdelay $0x1  }
0x59: {  	v3 =	vadd.s32 v1, v3  }
0x5a: {  	[tilespmem:s9], [sflag:$0x1] =	stream.indirect_vreg.gather [hbm4b:s3+s2], $0x80, v4, vm0, $0xb8;
	[tilespmem:$0xC080] =	vst v63  }
0x5b: {  	_ = 	snop  }
0x5c: {  	[tilespmem:s10], [sflag:$0x1] =	stream.indirect_vreg.gather [hbm4b:s4+s2], $0x80, v4, vm1, $0xb8;
	[tilespmem:$0xC080] =	vst v63  }
0x5d: {  	_ = 	snop  }
0x5e: {  	[tilespmem:s11], [sflag:$0x1] =	stream.indirect_vreg.gather [hbm4b:s3+s2], $0x80, v3, vm0, $0xb8;
	[tilespmem:$0xC080] =	vst v63  }
0x5f: {  	_ = 	snop  }
0x60: {  	[tilespmem:s12], [sflag:$0x1] =	stream.indirect_vreg.gather [hbm4b:s4+s2], $0x80, v3, vm1, $0xb8;
	[tilespmem:$0xC080] =	vst v63  }
0x61: {  	v3 =	vld [tilespmem:$0x40];
	_ =	sdelay $0x4  }
0x62: {  	v60 =	vshrl.u32 v3, $0x3  }
0x63: {  	v4 =	vmul.u32 $0x18, v60  }
0x64: {  	v3 =	vand.u32 $0x7, v3  }
0x65: {  	v3 =	vor.u32 v3, v4  }
0x66: {  	v4 =	vperm.xlane v3, v0;
	_ =	sdelay $0x1  }
0x67: {  	v4 =	vadd.s32 v1, v4;
	_ =	sdelay $0x1  }
0x68: {  	v3 =	vperm.xlane v3, v2;
	_ =	sdelay $0x1  }
0x69: {  	v3 =	vadd.s32 v1, v3  }
0x6a: {  	[tilespmem:s13], [sflag:$0x1] =	stream.indirect_vreg.gather [hbm4b:s3+s2], $0x80, v4, vm0, $0xb8;
	[tilespmem:$0xC080] =	vst v63  }
0x6b: {  	_ = 	snop  }
0x6c: {  	[tilespmem:s14], [sflag:$0x1] =	stream.indirect_vreg.gather [hbm4b:s4+s2], $0x80, v4, vm1, $0xb8;
	[tilespmem:$0xC080] =	vst v63  }
0x6d: {  	_ = 	snop  }
0x6e: {  	[tilespmem:s15], [sflag:$0x1] =	stream.indirect_vreg.gather [hbm4b:s3+s2], $0x80, v3, vm0, $0xb8;
	[tilespmem:$0xC080] =	vst v63  }
0x6f: {  	_ = 	snop  }
0x70: {  	[tilespmem:s16], [sflag:$0x1] =	stream.indirect_vreg.gather [hbm4b:s4+s2], $0x80, v3, vm1, $0xb8;
	[tilespmem:$0xC080] =	vst v63  }
0x71: {  	v3 =	vld [tilespmem:$0x50];
	_ =	sdelay $0x4  }
0x72: {  	v61 =	vshrl.u32 v3, $0x3  }
0x73: {  	v4 =	vmul.u32 $0x18, v61  }
0x74: {  	v3 =	vand.u32 $0x7, v3  }
0x75: {  	v3 =	vor.u32 v3, v4  }
0x76: {  	v4 =	vperm.xlane v3, v0;
	_ =	sdelay $0x1  }
0x77: {  	v4 =	vadd.s32 v1, v4;
	_ =	sdelay $0x1  }
0x78: {  	v3 =	vperm.xlane v3, v2;
	_ =	sdelay $0x1  }
0x79: {  	v3 =	vadd.s32 v1, v3  }
0x7a: {  	[tilespmem:s17], [sflag:$0x1] =	stream.indirect_vreg.gather [hbm4b:s3+s2], $0x80, v4, vm0, $0xb8;
	[tilespmem:$0xC080] =	vst v63  }
0x7b: {  	_ = 	snop  }
0x7c: {  	[tilespmem:s18], [sflag:$0x1] =	stream.indirect_vreg.gather [hbm4b:s4+s2], $0x80, v4, vm1, $0xb8;
	[tilespmem:$0xC080] =	vst v63  }
0x7d: {  	_ = 	snop  }
0x7e: {  	[tilespmem:s19], [sflag:$0x1] =	stream.indirect_vreg.gather [hbm4b:s3+s2], $0x80, v3, vm0, $0xb8;
	[tilespmem:$0xC080] =	vst v63  }
0x7f: {  	_ = 	snop  }
0x80: {  	[tilespmem:s20], [sflag:$0x1] =	stream.indirect_vreg.gather [hbm4b:s4+s2], $0x80, v3, vm1, $0xb8;
	[tilespmem:$0xC080] =	vst v63  }
0x81: {  	v3 =	vld [tilespmem:$0x60];
	_ =	sdelay $0x4  }
0x82: {  	v62 =	vshrl.u32 v3, $0x3  }
0x83: {  	v4 =	vmul.u32 $0x18, v62  }
0x84: {  	v3 =	vand.u32 $0x7, v3  }
0x85: {  	v3 =	vor.u32 v3, v4  }
0x86: {  	v4 =	vperm.xlane v3, v0;
	_ =	sdelay $0x1  }
0x87: {  	v4 =	vadd.s32 v1, v4;
	_ =	sdelay $0x1  }
0x88: {  	v3 =	vperm.xlane v3, v2;
	_ =	sdelay $0x1  }
0x89: {  	v3 =	vadd.s32 v1, v3  }
0x8a: {  	[tilespmem:s21], [sflag:$0x1] =	stream.indirect_vreg.gather [hbm4b:s3+s2], $0x80, v4, vm0, $0xb8;
	[tilespmem:$0xC080] =	vst v63  }
0x8b: {  	_ = 	snop  }
0x8c: {  	[tilespmem:s22], [sflag:$0x1] =	stream.indirect_vreg.gather [hbm4b:s4+s2], $0x80, v4, vm1, $0xb8;
	[tilespmem:$0xC080] =	vst v63  }
0x8d: {  	_ = 	snop  }
0x8e: {  	[tilespmem:s23], [sflag:$0x1] =	stream.indirect_vreg.gather [hbm4b:s3+s2], $0x80, v3, vm0, $0xb8;
	[tilespmem:$0xC080] =	vst v63  }
0x8f: {  	_ = 	snop  }
0x90: {  	[tilespmem:s24], [sflag:$0x1] =	stream.indirect_vreg.gather [hbm4b:s4+s2], $0x80, v3, vm1, $0xb8;
	[tilespmem:$0xC080] =	vst v63  }
0x91: {  	v3 =	vld [tilespmem:$0x70];
	_ =	sdelay $0x4  }
0x92: {  	v63 =	vshrl.u32 v3, $0x3  }
0x93: {  	v4 =	vmul.u32 $0x18, v63  }
0x94: {  	v3 =	vand.u32 $0x7, v3  }
0x95: {  	v3 =	vor.u32 v3, v4  }
0x96: {  	v4 =	vperm.xlane v3, v0;
	_ =	sdelay $0x1  }
0x97: {  	v4 =	vadd.s32 v1, v4;
	_ =	sdelay $0x1  }
0x98: {  	v3 =	vperm.xlane v3, v2;
	_ =	sdelay $0x1  }
0x99: {  	v3 =	vadd.s32 v1, v3  }
0x9a: {  	[tilespmem:s25], [sflag:$0x1] =	stream.indirect_vreg.gather [hbm4b:s3+s2], $0x80, v4, vm0, $0xb8;
	[tilespmem:$0xC080] =	vst v63  }
0x9b: {  	_ = 	snop  }
0x9c: {  	[tilespmem:s26], [sflag:$0x1] =	stream.indirect_vreg.gather [hbm4b:s4+s2], $0x80, v4, vm1, $0xb8;
	[tilespmem:$0xC080] =	vst v63  }
0x9d: {  	_ = 	snop  }
0x9e: {  	[tilespmem:s28], [sflag:$0x1] =	stream.indirect_vreg.gather [hbm4b:s3+s2], $0x80, v3, vm0, $0xb8;
	[tilespmem:$0xC080] =	vst v63  }
0x9f: {  	_ = 	snop  }
0xa0: {  	[tilespmem:s29], [sflag:$0x1] =	stream.indirect_vreg.gather [hbm4b:s4+s2], $0x80, v3, vm1, $0xb8;
	[tilespmem:$0xC080] =	vst v63  }
0xa1: {  	_ =	swait.ge [sflag:s30], $0xC000  }
0xa2: {  	p0 =	sne.s32 s1, $0x1F0;
	[sflag:s30] =	ssyncset.done $0x0  }
.Ltmp0:
0xa3: {  	[sflag:s30] =	ssyncadd.s32 $0xFFFF4000;
	(pc) =	sbr.rel @p0 .LBB2_2-.Ltmp0, $4  }
0xa4: {  	[hbm4b:s6+s2] =	stream.linear.scatter [tilespmem:s8], [sflag:$0x2], $0xC000, $0x38;
	[tilespmem:$0xC080] =	vst v63  }
0xa5: {  	_ =	swait.ge [sflag:s7], $0xC000  }
0xa6: {  	[sflag:s7] =	ssyncset.done $0x0  }
0xa7: {  	s1 =	sadd.s32 $0x10, s1;
	s6 =	sadd.s32 $0x1800, s6;
	[sflag:s7] =	ssyncadd.s32 $0xFFFF4000  }
0xa8: {  	s31 =	sadd.s32 $0x1, s31;
	s0 =	rddreg [dreg:$0xe]  }
0xa9: {  	p0 =	sne.s32 s31, s0  }
.Ltmp1:
0xaa: {  	_ = 	snop;
	(pc) =	sbr.rel @p0 .LBB2_1-.Ltmp1, $1  }
0xab: {  	_ =	sdelay $0x3  }
0xac: {  	_ =	sfence.sel $0x180000  }
0xad: {  	[bflag:$0x0] =	sbarrier.arrive $0xFFFF  }
0xae: {  	_ =	strace $0x90000059  }
0xaf: {  	s0 =	stileid.u32;
	[bflag:$0x2] =	sbarrier.arrive $0xFFFF  }
0xb0: {  	p0 =	sne.s32 s0, $0x0;
	s0 =	rddreg [dreg:$0x1]  }
0xb1: {  	s0 =	sadd.s32 @!p0 $0x100000, s0  }
0xb2: {  	[sflag:s0] =	ssyncadd.tile.s32 @!p0 $0x1;
	_ =	shalt  }
.Lfunc_end2:
_tile_overlayer_lowered:
.L_overlay_start_2:
0xb3: {  	(tag) =	ssettag $0x2  }
0xb4: {  	s0 =	rddreg [dreg:$0x0];
	s2 =	stileid.u32  }
0xb5: {  	s1 =	rddreg [dreg:$0x1];
	p0 =	sne.s32 s2, $0x0  }
0xb6: {  	s3 =	rddreg [dreg:$0x2];
	[bflag:$0x3] =	sbarrier.arrive $0xFFFF;
	s2 =	simm.s32 @!p0 $0x1C02  }
0xb7: {  	[timem:s3], [sflag:s2] =	dma.local @!p0 [hbm:s0], s1  }
0xb8: {  	s0 =	simm.s32 @!p0 $0x2  }
0xb9: {  	_ =	swait.ge @!p0 [sflag:s0], s1  }
0xba: {  	s1 =	ssub.s32 @!p0 $0x0, s1;
	[sflag:s0] =	ssyncset.done @!p0 $0x0  }
0xbb: {  	[sflag:s0] =	ssyncadd.s32 @!p0 s1  }
0xbc: {  	[bflag:$0x3] =	sbarrier.arrive $0xFFFF  }
0xbd: {  	_ =	shalt  }

// kernel: kernel.32.cloned.1.call-start
scs
__scs_entry_jumppad:
0x0: {  	(pc) =	sbr.rel $0x88, $3  }
0x1: {  	(tag) =	ssettag $0x0;
	lr =	simm.s32 $0x1  }
0x2: {  	[smem:$0x3F39] =	sst lr;
	_ =	strace $0xD0000000  }
0x3: {  	_ = 	snop  }
0x4: {  	_ = 	snop  }
0x5: {  	_ = 	snop  }
0x6: {  	_ = 	snop  }
0x7: {  	_ = 	snop  }
__scs_overlays_trampoline_lowered:
0x8: {  	[smem:$0x3F48] =	sst s0  }
0x9: {  	[smem:$0x3F49] =	sst s1  }
0xa: {  	[smem:$0x3F4A] =	sst s2  }
0xb: {  	[smem:$0x3F4B] =	sst s3  }
0xc: {  	[smem:$0x3F4C] =	sst s4  }
0xd: {  	[smem:$0x3F4D] =	sst s5  }
0xe: {  	[smem:$0x3F4E] =	sst s6  }
0xf: {  	[smem:$0x3F4F] =	sst s7  }
0x10: {  	[smem:$0x3F50] =	sst s8  }
0x11: {  	[smem:$0x3F51] =	sst s9;
	s0 =	simm.s32 @!p0 $0x0  }
0x12: {  	s1 =	sld [smem:$0x3F37];
	s0 =	simm.s32 @p0 $0x1  }
0x13: {  	[smem:$0x3F52] =	sst s0;
	s0 =	simm.s32 @!p1 $0x0  }
0x14: {  	s2 =	sld [smem:$0x3F36];
	s0 =	simm.s32 @p1 $0x1  }
0x15: {  	[smem:$0x3F53] =	sst s0;
	s0 =	simm.s32 @!p2 $0x0  }
0x16: {  	s3 =	sld [smem:$0x3FDB];
	s0 =	simm.s32 @p2 $0x1  }
0x17: {  	s4 =	simm.s32 $0x1BF5;
	[smem:$0x3F55] =	sst s0  }
0x18: {  	s0 =	sld [smem:$0x3F38];
	_ =	swait.ge [sflag:s4], $0x0  }
0x19: {  	s7 =	sld [smem:$0x3F39]  }
0x1a: {  	s8 =	sadd.s32 $0xFFFFE003, lr  }
0x1b: {  	s9 =	sadd.s32 $0xFFFFFEF7, lr;
	s5 =	simm.s32 $0xFFFFFFFF;
	p2 =	slt.u32 s8, $0xFFFFF086  }
0x1c: {  	p1 =	slt.u32 s9, $0xF7A;
	s5 =	simm.s32 @!p2 $0x0  }
0x1d: {  	s5 =	simm.s32 @p1 $0x1;
	p0 =	seq.s32 s7, s2  }
0x1e: {  	s7 =	smul.u32 @!p0 $0xF7A, s2;
	p2 =	seq.s32 @!p0 s5, $0x0  }
0x1f: {  	s9 =	smul.u32 $0xF7A, s1;
	s8 =	simm.s32 @!p0 $0x1BF5;
	p2 =	por !p2, p0  }
0x20: {  	[sflag:s8] =	ssyncset.s32 @!p0 $0xFFFFF086;
	s6 =	sadd.s32 @!p0 s3, s7;
	s7 =	simm.s32 @!p0 $0x108  }
0x21: {  	s3 =	sadd.s32 s3, s9;
	s6 =	sadd.s32 @!p0 $0x88, s6;
	s7 =	simm.s32 @p2 $0x1082  }
0x22: {  	[simem:s7], [sflag:s8] =	dma.local @!p0 [hbm:s6], $0xF7A  }
0x23: {  	s9 =	sor.u32 $0xD0000000, s2;
	s6 =	simm.s32 $0x108;
	_ =	swait.ge @!p0 [sflag:s8], $0x0  }
0x24: {  	s3 =	sadd.s32 $0x88, s3;
	s6 =	simm.s32 @!p1 $0x1082;
	[sflag:s4] =	ssyncset.s32 $0xFFFFF086  }
0x25: {  	[simem:s6], [sflag:s4] =	dma.local [hbm:s3], $0xF7A  }
0x26: {  	[smem:$0x3F39] =	sst s1;
	(tag) =	ssettag s2;
	_ =	strace s9  }
0x27: {  	s1 =	sld [smem:$0x3F49]  }
0x28: {  	s2 =	sld [smem:$0x3F4A]  }
0x29: {  	s4 =	sld [smem:$0x3F4C]  }
0x2a: {  	p0 =	seq.s32 s5, $0x0;
	s5 =	sld [smem:$0x3F4D]  }
0x2b: {  	s6 =	sld [smem:$0x3F4E]  }
0x2c: {  	s7 =	sld [smem:$0x3F4F]  }
0x2d: {  	s3 =	simm.s32 $0x108;
	s8 =	sld [smem:$0x3F50]  }
0x2e: {  	s3 =	simm.s32 @!p0 $0x1082;
	s9 =	sld [smem:$0x3F51]  }
0x2f: {  	lr =	sadd.s32 s0, s3;
	s0 =	sld [smem:$0x3F48]  }
0x30: {  	s3 =	sld [smem:$0x3F4B]  }
0x31: {  	[smem:$0x3F54] =	sst s10  }
0x32: {  	s10 =	sld [smem:$0x3F52];
	_ =	sdelay $0x3  }
0x33: {  	p0 =	seq.s32 s10, $0x1;
	s10 =	sld [smem:$0x3F54];
	_ =	sdelay $0x3  }
0x34: {  	[smem:$0x3F54] =	sst s10  }
0x35: {  	s10 =	sld [smem:$0x3F53];
	_ =	sdelay $0x3  }
0x36: {  	p1 =	seq.s32 s10, $0x1;
	s10 =	sld [smem:$0x3F54];
	_ =	sdelay $0x3  }
0x37: {  	[smem:$0x3F54] =	sst s10  }
0x38: {  	s10 =	sld [smem:$0x3F55]  }
0x39: {  	_ = 	snop;
	(pc) =	sbr.ind lr, $3  }
0x3a: {  	_ = 	snop  }
0x3b: {  	_ = 	snop  }
0x3c: {  	p2 =	seq.s32 s10, $0x1;
	s10 =	sld [smem:$0x3F54]  }
0x3d: {  	_ =	shalt  }
0x3e: {  	_ =	shalt  }
0x3f: {  	_ =	shalt  }
0x40: {  	_ =	shalt  }
0x41: {  	_ =	shalt  }
0x42: {  	_ =	shalt  }
0x43: {  	_ =	shalt  }
0x44: {  	_ =	shalt  }
0x45: {  	_ =	shalt  }
0x46: {  	_ =	shalt  }
0x47: {  	_ =	shalt  }
0x48: {  	_ =	shalt  }
0x49: {  	_ =	shalt  }
0x4a: {  	_ =	shalt  }
0x4b: {  	_ =	shalt  }
0x4c: {  	_ =	shalt  }
0x4d: {  	_ =	shalt  }
0x4e: {  	_ =	shalt  }
0x4f: {  	_ =	shalt  }
0x50: {  	_ =	shalt  }
0x51: {  	_ =	shalt  }
0x52: {  	_ =	shalt  }
0x53: {  	_ =	shalt  }
0x54: {  	_ =	shalt  }
0x55: {  	_ =	shalt  }
0x56: {  	_ =	shalt  }
0x57: {  	_ =	shalt  }
0x58: {  	_ =	shalt  }
0x59: {  	_ =	shalt  }
0x5a: {  	_ =	shalt  }
0x5b: {  	_ =	shalt  }
0x5c: {  	_ =	shalt  }
0x5d: {  	_ =	shalt  }
0x5e: {  	_ =	shalt  }
0x5f: {  	_ =	shalt  }
0x60: {  	_ =	shalt  }
0x61: {  	_ =	shalt  }
0x62: {  	_ =	shalt  }
0x63: {  	_ =	shalt  }
0x64: {  	_ =	shalt  }
0x65: {  	_ =	shalt  }
0x66: {  	_ =	shalt  }
0x67: {  	_ =	shalt  }
0x68: {  	_ =	shalt  }
0x69: {  	_ =	shalt  }
0x6a: {  	_ =	shalt  }
0x6b: {  	_ =	shalt  }
0x6c: {  	_ =	shalt  }
0x6d: {  	_ =	shalt  }
0x6e: {  	_ =	shalt  }
0x6f: {  	_ =	shalt  }
0x70: {  	_ =	shalt  }
0x71: {  	_ =	shalt  }
0x72: {  	_ =	shalt  }
0x73: {  	_ =	shalt  }
0x74: {  	_ =	shalt  }
0x75: {  	_ =	shalt  }
0x76: {  	_ =	shalt  }
0x77: {  	_ =	shalt  }
0x78: {  	_ =	shalt  }
0x79: {  	_ =	shalt  }
0x7a: {  	_ =	shalt  }
0x7b: {  	_ =	shalt  }
0x7c: {  	_ =	shalt  }
0x7d: {  	_ =	shalt  }
0x7e: {  	_ =	shalt  }
0x7f: {  	_ =	shalt  }
0x80: {  	_ =	shalt  }
0x81: {  	_ =	shalt  }
0x82: {  	_ =	shalt  }
0x83: {  	_ =	shalt  }
0x84: {  	_ =	shalt  }
0x85: {  	_ =	shalt  }
0x86: {  	_ =	shalt  }
0x87: {  	_ =	shalt  }
.Lfunc_end0:
.L_simem_size_0:
called_computation.9_lowered:
.L_overlay_start_0:
0x88: {  	s2 =	sld [smem:$0x3FD9]  }
0x89: {  	s3 =	sld [smem:$0x3FFE];
	_ =	sdelay $0x1  }
0x8a: {  	s1 =	srdreg.scid  }
0x8b: {  	s0 =	sand.u32 $0x1, s1  }
0x8c: {  	s16 =	sshll.u32 s0, $0xA;
	s2 =	sadd.s32 s3, s2  }
0x8d: {  	s2 =	sadd.s32 s2, s16  }
0x8e: {  	[smem:$0x3F60] =	sst s2  }
0x8f: {  	_ = 	snop  }
0x90: {  	(tm) =	ssettm $0x1  }
0x91: {  	s17 =	sld [smem:$0x3FFB];
	_ =	sdelay $0x3  }
0x92: {  	_ =	strace s17  }
0x93: {  	s2 =	sld [smem:$0x3FFC];
	_ =	sdelay $0x3  }
0x94: {  	_ =	strace s2  }
0x95: {  	s2 =	sld [smem:$0x3FFD];
	_ =	sdelay $0x3  }
0x96: {  	_ =	strace s2  }
0x97: {  	_ =	strace $0x8FFFFFFF  }
0x98: {  	s18 =	sld [smem:$0x3FDB];
	_ =	sdelay $0x1  }
0x99: {  	s19 =	simm.s32 $_scs_section_size  }
0x9a: {  	s4 =	simm.s32 $_size__tile_overlayer_lowered;
	s5 =	simm.s32 $_tile_overlayer_lowered  }
0x9b: {  	s22 =	simm.s32 $0x1BFF;
	s21 =	sshll.u32 s5, $0x1;
	s2 =	sadd.s32 s19, s18  }
0x9c: {  	s6 =	simm.s32 $0x0;
	s20 =	sshll.u32 s4, $0x1;
	s4 =	sadd.s32 s21, s2  }
0x9d: {  	[timem:s6], [sflag:s22] =	dma.local [hbm:s4], s20  }
0x9e: {  	_ =	swait.ge [sflag:s22], s20  }
0x9f: {  	s3 =	ssub.s32 $0x0, s20;
	[sflag:s22] =	ssyncset.done $0x0  }
0xa0: {  	[sflag:s22] =	ssyncadd.s32 s3;
	_ =	sdelay $0x1  }
0xa1: {  	s23 =	simm.s32 $0x1B8B  }
0xa2: {  	_ =	swait.ge [sflag:s23], $0x1  }
0xa3: {  	[sflag:s23] =	ssyncset.done $0x0  }
0xa4: {  	s25 =	simm.s32 $0x1B8E;
	s24 =	sld [smem:$0x3FFE];
	[sflag:s23] =	ssyncadd.s32 $0xFFFFFFFF  }
0xa5: {  	s26 =	simm.s32 $execute0_lowered;
	[smem:$0x3FD2] =	sst s25  }
0xa6: {  	s4 =	sshll.u32 s26, $0x1;
	_ =	strace $0x80000061;
	[dreg:$0x1] =	wrdreg $0xFFFFFFFF  }
0xa7: {  	s28 =	simm.s32 $_size_execute0_lowered;
	s2 =	sadd.s32 s2, s4;
	[dreg:$0x0] =	wrdreg $0x0  }
0xa8: {  	s4 =	sshll.u32 s28, $0x1;
	[dreg:$0x2] =	wrdreg s2  }
0xa9: {  	[dreg:$0x3] =	wrdreg s4  }
0xaa: {  	[dreg:$0x4] =	wrdreg $0xC0  }
0xab: {  	_ =	task [dreg:s6], $0x5FFFF  }
0xac: {  	[dreg:$0x1] =	wrdreg $0xFFFFFFFF  }
0xad: {  	[dreg:$0x0] =	wrdreg $0x60  }
0xae: {  	[dreg:$0x2] =	wrdreg s24  }
0xaf: {  	[dreg:$0x3] =	wrdreg $0x9  }
0xb0: {  	_ =	task.clear_ibuf [dreg:s6], $0x4FFFF;
	_ =	strace $0x90000061  }
0xb1: {  	s29 =	simm.s32 $0x9;
	_ =	strace $0x80000063  }
0xb2: {  	_ =	swait.ge [sflag:s29], $0x1  }
0xb3: {  	[sflag:s29] =	ssyncadd.s32 $0xFFFFFFFF  }
0xb4: {  	_ =	strace $0x90000063  }
0xb5: {  	_ =	sfence  }
0xb6: {  	s30 =	sld [smem:$0x0];
	_ =	sdelay $0x2  }
0xb7: {  	s31 =	sshll.u32 s1, $0xD;
	s1 =	sshrl.u32 s1, $0x2  }
0xb8: {  	s3 =	sand.u32 $0x4000, s31;
	s1 =	sadd.s32 s1, s30  }
0xb9: {  	s0 =	sor.u32 s3, s0;
	s1 =	sshll.u32 s1, $0x11  }
0xba: {  	s0 =	sor.u32 s1, s0  }
0xbb: {  	s0 =	sadd.s32 $0x8F2B, s0  }
0xbc: {  	[sflag:s0] =	ssyncadd.remote.s32 $0x1  }
0xbd: {  	_ =	sfence.sel $0xFFFF  }
0xbe: {  	[dreg:$0x0] =	wrdreg $0xFFFFFFFF;
	(pc) =	sbr.abs _section_cstart, $3  }
0xbf: {  	[dreg:$0x1] =	wrdreg $0xFFFFFFFF  }
0xc0: {  	_ =	task.clear_ibuf [dreg:s6], $0x2FFFF;
	_ =	strace $0x9FFFFFFF  }
0xc1: {  	(tm) =	ssettm $0x7FFFFFFF  }
tec
execute0_lowered:
.L_overlay_start_1:
0x0: {  	(tag) =	ssettag $0x1  }
0x1: {  	s4 =	rddreg [dreg:$0x0]  }
0x2: {  	s0 =	rddreg [dreg:$0x1];
	s2 =	simm.s32 $0x0;
	s3 =	srdreg.scid  }
0x3: {  	s1 =	stileid.u32;
	s10 =	simm.s32 $0x1080;
	s11 =	simm.s32 $0x1880  }
0x4: {  	s12 =	simm.s32 $0x2080;
	s13 =	simm.s32 $0x2880;
	s14 =	simm.s32 $0x3080  }
0x5: {  	s15 =	simm.s32 $0x3880;
	s16 =	simm.s32 $0x4080;
	s17 =	simm.s32 $0x4880  }
0x6: {  	s18 =	simm.s32 $0x5080;
	s19 =	simm.s32 $0x5880;
	s20 =	simm.s32 $0x6080  }
0x7: {  	s21 =	simm.s32 $0x6880;
	s22 =	simm.s32 $0x7080;
	s23 =	simm.s32 $0x7880  }
0x8: {  	s24 =	simm.s32 $0x1;
	s25 =	simm.s32 $0x0;
	s6 =	smul.u32 $0x300, s1  }
0x9: {  	[smem:$0x7FF] =	sst s2;
	s5 =	sand.u32 $0x1, s3;
	s8 =	smul.u32 $0x6000, s1  }
0xa: {  	s3 =	sadd.s32 $0x355E00, s4;
	s7 =	smul.u32 $0x180, s5;
	s9 =	ssub.s32 $0x2, s5  }
0xb: {  	_ =	strace $0x80000062;
	s5 =	smul.u32 $0x3000, s5;
	s31 =	sshrl.u32 s9, $0x1  }
0xc: {  	s8 =	sadd.s32 s8, s4;
	s6 =	sadd.s32 s7, s6;
	s7 =	ssub.s32 s9, s31  }
0xd: {  	v2 =	vlaneseq.u32;
	s5 =	sadd.s32 s5, s8;
	s8 =	simm.s32 $0x80;
	s6 =	sshrl.u32 s6, $0x3  }
0xe: {  	vm0 =	vmmov $0xffff;
	v1 =	vshrl.u32 v2, $0x3;
	s9 =	simm.s32 $0x880;
	s5 =	sadd.s32 $0x65800, s5;
	s6 =	sadd.s32 s6, s4  }
0xf: {  	v0 =	vand.u32 $0x7, v2;
	v2 =	vor.u32 $0x8, v2;
	v1 =	vmul.u32 $0x8, v1;
	s4 =	smax.u32 s7, $0x1;
	s7 =	simm.s32 $0x2;
	s6 =	sadd.s32 $0x355800, s6  }
.LBB2_1:
0x10: {  	s26 =	smov.u32 s5;
	s28 =	simm.s32 $0x0  }
.LBB2_2:
0x11: {  	s29 =	sadd.s32 s28, s6  }
0x12: {  	[tilespmem:s2], [sflag:$0x2] =	stream.linear.gather [hbm4b:s29+s2], $0x80, $0x38;
	[tilespmem:$0x8080] =	vst v63  }
0x13: {  	_ =	swait.ge [sflag:s7], $0x80  }
0x14: {  	[sflag:s7] =	ssyncset.done $0x0  }
0x15: {  	[sflag:s7] =	ssyncadd.s32 $0xFFFFFF80  }
0x16: {  	v3 =	vld [tilespmem:$0x0];
	_ =	sdelay $0x4  }
0x17: {  	v4 =	vshll.u32 v3, $0x1  }
0x18: {  	v3 =	vand.u32 $0x7, v3;
	v4 =	vand.u32 $0xFFFFFFF0, v4  }
0x19: {  	v3 =	vor.u32 v3, v4  }
0x1a: {  	v4 =	vperm.xlane v3, v0;
	_ =	sdelay $0x1  }
0x1b: {  	v3 =	vperm.xlane v3, v2;
	v4 =	vadd.s32 v1, v4;
	_ =	sdelay $0x1  }
0x1c: {  	v3 =	vadd.s32 v1, v3;
	_ =	sdelay $0x2  }
0x1d: {  	[tilespmem:s8], [sflag:$0x1] =	stream.indirect_vreg.gather [hbm4b:s3+s2], $0x80, v4, vm0, $0xb8;
	[tilespmem:$0x8080] =	vst v63  }
0x1e: {  	_ = 	snop  }
0x1f: {  	[tilespmem:s9], [sflag:$0x1] =	stream.indirect_vreg.gather [hbm4b:s3+s2], $0x80, v3, vm0, $0xb8;
	[tilespmem:$0x8080] =	vst v63  }
0x20: {  	v3 =	vld [tilespmem:$0x10];
	_ =	sdelay $0x4  }
0x21: {  	v57 =	vshll.u32 v3, $0x1  }
0x22: {  	v3 =	vand.u32 $0x7, v3;
	v4 =	vand.u32 $0xFFFFFFF0, v57  }
0x23: {  	v3 =	vor.u32 v3, v4  }
0x24: {  	v4 =	vperm.xlane v3, v0;
	_ =	sdelay $0x1  }
0x25: {  	v3 =	vperm.xlane v3, v2;
	v4 =	vadd.s32 v1, v4;
	_ =	sdelay $0x1  }
0x26: {  	v3 =	vadd.s32 v1, v3;
	_ =	sdelay $0x2  }
0x27: {  	[tilespmem:s10], [sflag:$0x1] =	stream.indirect_vreg.gather [hbm4b:s3+s2], $0x80, v4, vm0, $0xb8;
	[tilespmem:$0x8080] =	vst v63  }
0x28: {  	_ = 	snop  }
0x29: {  	[tilespmem:s11], [sflag:$0x1] =	stream.indirect_vreg.gather [hbm4b:s3+s2], $0x80, v3, vm0, $0xb8;
	[tilespmem:$0x8080] =	vst v63  }
0x2a: {  	v3 =	vld [tilespmem:$0x20];
	_ =	sdelay $0x4  }
0x2b: {  	v58 =	vshll.u32 v3, $0x1  }
0x2c: {  	v3 =	vand.u32 $0x7, v3;
	v4 =	vand.u32 $0xFFFFFFF0, v58  }
0x2d: {  	v3 =	vor.u32 v3, v4  }
0x2e: {  	v4 =	vperm.xlane v3, v0;
	_ =	sdelay $0x1  }
0x2f: {  	v3 =	vperm.xlane v3, v2;
	v4 =	vadd.s32 v1, v4;
	_ =	sdelay $0x1  }
0x30: {  	v3 =	vadd.s32 v1, v3;
	_ =	sdelay $0x2  }
0x31: {  	[tilespmem:s12], [sflag:$0x1] =	stream.indirect_vreg.gather [hbm4b:s3+s2], $0x80, v4, vm0, $0xb8;
	[tilespmem:$0x8080] =	vst v63  }
0x32: {  	_ = 	snop  }
0x33: {  	[tilespmem:s13], [sflag:$0x1] =	stream.indirect_vreg.gather [hbm4b:s3+s2], $0x80, v3, vm0, $0xb8;
	[tilespmem:$0x8080] =	vst v63  }
0x34: {  	v3 =	vld [tilespmem:$0x30];
	_ =	sdelay $0x4  }
0x35: {  	v59 =	vshll.u32 v3, $0x1  }
0x36: {  	v3 =	vand.u32 $0x7, v3;
	v4 =	vand.u32 $0xFFFFFFF0, v59  }
0x37: {  	v3 =	vor.u32 v3, v4  }
0x38: {  	v4 =	vperm.xlane v3, v0;
	_ =	sdelay $0x1  }
0x39: {  	v3 =	vperm.xlane v3, v2;
	v4 =	vadd.s32 v1, v4;
	_ =	sdelay $0x1  }
0x3a: {  	v3 =	vadd.s32 v1, v3;
	_ =	sdelay $0x2  }
0x3b: {  	[tilespmem:s14], [sflag:$0x1] =	stream.indirect_vreg.gather [hbm4b:s3+s2], $0x80, v4, vm0, $0xb8;
	[tilespmem:$0x8080] =	vst v63  }
0x3c: {  	_ = 	snop  }
0x3d: {  	[tilespmem:s15], [sflag:$0x1] =	stream.indirect_vreg.gather [hbm4b:s3+s2], $0x80, v3, vm0, $0xb8;
	[tilespmem:$0x8080] =	vst v63  }
0x3e: {  	v3 =	vld [tilespmem:$0x40];
	_ =	sdelay $0x4  }
0x3f: {  	v60 =	vshll.u32 v3, $0x1  }
0x40: {  	v3 =	vand.u32 $0x7, v3;
	v4 =	vand.u32 $0xFFFFFFF0, v60  }
0x41: {  	v3 =	vor.u32 v3, v4  }
0x42: {  	v4 =	vperm.xlane v3, v0;
	_ =	sdelay $0x1  }
0x43: {  	v3 =	vperm.xlane v3, v2;
	v4 =	vadd.s32 v1, v4;
	_ =	sdelay $0x1  }
0x44: {  	v3 =	vadd.s32 v1, v3;
	_ =	sdelay $0x2  }
0x45: {  	[tilespmem:s16], [sflag:$0x1] =	stream.indirect_vreg.gather [hbm4b:s3+s2], $0x80, v4, vm0, $0xb8;
	[tilespmem:$0x8080] =	vst v63  }
0x46: {  	_ = 	snop  }
0x47: {  	[tilespmem:s17], [sflag:$0x1] =	stream.indirect_vreg.gather [hbm4b:s3+s2], $0x80, v3, vm0, $0xb8;
	[tilespmem:$0x8080] =	vst v63  }
0x48: {  	v3 =	vld [tilespmem:$0x50];
	_ =	sdelay $0x4  }
0x49: {  	v61 =	vshll.u32 v3, $0x1  }
0x4a: {  	v3 =	vand.u32 $0x7, v3;
	v4 =	vand.u32 $0xFFFFFFF0, v61  }
0x4b: {  	v3 =	vor.u32 v3, v4  }
0x4c: {  	v4 =	vperm.xlane v3, v0;
	_ =	sdelay $0x1  }
0x4d: {  	v3 =	vperm.xlane v3, v2;
	v4 =	vadd.s32 v1, v4;
	_ =	sdelay $0x1  }
0x4e: {  	v3 =	vadd.s32 v1, v3;
	_ =	sdelay $0x2  }
0x4f: {  	[tilespmem:s18], [sflag:$0x1] =	stream.indirect_vreg.gather [hbm4b:s3+s2], $0x80, v4, vm0, $0xb8;
	[tilespmem:$0x8080] =	vst v63  }
0x50: {  	_ = 	snop  }
0x51: {  	[tilespmem:s19], [sflag:$0x1] =	stream.indirect_vreg.gather [hbm4b:s3+s2], $0x80, v3, vm0, $0xb8;
	[tilespmem:$0x8080] =	vst v63  }
0x52: {  	v3 =	vld [tilespmem:$0x60];
	_ =	sdelay $0x4  }
0x53: {  	v62 =	vshll.u32 v3, $0x1  }
0x54: {  	v3 =	vand.u32 $0x7, v3;
	v4 =	vand.u32 $0xFFFFFFF0, v62  }
0x55: {  	v3 =	vor.u32 v3, v4  }
0x56: {  	v4 =	vperm.xlane v3, v0;
	_ =	sdelay $0x1  }
0x57: {  	v3 =	vperm.xlane v3, v2;
	v4 =	vadd.s32 v1, v4;
	_ =	sdelay $0x1  }
0x58: {  	v3 =	vadd.s32 v1, v3;
	_ =	sdelay $0x2  }
0x59: {  	[tilespmem:s20], [sflag:$0x1] =	stream.indirect_vreg.gather [hbm4b:s3+s2], $0x80, v4, vm0, $0xb8;
	[tilespmem:$0x8080] =	vst v63  }
0x5a: {  	_ = 	snop  }
0x5b: {  	[tilespmem:s21], [sflag:$0x1] =	stream.indirect_vreg.gather [hbm4b:s3+s2], $0x80, v3, vm0, $0xb8;
	[tilespmem:$0x8080] =	vst v63  }
0x5c: {  	v3 =	vld [tilespmem:$0x70];
	_ =	sdelay $0x4  }
0x5d: {  	v63 =	vshll.u32 v3, $0x1  }
0x5e: {  	v3 =	vand.u32 $0x7, v3;
	v4 =	vand.u32 $0xFFFFFFF0, v63  }
0x5f: {  	v3 =	vor.u32 v3, v4  }
0x60: {  	v4 =	vperm.xlane v3, v0;
	_ =	sdelay $0x1  }
0x61: {  	v3 =	vperm.xlane v3, v2;
	v4 =	vadd.s32 v1, v4;
	_ =	sdelay $0x1  }
0x62: {  	v3 =	vadd.s32 v1, v3;
	_ =	sdelay $0x2  }
0x63: {  	[tilespmem:s22], [sflag:$0x1] =	stream.indirect_vreg.gather [hbm4b:s3+s2], $0x80, v4, vm0, $0xb8;
	[tilespmem:$0x8080] =	vst v63  }
0x64: {  	_ = 	snop  }
0x65: {  	[tilespmem:s23], [sflag:$0x1] =	stream.indirect_vreg.gather [hbm4b:s3+s2], $0x80, v3, vm0, $0xb8;
	[tilespmem:$0x8080] =	vst v63  }
0x66: {  	_ =	swait.ge [sflag:s24], $0x8000  }
0x67: {  	p0 =	sne.s32 s28, $0x20;
	[sflag:s24] =	ssyncset.done $0x0  }
.Ltmp0:
0x68: {  	[sflag:s24] =	ssyncadd.s32 $0xFFFF8000;
	(pc) =	sbr.rel @p0 .LBB2_2-.Ltmp0, $4  }
0x69: {  	[hbm4b:s26+s2] =	stream.linear.scatter [tilespmem:s8], [sflag:$0x2], $0x8000, $0x38;
	[tilespmem:$0x8080] =	vst v63  }
0x6a: {  	_ =	swait.ge [sflag:s7], $0x8000  }
0x6b: {  	[sflag:s7] =	ssyncset.done $0x0  }
0x6c: {  	s28 =	sadd.s32 $0x10, s28;
	s26 =	sadd.s32 $0x1000, s26;
	[sflag:s7] =	ssyncadd.s32 $0xFFFF8000  }
0x6d: {  	s25 =	sadd.s32 $0x1, s25  }
0x6e: {  	p0 =	sne.s32 s25, s4  }
.Ltmp1:
0x6f: {  	_ = 	snop;
	(pc) =	sbr.rel @p0 .LBB2_1-.Ltmp1, $1  }
0x70: {  	_ =	sdelay $0x3  }
0x71: {  	_ =	sfence.sel $0x180000  }
0x72: {  	[bflag:$0x0] =	sbarrier.arrive $0xFFFF  }
0x73: {  	p0 =	sne.s32 s1, $0x0;
	_ =	strace $0x90000062  }
0x74: {  	s0 =	sadd.s32 @!p0 $0x100000, s0;
	[bflag:$0x2] =	sbarrier.arrive $0xFFFF  }
0x75: {  	[sflag:s0] =	ssyncadd.tile.s32 @!p0 $0x1;
	_ =	shalt  }
.Lfunc_end2:
_tile_overlayer_lowered:
.L_overlay_start_2:
0x76: {  	(tag) =	ssettag $0x2  }
0x77: {  	s0 =	rddreg [dreg:$0x0];
	s2 =	stileid.u32  }
0x78: {  	s1 =	rddreg [dreg:$0x1];
	p0 =	sne.s32 s2, $0x0  }
0x79: {  	s3 =	rddreg [dreg:$0x2];
	[bflag:$0x3] =	sbarrier.arrive $0xFFFF;
	s2 =	simm.s32 @!p0 $0x1C02  }
0x7a: {  	[timem:s3], [sflag:s2] =	dma.local @!p0 [hbm:s0], s1  }
0x7b: {  	s0 =	simm.s32 @!p0 $0x2  }
0x7c: {  	_ =	swait.ge @!p0 [sflag:s0], s1  }
0x7d: {  	s1 =	ssub.s32 @!p0 $0x0, s1;
	[sflag:s0] =	ssyncset.done @!p0 $0x0  }
0x7e: {  	[sflag:s0] =	ssyncadd.s32 @!p0 s1  }
0x7f: {  	[bflag:$0x3] =	sbarrier.arrive $0xFFFF  }
0x80: {  	_ =	shalt  }

// kernel: kernel.35.cloned.1.call-start
scs
__scs_entry_jumppad:
0x0: {  	(pc) =	sbr.rel $0x88, $3  }
0x1: {  	(tag) =	ssettag $0x0;
	lr =	simm.s32 $0x1  }
0x2: {  	[smem:$0x3F39] =	sst lr;
	_ =	strace $0xD0000000  }
0x3: {  	_ = 	snop  }
0x4: {  	_ = 	snop  }
0x5: {  	_ = 	snop  }
0x6: {  	_ = 	snop  }
0x7: {  	_ = 	snop  }
__scs_overlays_trampoline_lowered:
0x8: {  	[smem:$0x3F48] =	sst s0  }
0x9: {  	[smem:$0x3F49] =	sst s1  }
0xa: {  	[smem:$0x3F4A] =	sst s2  }
0xb: {  	[smem:$0x3F4B] =	sst s3  }
0xc: {  	[smem:$0x3F4C] =	sst s4  }
0xd: {  	[smem:$0x3F4D] =	sst s5  }
0xe: {  	[smem:$0x3F4E] =	sst s6  }
0xf: {  	[smem:$0x3F4F] =	sst s7  }
0x10: {  	[smem:$0x3F50] =	sst s8  }
0x11: {  	[smem:$0x3F51] =	sst s9;
	s0 =	simm.s32 @!p0 $0x0  }
0x12: {  	s1 =	sld [smem:$0x3F37];
	s0 =	simm.s32 @p0 $0x1  }
0x13: {  	[smem:$0x3F52] =	sst s0;
	s0 =	simm.s32 @!p1 $0x0  }
0x14: {  	s2 =	sld [smem:$0x3F36];
	s0 =	simm.s32 @p1 $0x1  }
0x15: {  	[smem:$0x3F53] =	sst s0;
	s0 =	simm.s32 @!p2 $0x0  }
0x16: {  	s3 =	sld [smem:$0x3FDB];
	s0 =	simm.s32 @p2 $0x1  }
0x17: {  	s4 =	simm.s32 $0x1BF5;
	[smem:$0x3F55] =	sst s0  }
0x18: {  	s0 =	sld [smem:$0x3F38];
	_ =	swait.ge [sflag:s4], $0x0  }
0x19: {  	s7 =	sld [smem:$0x3F39]  }
0x1a: {  	s8 =	sadd.s32 $0xFFFFE003, lr  }
0x1b: {  	s9 =	sadd.s32 $0xFFFFFEF7, lr;
	s5 =	simm.s32 $0xFFFFFFFF;
	p2 =	slt.u32 s8, $0xFFFFF086  }
0x1c: {  	p1 =	slt.u32 s9, $0xF7A;
	s5 =	simm.s32 @!p2 $0x0  }
0x1d: {  	s5 =	simm.s32 @p1 $0x1;
	p0 =	seq.s32 s7, s2  }
0x1e: {  	s7 =	smul.u32 @!p0 $0xF7A, s2;
	p2 =	seq.s32 @!p0 s5, $0x0  }
0x1f: {  	s9 =	smul.u32 $0xF7A, s1;
	s8 =	simm.s32 @!p0 $0x1BF5;
	p2 =	por !p2, p0  }
0x20: {  	[sflag:s8] =	ssyncset.s32 @!p0 $0xFFFFF086;
	s6 =	sadd.s32 @!p0 s3, s7;
	s7 =	simm.s32 @!p0 $0x108  }
0x21: {  	s3 =	sadd.s32 s3, s9;
	s6 =	sadd.s32 @!p0 $0x88, s6;
	s7 =	simm.s32 @p2 $0x1082  }
0x22: {  	[simem:s7], [sflag:s8] =	dma.local @!p0 [hbm:s6], $0xF7A  }
0x23: {  	s9 =	sor.u32 $0xD0000000, s2;
	s6 =	simm.s32 $0x108;
	_ =	swait.ge @!p0 [sflag:s8], $0x0  }
0x24: {  	s3 =	sadd.s32 $0x88, s3;
	s6 =	simm.s32 @!p1 $0x1082;
	[sflag:s4] =	ssyncset.s32 $0xFFFFF086  }
0x25: {  	[simem:s6], [sflag:s4] =	dma.local [hbm:s3], $0xF7A  }
0x26: {  	[smem:$0x3F39] =	sst s1;
	(tag) =	ssettag s2;
	_ =	strace s9  }
0x27: {  	s1 =	sld [smem:$0x3F49]  }
0x28: {  	s2 =	sld [smem:$0x3F4A]  }
0x29: {  	s4 =	sld [smem:$0x3F4C]  }
0x2a: {  	p0 =	seq.s32 s5, $0x0;
	s5 =	sld [smem:$0x3F4D]  }
0x2b: {  	s6 =	sld [smem:$0x3F4E]  }
0x2c: {  	s7 =	sld [smem:$0x3F4F]  }
0x2d: {  	s3 =	simm.s32 $0x108;
	s8 =	sld [smem:$0x3F50]  }
0x2e: {  	s3 =	simm.s32 @!p0 $0x1082;
	s9 =	sld [smem:$0x3F51]  }
0x2f: {  	lr =	sadd.s32 s0, s3;
	s0 =	sld [smem:$0x3F48]  }
0x30: {  	s3 =	sld [smem:$0x3F4B]  }
0x31: {  	[smem:$0x3F54] =	sst s10  }
0x32: {  	s10 =	sld [smem:$0x3F52];
	_ =	sdelay $0x3  }
0x33: {  	p0 =	seq.s32 s10, $0x1;
	s10 =	sld [smem:$0x3F54];
	_ =	sdelay $0x3  }
0x34: {  	[smem:$0x3F54] =	sst s10  }
0x35: {  	s10 =	sld [smem:$0x3F53];
	_ =	sdelay $0x3  }
0x36: {  	p1 =	seq.s32 s10, $0x1;
	s10 =	sld [smem:$0x3F54];
	_ =	sdelay $0x3  }
0x37: {  	[smem:$0x3F54] =	sst s10  }
0x38: {  	s10 =	sld [smem:$0x3F55]  }
0x39: {  	_ = 	snop;
	(pc) =	sbr.ind lr, $3  }
0x3a: {  	_ = 	snop  }
0x3b: {  	_ = 	snop  }
0x3c: {  	p2 =	seq.s32 s10, $0x1;
	s10 =	sld [smem:$0x3F54]  }
0x3d: {  	_ =	shalt  }
0x3e: {  	_ =	shalt  }
0x3f: {  	_ =	shalt  }
0x40: {  	_ =	shalt  }
0x41: {  	_ =	shalt  }
0x42: {  	_ =	shalt  }
0x43: {  	_ =	shalt  }
0x44: {  	_ =	shalt  }
0x45: {  	_ =	shalt  }
0x46: {  	_ =	shalt  }
0x47: {  	_ =	shalt  }
0x48: {  	_ =	shalt  }
0x49: {  	_ =	shalt  }
0x4a: {  	_ =	shalt  }
0x4b: {  	_ =	shalt  }
0x4c: {  	_ =	shalt  }
0x4d: {  	_ =	shalt  }
0x4e: {  	_ =	shalt  }
0x4f: {  	_ =	shalt  }
0x50: {  	_ =	shalt  }
0x51: {  	_ =	shalt  }
0x52: {  	_ =	shalt  }
0x53: {  	_ =	shalt  }
0x54: {  	_ =	shalt  }
0x55: {  	_ =	shalt  }
0x56: {  	_ =	shalt  }
0x57: {  	_ =	shalt  }
0x58: {  	_ =	shalt  }
0x59: {  	_ =	shalt  }
0x5a: {  	_ =	shalt  }
0x5b: {  	_ =	shalt  }
0x5c: {  	_ =	shalt  }
0x5d: {  	_ =	shalt  }
0x5e: {  	_ =	shalt  }
0x5f: {  	_ =	shalt  }
0x60: {  	_ =	shalt  }
0x61: {  	_ =	shalt  }
0x62: {  	_ =	shalt  }
0x63: {  	_ =	shalt  }
0x64: {  	_ =	shalt  }
0x65: {  	_ =	shalt  }
0x66: {  	_ =	shalt  }
0x67: {  	_ =	shalt  }
0x68: {  	_ =	shalt  }
0x69: {  	_ =	shalt  }
0x6a: {  	_ =	shalt  }
0x6b: {  	_ =	shalt  }
0x6c: {  	_ =	shalt  }
0x6d: {  	_ =	shalt  }
0x6e: {  	_ =	shalt  }
0x6f: {  	_ =	shalt  }
0x70: {  	_ =	shalt  }
0x71: {  	_ =	shalt  }
0x72: {  	_ =	shalt  }
0x73: {  	_ =	shalt  }
0x74: {  	_ =	shalt  }
0x75: {  	_ =	shalt  }
0x76: {  	_ =	shalt  }
0x77: {  	_ =	shalt  }
0x78: {  	_ =	shalt  }
0x79: {  	_ =	shalt  }
0x7a: {  	_ =	shalt  }
0x7b: {  	_ =	shalt  }
0x7c: {  	_ =	shalt  }
0x7d: {  	_ =	shalt  }
0x7e: {  	_ =	shalt  }
0x7f: {  	_ =	shalt  }
0x80: {  	_ =	shalt  }
0x81: {  	_ =	shalt  }
0x82: {  	_ =	shalt  }
0x83: {  	_ =	shalt  }
0x84: {  	_ =	shalt  }
0x85: {  	_ =	shalt  }
0x86: {  	_ =	shalt  }
0x87: {  	_ =	shalt  }
.Lfunc_end0:
.L_simem_size_0:
called_computation.10_lowered:
.L_overlay_start_0:
0x88: {  	s2 =	sld [smem:$0x3FD9]  }
0x89: {  	s3 =	sld [smem:$0x3FFE];
	_ =	sdelay $0x1  }
0x8a: {  	s1 =	srdreg.scid  }
0x8b: {  	s0 =	sand.u32 $0x1, s1  }
0x8c: {  	s14 =	sshll.u32 s0, $0xA;
	s2 =	sadd.s32 s3, s2  }
0x8d: {  	s2 =	sadd.s32 s2, s14  }
0x8e: {  	[smem:$0x3F60] =	sst s2  }
0x8f: {  	_ = 	snop  }
0x90: {  	s2 =	sld [smem:$0x3FD0];
	_ =	sdelay $0x2  }
0x91: {  	s15 =	simm.s32 $0xC;
	s4 =	simm.s32 $0x10  }
0x92: {  	[smem:s4], [sflag:s15] =	dma.local [hbm:s2], $0x1  }
0x93: {  	_ =	swait.eq [sflag:s15], $0x1  }
0x94: {  	[sflag:s15] =	ssyncset.done $0x0  }
0x95: {  	[sflag:s15] =	ssyncadd.s32 $0xFFFFFFFF  }
0x96: {  	s16 =	sld [smem:$0x10];
	(tm) =	ssettm $0x1  }
0x97: {  	s17 =	sld [smem:$0x3FFB];
	_ =	sdelay $0x3  }
0x98: {  	_ =	strace s17  }
0x99: {  	s3 =	sld [smem:$0x3FFC];
	_ =	sdelay $0x3  }
0x9a: {  	_ =	strace s3  }
0x9b: {  	s3 =	sld [smem:$0x3FFD];
	_ =	sdelay $0x3  }
0x9c: {  	_ =	strace s3  }
0x9d: {  	_ =	strace $0x8FFFFFFF  }
0x9e: {  	s18 =	sld [smem:$0x3FDB];
	_ =	sdelay $0x1  }
0x9f: {  	s19 =	simm.s32 $_scs_section_size  }
0xa0: {  	s5 =	simm.s32 $_size__tile_overlayer_lowered;
	s6 =	simm.s32 $_tile_overlayer_lowered  }
0xa1: {  	s22 =	simm.s32 $0x1BFF;
	s21 =	sshll.u32 s6, $0x1;
	s3 =	sadd.s32 s19, s18  }
0xa2: {  	s7 =	simm.s32 $0x0;
	s20 =	sshll.u32 s5, $0x1;
	s5 =	sadd.s32 s21, s3  }
0xa3: {  	[timem:s7], [sflag:s22] =	dma.local [hbm:s5], s20  }
0xa4: {  	_ =	swait.ge [sflag:s22], s20  }
0xa5: {  	s4 =	ssub.s32 $0x0, s20;
	[sflag:s22] =	ssyncset.done $0x0  }
0xa6: {  	[sflag:s22] =	ssyncadd.s32 s4;
	_ =	sdelay $0x1  }
0xa7: {  	s23 =	simm.s32 $0x1B8B  }
0xa8: {  	_ =	swait.ge [sflag:s23], $0x1  }
0xa9: {  	[sflag:s23] =	ssyncset.done $0x0  }
0xaa: {  	s25 =	simm.s32 $0x1B8E;
	s24 =	sld [smem:$0x3FFE];
	[sflag:s23] =	ssyncadd.s32 $0xFFFFFFFF  }
0xab: {  	s26 =	simm.s32 $execute0_lowered;
	[smem:$0x3FD2] =	sst s25  }
0xac: {  	s5 =	sshll.u32 s26, $0x1;
	_ =	strace $0x80000064;
	[dreg:$0x1] =	wrdreg $0xFFFFFFFF  }
0xad: {  	s28 =	simm.s32 $_size_execute0_lowered;
	s3 =	sadd.s32 s3, s5;
	[dreg:$0x0] =	wrdreg $0x0  }
0xae: {  	s5 =	sshll.u32 s28, $0x1;
	[dreg:$0x2] =	wrdreg s3  }
0xaf: {  	[dreg:$0x3] =	wrdreg s5  }
0xb0: {  	[dreg:$0x4] =	wrdreg $0xC0  }
0xb1: {  	_ =	task [dreg:s7], $0x5FFFF  }
0xb2: {  	[dreg:$0x1] =	wrdreg $0xFFFFFFFF  }
0xb3: {  	[dreg:$0x0] =	wrdreg $0x60  }
0xb4: {  	[dreg:$0x2] =	wrdreg s16  }
0xb5: {  	[dreg:$0x3] =	wrdreg s24  }
0xb6: {  	[dreg:$0x4] =	wrdreg $0x9  }
0xb7: {  	_ =	task.clear_ibuf [dreg:s7], $0x5FFFF;
	_ =	strace $0x90000064  }
0xb8: {  	s29 =	simm.s32 $0x9;
	_ =	strace $0x80000066  }
0xb9: {  	_ =	swait.ge [sflag:s29], $0x1  }
0xba: {  	[sflag:s29] =	ssyncadd.s32 $0xFFFFFFFF  }
0xbb: {  	_ =	strace $0x90000066  }
0xbc: {  	_ =	sfence  }
0xbd: {  	s30 =	sld [smem:$0x0];
	_ =	sdelay $0x2  }
0xbe: {  	s31 =	sshll.u32 s1, $0xD;
	s1 =	sshrl.u32 s1, $0x2  }
0xbf: {  	s3 =	sand.u32 $0x4000, s31;
	s1 =	sadd.s32 s1, s30  }
0xc0: {  	s0 =	sor.u32 s3, s0;
	s1 =	sshll.u32 s1, $0x11  }
0xc1: {  	s0 =	sor.u32 s1, s0  }
0xc2: {  	s0 =	sadd.s32 $0x8F2B, s0  }
0xc3: {  	[sflag:s0] =	ssyncadd.remote.s32 $0x1  }
0xc4: {  	_ =	sfence.sel $0xFFFF  }
0xc5: {  	[dreg:$0x0] =	wrdreg $0xFFFFFFFF;
	(pc) =	sbr.abs _section_cstart, $3  }
0xc6: {  	[dreg:$0x1] =	wrdreg $0xFFFFFFFF  }
0xc7: {  	_ =	task.clear_ibuf [dreg:s7], $0x2FFFF;
	_ =	strace $0x9FFFFFFF  }
0xc8: {  	(tm) =	ssettm $0x7FFFFFFF  }
0xc9: {  	_ =	shalt  }
tec
execute0_lowered:
.L_overlay_start_1:
0x0: {  	(tag) =	ssettag $0x1  }
0x1: {  	s2 =	rddreg [dreg:$0x0]  }
0x2: {  	s4 =	rddreg [dreg:$0x1]  }
0x3: {  	s0 =	rddreg [dreg:$0x2];
	s1 =	stileid.u32  }
0x4: {  	s5 =	srdreg.scid;
	s3 =	simm.s32 $0x0;
	s6 =	smul.u32 $0xC00, s1  }
0x5: {  	s10 =	simm.s32 $0x0;
	s5 =	sand.u32 $0x1, s5;
	s8 =	smul.u32 $0xC000, s1  }
0x6: {  	[smem:$0x7FF] =	sst s3;
	s7 =	smul.u32 $0x600, s5;
	s9 =	ssub.s32 $0x2, s5  }
0x7: {  	_ =	strace $0x80000065;
	s5 =	smul.u32 $0x6000, s5;
	s31 =	sshrl.u32 s9, $0x1  }
0x8: {  	s8 =	sadd.s32 s8, s4;
	s6 =	sadd.s32 s7, s6;
	s7 =	ssub.s32 s9, s31  }
0x9: {  	s5 =	sadd.s32 s5, s8;
	s8 =	simm.s32 $0x80;
	s6 =	sshrl.u32 s6, $0x3  }
0xa: {  	s9 =	simm.s32 $0x1;
	s5 =	sadd.s32 $0x1C5800, s5;
	s6 =	sadd.s32 s6, s4  }
0xb: {  	s4 =	smax.u32 s7, $0x1;
	s7 =	simm.s32 $0x2;
	s6 =	sadd.s32 $0x2C200, s6  }
.LBB2_1:
0xc: {  	s11 =	sadd.s32 $0x0, s6  }
0xd: {  	[tilespmem:s3], [sflag:$0x2] =	stream.linear.gather [hbm4b:s11+s3], $0x80, $0x38;
	[tilespmem:$0x4080] =	vst v63  }
0xe: {  	_ =	swait.ge [sflag:s7], $0x80  }
0xf: {  	[sflag:s7] =	ssyncset.done $0x0  }
0x10: {  	[sflag:s7] =	ssyncadd.s32 $0xFFFFFF80  }
0x11: {  	[tilespmem:s8], [sflag:$0x1] =	stream.indirect.gather [hbm4b:s2+s8], $0x80, s3, s8, $0xb8;
	[tilespmem:$0x4080] =	vst v63  }
0x12: {  	_ =	swait.ge [sflag:s9], $0x4000  }
0x13: {  	[sflag:s9] =	ssyncset.done $0x0  }
0x14: {  	[sflag:s9] =	ssyncadd.s32 $0xFFFFC000  }
0x15: {  	[hbm4b:s5+s3] =	stream.linear.scatter [tilespmem:s8], [sflag:$0x2], $0x4000, $0x38;
	[tilespmem:$0x4080] =	vst v63  }
0x16: {  	s12 =	simm.s32 $0x10;
	_ =	swait.ge [sflag:s7], $0x4000  }
0x17: {  	s13 =	simm.s32 $0x20;
	s11 =	sadd.s32 $0x800, s5;
	[sflag:s7] =	ssyncset.done $0x0  }
.LBB2_2:
0x18: {  	s14 =	sadd.s32 s12, s6  }
0x19: {  	[sflag:s7] =	ssyncadd.s32 $0xFFFFC000;
	s12 =	smov.u32 s13;
	s15 =	sadd.s32 $0x10, s13  }
0x1a: {  	[tilespmem:s3], [sflag:$0x2] =	stream.linear.gather [hbm4b:s14+s3], $0x80, $0x38;
	[tilespmem:$0x4080] =	vst v63  }
0x1b: {  	p0 =	sne.s32 s13, $0xB0;
	_ =	swait.ge [sflag:s7], $0x80  }
0x1c: {  	[sflag:s7] =	ssyncset.done $0x0  }
0x1d: {  	[sflag:s7] =	ssyncadd.s32 $0xFFFFFF80  }
0x1e: {  	[tilespmem:s8], [sflag:$0x1] =	stream.indirect.gather [hbm4b:s2+s8], $0x80, s3, s8, $0xb8;
	[tilespmem:$0x4080] =	vst v63  }
0x1f: {  	_ =	swait.ge [sflag:s9], $0x4000  }
.Ltmp0:
0x20: {  	[sflag:s9] =	ssyncset.done $0x0;
	(pc) =	sbr.rel @p0 .LBB2_2-.Ltmp0, $4  }
0x21: {  	[sflag:s9] =	ssyncadd.s32 $0xFFFFC000  }
0x22: {  	[hbm4b:s11+s3] =	stream.linear.scatter [tilespmem:s8], [sflag:$0x2], $0x4000, $0x38;
	[tilespmem:$0x4080] =	vst v63  }
0x23: {  	_ =	swait.ge [sflag:s7], $0x4000  }
0x24: {  	s13 =	smov.u32 s15;
	s11 =	sadd.s32 $0x800, s11;
	[sflag:s7] =	ssyncset.done $0x0  }
0x25: {  	s12 =	sadd.s32 s12, s6;
	[sflag:s7] =	ssyncadd.s32 $0xFFFFC000  }
0x26: {  	[tilespmem:s3], [sflag:$0x2] =	stream.linear.gather [hbm4b:s12+s3], $0x80, $0x38;
	[tilespmem:$0x4080] =	vst v63  }
0x27: {  	_ =	swait.ge [sflag:s7], $0x80  }
0x28: {  	[sflag:s7] =	ssyncset.done $0x0  }
0x29: {  	[sflag:s7] =	ssyncadd.s32 $0xFFFFFF80  }
0x2a: {  	[tilespmem:s8], [sflag:$0x1] =	stream.indirect.gather [hbm4b:s2+s8], $0x80, s3, s8, $0xb8;
	[tilespmem:$0x4080] =	vst v63  }
0x2b: {  	s10 =	sadd.s32 $0x1, s10;
	_ =	swait.ge [sflag:s9], $0x4000  }
0x2c: {  	p0 =	sne.s32 s10, s4;
	[sflag:s9] =	ssyncset.done $0x0  }
.Ltmp1:
0x2d: {  	[sflag:s9] =	ssyncadd.s32 $0xFFFFC000;
	(pc) =	sbr.rel @p0 .LBB2_1-.Ltmp1, $4  }
0x2e: {  	[hbm4b:s11+s3] =	stream.linear.scatter [tilespmem:s8], [sflag:$0x2], $0x4000, $0x38;
	[tilespmem:$0x4080] =	vst v63  }
0x2f: {  	_ =	swait.ge [sflag:s7], $0x4000  }
0x30: {  	[sflag:s7] =	ssyncset.done $0x0  }
0x31: {  	[sflag:s7] =	ssyncadd.s32 $0xFFFFC000  }
0x32: {  	_ =	sfence.sel $0x180000  }
0x33: {  	[bflag:$0x0] =	sbarrier.arrive $0xFFFF  }
0x34: {  	p0 =	sne.s32 s1, $0x0;
	_ =	strace $0x90000065  }
0x35: {  	s0 =	sadd.s32 @!p0 $0x100000, s0;
	[bflag:$0x2] =	sbarrier.arrive $0xFFFF  }
0x36: {  	[sflag:s0] =	ssyncadd.tile.s32 @!p0 $0x1;
	_ =	shalt  }
.Lfunc_end2:
_tile_overlayer_lowered:
.L_overlay_start_2:
0x37: {  	(tag) =	ssettag $0x2  }
0x38: {  	s0 =	rddreg [dreg:$0x0];
	s2 =	stileid.u32  }
0x39: {  	s1 =	rddreg [dreg:$0x1];
	p0 =	sne.s32 s2, $0x0  }
0x3a: {  	s3 =	rddreg [dreg:$0x2];
	[bflag:$0x3] =	sbarrier.arrive $0xFFFF;
	s2 =	simm.s32 @!p0 $0x1C02  }
0x3b: {  	[timem:s3], [sflag:s2] =	dma.local @!p0 [hbm:s0], s1  }
0x3c: {  	s0 =	simm.s32 @!p0 $0x2  }
0x3d: {  	_ =	swait.ge @!p0 [sflag:s0], s1  }
0x3e: {  	s1 =	ssub.s32 @!p0 $0x0, s1;
	[sflag:s0] =	ssyncset.done @!p0 $0x0  }
0x3f: {  	[sflag:s0] =	ssyncadd.s32 @!p0 s1  }
0x40: {  	[bflag:$0x3] =	sbarrier.arrive $0xFFFF  }
0x41: {  	_ =	shalt  }

// kernel: sparse-core-data-format-call.1.cloned.1.call-start
scs
called_computation.1_lowered:
.L_overlay_start_0:
0x0: {  	s2 =	sld [smem:$0x3FD9]  }
0x1: {  	s3 =	sld [smem:$0x3FFE];
	_ =	sdelay $0x1  }
0x2: {  	s1 =	srdreg.scid  }
0x3: {  	s0 =	sand.u32 $0x1, s1  }
0x4: {  	s18 =	sshll.u32 s0, $0xA;
	s2 =	sadd.s32 s3, s2  }
0x5: {  	s2 =	sadd.s32 s2, s18  }
0x6: {  	[smem:$0x3F60] =	sst s2  }
0x7: {  	_ = 	snop  }
0x8: {  	(tm) =	ssettm $0x1  }
0x9: {  	s19 =	sld [smem:$0x3FFB];
	_ =	sdelay $0x3  }
0xa: {  	_ =	strace s19  }
0xb: {  	s2 =	sld [smem:$0x3FFC];
	_ =	sdelay $0x3  }
0xc: {  	_ =	strace s2  }
0xd: {  	s2 =	sld [smem:$0x3FFD];
	_ =	sdelay $0x3  }
0xe: {  	_ =	strace s2  }
0xf: {  	_ =	strace $0x8FFFFFFF  }
0x10: {  	s20 =	sld [smem:$0x3FDB];
	_ =	sdelay $0x1  }
0x11: {  	s21 =	simm.s32 $_scs_section_size  }
0x12: {  	s4 =	simm.s32 $_size__tile_overlayer_lowered;
	s5 =	simm.s32 $_tile_overlayer_lowered  }
0x13: {  	s6 =	simm.s32 $0x1BFF;
	s22 =	sshll.u32 s5, $0x1;
	s3 =	sadd.s32 s21, s20  }
0x14: {  	s23 =	simm.s32 $0x0;
	s4 =	sshll.u32 s4, $0x1;
	s5 =	sadd.s32 s22, s3  }
0x15: {  	[timem:s23], [sflag:s6] =	dma.local [hbm:s5], s4  }
0x16: {  	_ =	swait.ge [sflag:s6], s4  }
0x17: {  	s4 =	ssub.s32 $0x0, s4;
	[sflag:s6] =	ssyncset.done $0x0  }
0x18: {  	[sflag:s6] =	ssyncadd.s32 s4;
	_ =	sdelay $0x1  }
0x19: {  	s24 =	simm.s32 $0x1B8B  }
0x1a: {  	_ =	swait.ge [sflag:s24], $0x1  }
0x1b: {  	[sflag:s24] =	ssyncset.done $0x0  }
0x1c: {  	[sflag:s24] =	ssyncadd.s32 $0xFFFFFFFF  }
0x1d: {  	s4 =	sld [smem:$0x0]  }
0x1e: {  	s5 =	sand.u32 $0xFFFFFFFE, s1  }
0x1f: {  	p0 =	sne.s32 s1, s5  }
0x20: {  	s5 =	sshll.u32 @p0 s5, $0xE  }
0x21: {  	s5 =	sadd.s32 @p0 $0x11B8D, s5;
	s6 =	sshll.u32 @p0 s4, $0x11  }
0x22: {  	s5 =	sor.u32 @p0 s6, s5  }
0x23: {  	[sflag:s5] =	ssyncadd.remote.s32 @p0 $0x1;
	_ =	sdelay $0x1  }
0x24: {  	s5 =	simm.s32 @p0 $0x1B8D  }
0x25: {  	_ =	swait.eq @p0 [sflag:s5], $0x1  }
0x26: {  	[sflag:s5] =	ssyncadd.s32 @p0 $0xFFFFFFFF  }
0x27: {  	s6 =	sshll.u32 @!p0 s1, $0xE  }
0x28: {  	s6 =	sor.u32 @!p0 $0x4000, s6;
	s5 =	simm.s32 @!p0 $0x1B8D  }
0x29: {  	s4 =	sshll.u32 @!p0 s4, $0x11;
	s6 =	sadd.s32 @!p0 $0x11B8D, s6;
	_ =	swait.eq @!p0 [sflag:s5], $0x1  }
0x2a: {  	s4 =	sor.u32 @!p0 s4, s6;
	[sflag:s5] =	ssyncadd.s32 @!p0 $0xFFFFFFFF  }
0x2b: {  	s26 =	simm.s32 $0x1B8E;
	s25 =	sld [smem:$0x3FFE];
	[sflag:s4] =	ssyncadd.remote.s32 @!p0 $0x1  }
0x2c: {  	s27 =	simm.s32 $execute0_lowered;
	[smem:$0x3FD2] =	sst s26  }
0x2d: {  	s5 =	sshll.u32 s27, $0x1;
	_ =	strace $0x8000005E;
	[dreg:$0x1] =	wrdreg $0xFFFFFFFF  }
0x2e: {  	s28 =	simm.s32 $_size_execute0_lowered;
	s3 =	sadd.s32 s3, s5;
	[dreg:$0x0] =	wrdreg $0x0  }
0x2f: {  	s5 =	sshll.u32 s28, $0x1;
	[dreg:$0x2] =	wrdreg s3  }
0x30: {  	[dreg:$0x3] =	wrdreg s5  }
0x31: {  	[dreg:$0x4] =	wrdreg $0xC0  }
0x32: {  	_ =	task [dreg:s23], $0x5FFFF  }
0x33: {  	[dreg:$0x1] =	wrdreg $0xFFFFFFFF  }
0x34: {  	[dreg:$0x0] =	wrdreg $0x60  }
0x35: {  	[dreg:$0x2] =	wrdreg s25  }
0x36: {  	[dreg:$0x3] =	wrdreg $0xA  }
0x37: {  	_ =	task.clear_ibuf [dreg:s23], $0x4FFFF;
	_ =	strace $0x9000005E  }
0x38: {  	s29 =	simm.s32 $0xA;
	_ =	strace $0x80000060  }
0x39: {  	_ =	swait.ge [sflag:s29], $0x1  }
0x3a: {  	[sflag:s29] =	ssyncadd.s32 $0xFFFFFFFF  }
0x3b: {  	_ =	strace $0x90000060  }
0x3c: {  	_ =	sfence  }
0x3d: {  	s30 =	sld [smem:$0x0];
	_ =	sdelay $0x2  }
0x3e: {  	s31 =	sshll.u32 s1, $0xD;
	s1 =	sshrl.u32 s1, $0x2  }
0x3f: {  	s4 =	sand.u32 $0x4000, s31;
	s1 =	sadd.s32 s1, s30  }
0x40: {  	s0 =	sor.u32 s4, s0;
	s1 =	sshll.u32 s1, $0x11  }
0x41: {  	s0 =	sor.u32 s1, s0  }
0x42: {  	s0 =	sadd.s32 $0x8F2B, s0  }
0x43: {  	[sflag:s0] =	ssyncadd.remote.s32 $0x1  }
0x44: {  	_ =	sfence.sel $0xFFFF  }
0x45: {  	[dreg:$0x0] =	wrdreg $0xFFFFFFFF;
	(pc) =	sbr.abs _section_cstart, $3  }
0x46: {  	[dreg:$0x1] =	wrdreg $0xFFFFFFFF  }
0x47: {  	_ =	task.clear_ibuf [dreg:s23], $0x2FFFF;
	_ =	strace $0x9FFFFFFF  }
0x48: {  	(tm) =	ssettm $0x7FFFFFFF  }
0x49: {  	_ =	shalt  }
tec
execute0_lowered:
.L_overlay_start_1:
0x0: {  	(tag) =	ssettag $0x1  }
0x1: {  	s1 =	srdreg.scid;
	s0 =	stileid.u32  }
0x2: {  	s8 =	rddreg [dreg:$0x0];
	s9 =	simm.s32 $0x2;
	s1 =	sshll.u32 s1, $0x4  }
0x3: {  	s19 =	simm.s32 $0x0;
	s31 =	sshll.u32 s0, $0x1;
	s2 =	sor.u32 s0, s1  }
0x4: {  	s10 =	simm.s32 $0x5000;
	s1 =	sand.u32 $0x6, s31;
	s2 =	sshrl.u32 s2, $0x1  }
0x5: {  	s17 =	simm.s32 $0x0;
	s3 =	ssub.s32 $0x8, s1;
	s2 =	sand.u32 $0xE, s2  }
0x6: {  	s16 =	simm.s32 $0x0;
	s4 =	sand.u32 $0x6, s3;
	s5 =	ssub.s32 $0x80, s2  }
0x7: {  	p0 =	sne.s32 s4, $0x0;
	s4 =	simm.s32 $0x1;
	s6 =	sand.u32 $0xE, s5  }
0x8: {  	s4 =	simm.s32 @!p0 $0x0;
	p0 =	sne.s32 s6, $0x0;
	s6 =	simm.s32 $0x1  }
0x9: {  	s3 =	sshrl.u32 s3, $0x3;
	s5 =	sshrl.u32 s5, $0x4;
	s6 =	simm.s32 @!p0 $0x0  }
0xa: {  	s18 =	simm.s32 $0x0;
	s4 =	sadd.s32 s4, s3;
	s5 =	sadd.s32 s6, s5  }
0xb: {  	s11 =	simm.s32 $0x0;
	s13 =	simm.s32 $0x0;
	s6 =	smul.u32 s5, s4  }
.Ltmp0:
0xc: {  	s15 =	simm.s32 $0x0;
	s7 =	sadd.s32 $0x465400, s8;
	(pc) =	sbr.rel .LBB1_1-.Ltmp0, $4  }
0xd: {  	s14 =	smov.u32 s1;
	s12 =	smov.u32 s2;
	s3 =	rddreg [dreg:$0x1]  }
0xe: {  	_ =	strace $0x8000005F;
	s5 =	simm.s32 $0x1;
	s6 =	smul.u32 $0x5, s6  }
0xf: {  	p0 =	por $0x0, $0x0;
	s4 =	sadd.s32 $0xE65400, s8;
	[sflag:s5] =	ssyncpa.u1 $0x0  }
0x10: {  	s8 =	sadd.s32 $0x4B5400, s8;
	[sflag:s9] =	ssyncpa.u1 $0x0;
	s9 =	sadd.s32 $0x1, s6  }
.LBB1_7:
0x11: {  	s20 =	sadd.s32 $0x40, s11  }
0x12: {  	s16 =	sadd.s32 $0x10, s12;
	s21 =	smov.u32 s12;
	p2 =	sgt.s32 s20, $0x13F  }
0x13: {  	s21 =	smov.u32 @p2 s16  }
0x14: {  	s22 =	smov.u32 s13;
	s16 =	sadd.s32 $0x80, s13;
	p3 =	sgt.s32 s21, $0x7F  }
0x15: {  	s22 =	smov.u32 @p3 s16  }
0x16: {  	s23 =	smov.u32 s14;
	s16 =	sadd.s32 $0x8, s14;
	p4 =	sgt.s32 s22, $0x7F  }
0x17: {  	p1 =	slt.u32 s15, $0x2;
	s23 =	smov.u32 @p4 s16  }
0x18: {  	s19 =	smov.u32 s11;
	s20 =	simm.s32 @p2 $0x0;
	p2 =	sgt.s32 s23, $0x7  }
0x19: {  	s24 =	simm.s32 @!p1 $0x2;
	s23 =	smov.u32 @p2 s1;
	p2 =	sne.s32 s15, s9  }
.Ltmp1:
0x1a: {  	s17 =	smov.u32 s12;
	_ =	swait.ge @!p1 [sflag:s24], $0x4000;
	(pc) =	sbr.rel @!p2 .LBB1_8-.Ltmp1, $4  }
0x1b: {  	s18 =	smov.u32 s14;
	p0 =	por !p0, !p0;
	[sflag:s24] =	ssyncset.done @!p1 $0x0  }
0x1c: {  	s11 =	smov.u32 s20;
	s21 =	smov.u32 @p3 s2;
	[sflag:s24] =	ssyncadd.s32 @!p1 $0xFFFFC000  }
0x1d: {  	s12 =	smov.u32 s21;
	s22 =	simm.s32 @p4 $0x0;
	s16 =	smov.u32 s13  }
0x1e: {  	s13 =	smov.u32 s22;
	s15 =	sadd.s32 $0x1, s15;
	s14 =	smov.u32 s23  }
.LBB1_1:
0x1f: {  	p1 =	sge.u32 s15, s6  }
0x20: {  	s20 =	sshrl.u32 @!p1 s12, $0x3  }
0x21: {  	s21 =	sshll.u32 @!p1 s11, $0x3;
	s20 =	smul.u32 @!p1 $0xC00, s20  }
0x22: {  	s22 =	sshll.u32 @!p1 s12, $0x7;
	s21 =	sand.u32 @!p1 $0xFFFFFC00, s21  }
0x23: {  	s20 =	sadd.s32 @!p1 s20, s21;
	s21 =	sand.u32 @!p1 $0x300, s22;
	s22 =	sshll.u32 @!p1 s11, $0x1  }
0x24: {  	s20 =	sor.u32 @!p1 s21, s20;
	s21 =	sand.u32 @!p1 $0xFE, s22  }
0x25: {  	s22 =	sand.u32 @!p1 $0x1, s12;
	s20 =	sor.u32 @!p1 s21, s20  }
0x26: {  	s21 =	sor.u32 @!p1 s22, s20;
	s20 =	smulhi.u32 @!p1 $0xAAAAAAAB, s20  }
0x27: {  	s22 =	smulhi.u32 @!p1 $0xAAAAAAAB, s21  }
0x28: {  	s23 =	smul.u32 @!p1 $0x60000, s14  }
0x29: {  	s24 =	smul.u32 @!p1 $0xC00, s13;
	s20 =	sshrl.u32 @!p1 s20, $0x8;
	s22 =	sshrl.u32 @!p1 s22, $0x8  }
0x2a: {  	s20 =	sand.u32 @!p1 $0x7F, s20;
	s22 =	smul.u32 @!p1 $0x180, s22  }
0x2b: {  	s31 =	sadd.s32 $0xFFFFFFFF, s15;
	s23 =	sadd.s32 @!p1 s4, s23;
	s20 =	smul.u32 @!p1 $0x18, s20  }
0x2c: {  	s25 =	sxor.u32 @!p1 $0xFFFFFFFF, s15;
	s21 =	ssub.s32 @!p1 s21, s22;
	s22 =	sadd.s32 @!p1 s24, s23  }
0x2d: {  	s23 =	sshrl.u32 @!p1 s21, $0x4;
	s20 =	sadd.s32 @!p1 s20, s22;
	s21 =	sshll.u32 @!p1 s21, $0x11  }
0x2e: {  	s22 =	sshll.u32 @!p1 s25, $0xE;
	s20 =	sadd.s32 @!p1 s23, s20;
	s21 =	sand.u32 @!p1 $0x1C0000, s21  }
0x2f: {  	s22 =	sand.u32 @!p1 $0x4000, s22;
	s23 =	simm.s32 @!p1 $0x6000;
	s21 =	sor.u32 @!p1 $0x40, s21  }
0x30: {  	[tilespmem:s22], [sflag:$0x1] =	stream.strided.gather @!p1 [hbm4b:s20+s21], $0x4000, s23, s21, $0x38;
	[tilespmem:$0x10100] =	vst v63  }
0x31: {  	p1 =	sge.u32 s31, s6  }
.Ltmp2:
0x32: {  	_ = 	snop;
	(pc) =	sbr.rel @p1 .LBB1_7-.Ltmp2, $1  }
0x33: {  	_ =	sdelay $0x3  }
0x34: {  	s20 =	simm.s32 $0x1;
	s22 =	sand.u32 $0x1, s15  }
0x35: {  	_ =	swait.ge [sflag:s5], $0x4000;
	s20 =	simm.s32 @!p0 $0x0;
	s22 =	smul.u32 $0x10200, s22  }
0x36: {  	s24 =	simm.s32 $0x0;
	[sflag:s5] =	ssyncset.done $0x0;
	s21 =	smul.u32 $0x10200, s20  }
0x37: {  	p2 =	por $0x1, $0x1;
	s23 =	sshll.u32 s20, $0x10;
	[sflag:s5] =	ssyncadd.s32 $0xFFFFC000  }
0x38: {  	s20 =	sshrl.u32 s22, $0x2;
	s23 =	sshrl.u32 s23, $0x2;
	s31 =	sshrl.u32 s21, $0x2  }
0x39: {  	s21 =	sor.u32 $0x8000, s20;
	s23 =	sadd.s32 $0x20, s23;
	s22 =	sor.u32 $0x8000, s31  }
.LBB1_3:
0x3a: {  	s25 =	sshll.u32 s24, $0xD  }
0x3b: {  	s25 =	sand.u32 $0x3FFFE000, s25  }
0x3c: {  	s25 =	sadd.s32 s25, s23  }
0x3d: {  	v0 =	vld [tilespmem:s25+$0x0]  }
0x3e: {  	v1 =	vld [tilespmem:s25+$0x10]  }
0x3f: {  	v2 =	vld [tilespmem:s25+$0xFFFFFFF0]  }
0x40: {  	v3 =	vld [tilespmem:s25+$0xFFFFFFE0];
	_ =	sdelay $0x2  }
0x41: {  	s31 =	smul.u32 $0x8100, s24;
	s28 =	sadd.s32 $0x40, s25  }
0x42: {  	v1 =	vperm.xlane.i2c.b16 v1;
	v4 =	vperm.xlane.i2c.b16 v0;
	v0 =	vld [tilespmem:s28+$0x0]  }
0x43: {  	s24 =	sshra.s32 s31, $0x2;
	v6 =	vperm.xlane.i2c.b16 v2;
	v2 =	vld [tilespmem:s28+$0x10];
	v7 =	vperm.xlane.i2c.b16 v3  }
0x44: {  	s24 =	sadd.s32 s24, s22;
	v5 =	vcombine.low v4, v1;
	v8 =	vcombine.high v4, v1;
	v1 =	vld [tilespmem:s28+$0xFFFFFFF0]  }
0x45: {  	s25 =	sadd.s32 $0x0, s24;
	v3 =	vld [tilespmem:s28+$0xFFFFFFE0]  }
0x46: {  	p1 =	por p2, p2;
	[tilespmem:s25+$0x810 ss:$0x81] =	vst.msk $0xffff, v5;
	v5 =	vcombine.low v7, v6  }
0x47: {  	s26 =	simm.s32 $0x4;
	s27 =	simm.s32 $0x8;
	v4 =	vcombine.high v7, v6;
	s28 =	sadd.s32 $0x40, s28;
	[tilespmem:s25+$0x1830 ss:$0x81] =	vst.msk $0xffff, v8  }
.LBB1_4:
0x48: {  	v6 =	vperm.xlane.i2c.b16 v2;
	v7 =	vperm.xlane.i2c.b16 v0;
	v0 =	vld [tilespmem:s28+$0x0];
	[tilespmem:s25+$0x0 ss:$0x81] =	vst.msk $0xffff, v5;
	s29 =	smov.u32 s27;
	p2 =	sne.s32 s27, $0x1FC  }
.Ltmp3:
0x49: {  	v2 =	vld [tilespmem:s28+$0x10];
	v8 =	vperm.xlane.i2c.b16 v1;
	[tilespmem:s25+$0x1020 ss:$0x81] =	vst.msk $0xffff, v4;
	(pc) =	sbr.rel @p2 .LBB1_4-.Ltmp3, $4  }
0x4a: {  	s27 =	sadd.s32 $0x4, s27;
	s25 =	sshra.s32 s26, $0x2;
	v1 =	vld [tilespmem:s28+$0xFFFFFFF0];
	v4 =	vperm.xlane.i2c.b16 v3;
	v9 =	vcombine.low v7, v6  }
0x4b: {  	s26 =	smov.u32 s29;
	s25 =	sadd.s32 s25, s24;
	v6 =	vcombine.high v7, v6;
	v3 =	vld [tilespmem:s28+$0xFFFFFFE0]  }
0x4c: {  	v5 =	vcombine.low v4, v8;
	v4 =	vcombine.high v4, v8;
	[tilespmem:s25+$0x810 ss:$0x81] =	vst.msk $0xffff, v9  }
0x4d: {  	s28 =	sadd.s32 $0x40, s28;
	[tilespmem:s25+$0x1830 ss:$0x81] =	vst.msk $0xffff, v6  }
0x4e: {  	v2 =	vperm.xlane.i2c.b16 v2;
	v0 =	vperm.xlane.i2c.b16 v0  }
0x4f: {  	v1 =	vperm.xlane.i2c.b16 v1  }
0x50: {  	[tilespmem:s25+$0x0 ss:$0x81] =	vst.msk $0xffff, v5;
	s26 =	sshra.s32 s26, $0x2;
	v3 =	vperm.xlane.i2c.b16 v3;
	v62 =	vcombine.low v0, v2  }
.Ltmp4:
0x51: {  	[tilespmem:s25+$0x1020 ss:$0x81] =	vst.msk $0xffff, v4;
	s24 =	sadd.s32 s26, s24;
	v0 =	vcombine.high v0, v2;
	(pc) =	sbr.rel @p1 .LBB1_3-.Ltmp4, $4  }
0x52: {  	v63 =	vcombine.low v3, v1;
	[tilespmem:s24+$0x810 ss:$0x81] =	vst.msk $0xffff, v62  }
0x53: {  	v1 =	vcombine.high v3, v1;
	[tilespmem:s24+$0x1830 ss:$0x81] =	vst.msk $0xffff, v0  }
0x54: {  	[tilespmem:s24+$0x0 ss:$0x81] =	vst.msk $0xffff, v63  }
0x55: {  	p2 =	por $0x0, $0x0;
	[tilespmem:s24+$0x1020 ss:$0x81] =	vst.msk $0xffff, v1;
	s24 =	simm.s32 $0x1  }
0x56: {  	s19 =	sshll.u32 s19, $0x7;
	s22 =	sshll.u32 s16, $0x3  }
0x57: {  	s23 =	sand.u32 $0xFFFFFC00, s19;
	s22 =	sand.u32 $0xFFFFFC00, s22  }
0x58: {  	s25 =	sshll.u32 s16, $0x1;
	s19 =	sand.u32 $0x300, s19;
	s22 =	sadd.s32 s22, s23  }
0x59: {  	s26 =	sand.u32 $0x80, s25;
	s19 =	sor.u32 s19, s22  }
0x5a: {  	s18 =	smul.u32 $0x50000, s18;
	s19 =	sor.u32 s26, s19  }
0x5b: {  	s17 =	smul.u32 $0xA00, s17;
	s19 =	sshrl.u32 s19, $0x7  }
0x5c: {  	s27 =	smulhi.u32 $0xCCCCCD, s19  }
0x5d: {  	s28 =	sshrl.u32 s16, $0x3  }
0x5e: {  	s30 =	sand.u32 $0x7, s16;
	s29 =	sadd.s32 s18, s17;
	s22 =	smul.u32 $0x140, s27  }
0x5f: {  	s16 =	sshll.u32 s30, $0x12;
	s18 =	sadd.s32 s18, s8;
	s23 =	sadd.s32 s7, s29  }
0x60: {  	s17 =	sadd.s32 s17, s18;
	s19 =	ssub.s32 s19, s22;
	s22 =	sand.u32 $0x7, s28  }
.Ltmp5:
0x61: {  	s19 =	sshll.u32 s19, $0x3;
	s23 =	sadd.s32 s22, s23;
	(pc) =	sbr.rel .LBB1_7-.Ltmp5, $4  }
0x62: {  	s16 =	sor.u32 $0x1000, s16;
	s17 =	sadd.s32 s22, s17;
	s23 =	sadd.s32 s19, s23  }
0x63: {  	[hbm4b:s23+s16] =	stream.strided.scatter [tilespmem:s21], [sflag:$0x2], $0x2000, s10, s16, $0x20;
	[tilespmem:$0x10100] =	vst v63  }
0x64: {  	s31 =	sadd.s32 $0xA040, s20;
	s17 =	sadd.s32 s19, s17  }
0x65: {  	[hbm4b:s17+s16] =	stream.strided.scatter [tilespmem:s31], [sflag:$0x2], $0x2000, s10, s16, $0x20;
	[tilespmem:$0x10100] =	vst v63  }
.LBB1_8:
0x66: {  	_ =	sfence.sel $0x180000  }
0x67: {  	s1 =	simm.s32 $0x1;
	[bflag:$0x0] =	sbarrier.arrive $0xFFFF  }
0x68: {  	s31 =	simm.s32 $0x2;
	[sflag:s1] =	ssyncpa.u1 $0x1  }
0x69: {  	[sflag:s31] =	ssyncpa.u1 $0x1  }
0x6a: {  	p0 =	sne.s32 s0, $0x0;
	_ =	strace $0x9000005F  }
0x6b: {  	s0 =	sadd.s32 @!p0 $0x100000, s3;
	[bflag:$0x2] =	sbarrier.arrive $0xFFFF  }
0x6c: {  	[sflag:s0] =	ssyncadd.tile.s32 @!p0 $0x1;
	_ =	shalt  }
.Lfunc_end1:
_tile_overlayer_lowered:
.L_overlay_start_2:
0x6d: {  	(tag) =	ssettag $0x2  }
0x6e: {  	s0 =	rddreg [dreg:$0x0];
	s2 =	stileid.u32  }
0x6f: {  	s1 =	rddreg [dreg:$0x1];
	p0 =	sne.s32 s2, $0x0  }
0x70: {  	s3 =	rddreg [dreg:$0x2];
	[bflag:$0x3] =	sbarrier.arrive $0xFFFF;
	s2 =	simm.s32 @!p0 $0x1C01  }
0x71: {  	[timem:s3], [sflag:s2] =	dma.local @!p0 [hbm:s0], s1  }
0x72: {  	s0 =	simm.s32 @!p0 $0x1  }
0x73: {  	_ =	swait.ge @!p0 [sflag:s0], s1  }
0x74: {  	s1 =	ssub.s32 @!p0 $0x0, s1;
	[sflag:s0] =	ssyncset.done @!p0 $0x0  }
0x75: {  	[sflag:s0] =	ssyncadd.s32 @!p0 s1  }
0x76: {  	[bflag:$0x3] =	sbarrier.arrive $0xFFFF  }
0x77: {  	_ =	shalt  }

// kernel: sparse-core-data-format-call.cloned.1.call-start
scs
called_computation_lowered:
.L_overlay_start_0:
0x0: {  	s2 =	sld [smem:$0x3FD9]  }
0x1: {  	s3 =	sld [smem:$0x3FFE];
	_ =	sdelay $0x1  }
0x2: {  	s1 =	srdreg.scid  }
0x3: {  	s0 =	sand.u32 $0x1, s1  }
0x4: {  	s18 =	sshll.u32 s0, $0xA;
	s2 =	sadd.s32 s3, s2  }
0x5: {  	s2 =	sadd.s32 s2, s18  }
0x6: {  	[smem:$0x3F60] =	sst s2  }
0x7: {  	_ = 	snop  }
0x8: {  	(tm) =	ssettm $0x1  }
0x9: {  	s19 =	sld [smem:$0x3FFB];
	_ =	sdelay $0x3  }
0xa: {  	_ =	strace s19  }
0xb: {  	s2 =	sld [smem:$0x3FFC];
	_ =	sdelay $0x3  }
0xc: {  	_ =	strace s2  }
0xd: {  	s2 =	sld [smem:$0x3FFD];
	_ =	sdelay $0x3  }
0xe: {  	_ =	strace s2  }
0xf: {  	_ =	strace $0x8FFFFFFF  }
0x10: {  	s20 =	sld [smem:$0x3FDB];
	_ =	sdelay $0x1  }
0x11: {  	s21 =	simm.s32 $_scs_section_size  }
0x12: {  	s4 =	simm.s32 $_size__tile_overlayer_lowered;
	s5 =	simm.s32 $_tile_overlayer_lowered  }
0x13: {  	s6 =	simm.s32 $0x1BFF;
	s22 =	sshll.u32 s5, $0x1;
	s3 =	sadd.s32 s21, s20  }
0x14: {  	s23 =	simm.s32 $0x0;
	s4 =	sshll.u32 s4, $0x1;
	s5 =	sadd.s32 s22, s3  }
0x15: {  	[timem:s23], [sflag:s6] =	dma.local [hbm:s5], s4  }
0x16: {  	_ =	swait.ge [sflag:s6], s4  }
0x17: {  	s4 =	ssub.s32 $0x0, s4;
	[sflag:s6] =	ssyncset.done $0x0  }
0x18: {  	[sflag:s6] =	ssyncadd.s32 s4;
	_ =	sdelay $0x1  }
0x19: {  	s24 =	simm.s32 $0x1B8B  }
0x1a: {  	_ =	swait.ge [sflag:s24], $0x1  }
0x1b: {  	[sflag:s24] =	ssyncset.done $0x0  }
0x1c: {  	[sflag:s24] =	ssyncadd.s32 $0xFFFFFFFF  }
0x1d: {  	s4 =	sld [smem:$0x0]  }
0x1e: {  	s5 =	sand.u32 $0xFFFFFFFE, s1  }
0x1f: {  	p0 =	sne.s32 s1, s5  }
0x20: {  	s5 =	sshll.u32 @p0 s5, $0xE  }
0x21: {  	s5 =	sadd.s32 @p0 $0x11B8D, s5;
	s6 =	sshll.u32 @p0 s4, $0x11  }
0x22: {  	s5 =	sor.u32 @p0 s6, s5  }
0x23: {  	[sflag:s5] =	ssyncadd.remote.s32 @p0 $0x1;
	_ =	sdelay $0x1  }
0x24: {  	s5 =	simm.s32 @p0 $0x1B8D  }
0x25: {  	_ =	swait.eq @p0 [sflag:s5], $0x1  }
0x26: {  	[sflag:s5] =	ssyncadd.s32 @p0 $0xFFFFFFFF  }
0x27: {  	s6 =	sshll.u32 @!p0 s1, $0xE  }
0x28: {  	s6 =	sor.u32 @!p0 $0x4000, s6;
	s5 =	simm.s32 @!p0 $0x1B8D  }
0x29: {  	s4 =	sshll.u32 @!p0 s4, $0x11;
	s6 =	sadd.s32 @!p0 $0x11B8D, s6;
	_ =	swait.eq @!p0 [sflag:s5], $0x1  }
0x2a: {  	s4 =	sor.u32 @!p0 s4, s6;
	[sflag:s5] =	ssyncadd.s32 @!p0 $0xFFFFFFFF  }
0x2b: {  	s26 =	simm.s32 $0x1B8E;
	s25 =	sld [smem:$0x3FFE];
	[sflag:s4] =	ssyncadd.remote.s32 @!p0 $0x1  }
0x2c: {  	s27 =	simm.s32 $execute0_lowered;
	[smem:$0x3FD2] =	sst s26  }
0x2d: {  	s5 =	sshll.u32 s27, $0x1;
	_ =	strace $0x8000005B;
	[dreg:$0x1] =	wrdreg $0xFFFFFFFF  }
0x2e: {  	s28 =	simm.s32 $_size_execute0_lowered;
	s3 =	sadd.s32 s3, s5;
	[dreg:$0x0] =	wrdreg $0x0  }
0x2f: {  	s5 =	sshll.u32 s28, $0x1;
	[dreg:$0x2] =	wrdreg s3  }
0x30: {  	[dreg:$0x3] =	wrdreg s5  }
0x31: {  	[dreg:$0x4] =	wrdreg $0xC0  }
0x32: {  	_ =	task [dreg:s23], $0x5FFFF  }
0x33: {  	[dreg:$0x1] =	wrdreg $0xFFFFFFFF  }
0x34: {  	[dreg:$0x0] =	wrdreg $0x60  }
0x35: {  	[dreg:$0x2] =	wrdreg s25  }
0x36: {  	[dreg:$0x3] =	wrdreg $0x9  }
0x37: {  	_ =	task.clear_ibuf [dreg:s23], $0x4FFFF;
	_ =	strace $0x9000005B  }
0x38: {  	s29 =	simm.s32 $0x9;
	_ =	strace $0x8000005D  }
0x39: {  	_ =	swait.ge [sflag:s29], $0x1  }
0x3a: {  	[sflag:s29] =	ssyncadd.s32 $0xFFFFFFFF  }
0x3b: {  	_ =	strace $0x9000005D  }
0x3c: {  	_ =	sfence  }
0x3d: {  	s30 =	sld [smem:$0x0];
	_ =	sdelay $0x2  }
0x3e: {  	s31 =	sshll.u32 s1, $0xD;
	s1 =	sshrl.u32 s1, $0x2  }
0x3f: {  	s4 =	sand.u32 $0x4000, s31;
	s1 =	sadd.s32 s1, s30  }
0x40: {  	s0 =	sor.u32 s4, s0;
	s1 =	sshll.u32 s1, $0x11  }
0x41: {  	s0 =	sor.u32 s1, s0  }
0x42: {  	s0 =	sadd.s32 $0x8F2B, s0  }
0x43: {  	[sflag:s0] =	ssyncadd.remote.s32 $0x1  }
0x44: {  	_ =	sfence.sel $0xFFFF  }
0x45: {  	[dreg:$0x0] =	wrdreg $0xFFFFFFFF;
	(pc) =	sbr.abs _section_cstart, $3  }
0x46: {  	[dreg:$0x1] =	wrdreg $0xFFFFFFFF  }
0x47: {  	_ =	task.clear_ibuf [dreg:s23], $0x2FFFF;
	_ =	strace $0x9FFFFFFF  }
0x48: {  	(tm) =	ssettm $0x7FFFFFFF  }
0x49: {  	_ =	shalt  }
tec
execute0_lowered:
.L_overlay_start_1:
0x0: {  	(tag) =	ssettag $0x1  }
0x1: {  	s1 =	srdreg.scid;
	s0 =	stileid.u32  }
0x2: {  	s8 =	rddreg [dreg:$0x0];
	s9 =	simm.s32 $0x2;
	s1 =	sshll.u32 s1, $0x4  }
0x3: {  	s19 =	simm.s32 $0x0;
	s31 =	sshll.u32 s0, $0x1;
	s2 =	sor.u32 s0, s1  }
0x4: {  	s10 =	simm.s32 $0x5000;
	s1 =	sand.u32 $0x6, s31;
	s2 =	sshrl.u32 s2, $0x1  }
0x5: {  	s17 =	simm.s32 $0x0;
	s3 =	ssub.s32 $0x8, s1;
	s2 =	sand.u32 $0xE, s2  }
0x6: {  	s16 =	simm.s32 $0x0;
	s4 =	sand.u32 $0x6, s3;
	s5 =	ssub.s32 $0x40, s2  }
0x7: {  	p0 =	sne.s32 s4, $0x0;
	s4 =	simm.s32 $0x1;
	s6 =	sand.u32 $0xE, s5  }
0x8: {  	s4 =	simm.s32 @!p0 $0x0;
	p0 =	sne.s32 s6, $0x0;
	s6 =	simm.s32 $0x1  }
0x9: {  	s3 =	sshrl.u32 s3, $0x3;
	s5 =	sshrl.u32 s5, $0x4;
	s6 =	simm.s32 @!p0 $0x0  }
0xa: {  	s18 =	simm.s32 $0x0;
	s4 =	sadd.s32 s4, s3;
	s5 =	sadd.s32 s6, s5  }
0xb: {  	s11 =	simm.s32 $0x0;
	s13 =	simm.s32 $0x0;
	s6 =	smul.u32 s5, s4  }
.Ltmp0:
0xc: {  	s15 =	simm.s32 $0x0;
	s7 =	sadd.s32 $0x215800, s8;
	(pc) =	sbr.rel .LBB1_1-.Ltmp0, $4  }
0xd: {  	s14 =	smov.u32 s1;
	s12 =	smov.u32 s2;
	s3 =	rddreg [dreg:$0x1]  }
0xe: {  	_ =	strace $0x8000005C;
	s5 =	simm.s32 $0x1;
	s6 =	smul.u32 $0x5, s6  }
0xf: {  	p0 =	por $0x0, $0x0;
	s4 =	sadd.s32 $0x95800, s8;
	[sflag:s5] =	ssyncpa.u1 $0x0  }
0x10: {  	s8 =	sadd.s32 $0x23D800, s8;
	[sflag:s9] =	ssyncpa.u1 $0x0;
	s9 =	sadd.s32 $0x1, s6  }
.LBB1_7:
0x11: {  	s20 =	sadd.s32 $0x40, s11  }
0x12: {  	s16 =	sadd.s32 $0x10, s12;
	s21 =	smov.u32 s12;
	p2 =	sgt.s32 s20, $0x13F  }
0x13: {  	s21 =	smov.u32 @p2 s16  }
0x14: {  	s22 =	smov.u32 s13;
	s16 =	sadd.s32 $0x80, s13;
	p3 =	sgt.s32 s21, $0x3F  }
0x15: {  	s22 =	smov.u32 @p3 s16  }
0x16: {  	s23 =	smov.u32 s14;
	s16 =	sadd.s32 $0x8, s14;
	p4 =	sgt.s32 s22, $0x7F  }
0x17: {  	p1 =	slt.u32 s15, $0x2;
	s23 =	smov.u32 @p4 s16  }
0x18: {  	s19 =	smov.u32 s11;
	s20 =	simm.s32 @p2 $0x0;
	p2 =	sgt.s32 s23, $0x7  }
0x19: {  	s24 =	simm.s32 @!p1 $0x2;
	s23 =	smov.u32 @p2 s1;
	p2 =	sne.s32 s15, s9  }
.Ltmp1:
0x1a: {  	s17 =	smov.u32 s12;
	_ =	swait.ge @!p1 [sflag:s24], $0x4000;
	(pc) =	sbr.rel @!p2 .LBB1_8-.Ltmp1, $4  }
0x1b: {  	s18 =	smov.u32 s14;
	p0 =	por !p0, !p0;
	[sflag:s24] =	ssyncset.done @!p1 $0x0  }
0x1c: {  	s11 =	smov.u32 s20;
	s21 =	smov.u32 @p3 s2;
	[sflag:s24] =	ssyncadd.s32 @!p1 $0xFFFFC000  }
0x1d: {  	s12 =	smov.u32 s21;
	s22 =	simm.s32 @p4 $0x0;
	s16 =	smov.u32 s13  }
0x1e: {  	s13 =	smov.u32 s22;
	s15 =	sadd.s32 $0x1, s15;
	s14 =	smov.u32 s23  }
.LBB1_1:
0x1f: {  	p1 =	sge.u32 s15, s6  }
0x20: {  	s20 =	sshrl.u32 @!p1 s12, $0x3  }
0x21: {  	s21 =	sshll.u32 @!p1 s11, $0x3;
	s20 =	smul.u32 @!p1 $0xC00, s20  }
0x22: {  	s22 =	sshll.u32 @!p1 s12, $0x7;
	s21 =	sand.u32 @!p1 $0xFFFFFC00, s21  }
0x23: {  	s20 =	sadd.s32 @!p1 s20, s21;
	s21 =	sand.u32 @!p1 $0x300, s22;
	s22 =	sshll.u32 @!p1 s11, $0x1  }
0x24: {  	s20 =	sor.u32 @!p1 s21, s20;
	s21 =	sand.u32 @!p1 $0xFE, s22  }
0x25: {  	s22 =	sand.u32 @!p1 $0x1, s12;
	s20 =	sor.u32 @!p1 s21, s20  }
0x26: {  	s21 =	sor.u32 @!p1 s22, s20;
	s20 =	smulhi.u32 @!p1 $0xAAAAAAAB, s20  }
0x27: {  	s22 =	smulhi.u32 @!p1 $0xAAAAAAAB, s21  }
0x28: {  	s23 =	smul.u32 @!p1 $0x30000, s14  }
0x29: {  	s24 =	smul.u32 @!p1 $0x600, s13;
	s20 =	sshrl.u32 @!p1 s20, $0x8;
	s22 =	sshrl.u32 @!p1 s22, $0x8  }
0x2a: {  	s20 =	sand.u32 @!p1 $0x3F, s20;
	s22 =	smul.u32 @!p1 $0x180, s22  }
0x2b: {  	s31 =	sadd.s32 $0xFFFFFFFF, s15;
	s23 =	sadd.s32 @!p1 s4, s23;
	s20 =	smul.u32 @!p1 $0x18, s20  }
0x2c: {  	s25 =	sxor.u32 @!p1 $0xFFFFFFFF, s15;
	s21 =	ssub.s32 @!p1 s21, s22;
	s22 =	sadd.s32 @!p1 s24, s23  }
0x2d: {  	s23 =	sshrl.u32 @!p1 s21, $0x4;
	s20 =	sadd.s32 @!p1 s20, s22;
	s21 =	sshll.u32 @!p1 s21, $0x11  }
0x2e: {  	s22 =	sshll.u32 @!p1 s25, $0xE;
	s20 =	sadd.s32 @!p1 s23, s20;
	s21 =	sand.u32 @!p1 $0x1C0000, s21  }
0x2f: {  	s22 =	sand.u32 @!p1 $0x4000, s22;
	s23 =	simm.s32 @!p1 $0x3000;
	s21 =	sor.u32 @!p1 $0x40, s21  }
0x30: {  	[tilespmem:s22], [sflag:$0x1] =	stream.strided.gather @!p1 [hbm4b:s20+s21], $0x4000, s23, s21, $0x38;
	[tilespmem:$0x10100] =	vst v63  }
0x31: {  	p1 =	sge.u32 s31, s6  }
.Ltmp2:
0x32: {  	_ = 	snop;
	(pc) =	sbr.rel @p1 .LBB1_7-.Ltmp2, $1  }
0x33: {  	_ =	sdelay $0x3  }
0x34: {  	s20 =	simm.s32 $0x1;
	s22 =	sand.u32 $0x1, s15  }
0x35: {  	_ =	swait.ge [sflag:s5], $0x4000;
	s20 =	simm.s32 @!p0 $0x0;
	s22 =	smul.u32 $0x10200, s22  }
0x36: {  	s24 =	simm.s32 $0x0;
	[sflag:s5] =	ssyncset.done $0x0;
	s21 =	smul.u32 $0x10200, s20  }
0x37: {  	p2 =	por $0x1, $0x1;
	s23 =	sshll.u32 s20, $0x10;
	[sflag:s5] =	ssyncadd.s32 $0xFFFFC000  }
0x38: {  	s20 =	sshrl.u32 s22, $0x2;
	s23 =	sshrl.u32 s23, $0x2;
	s31 =	sshrl.u32 s21, $0x2  }
0x39: {  	s21 =	sor.u32 $0x8000, s20;
	s23 =	sadd.s32 $0x20, s23;
	s22 =	sor.u32 $0x8000, s31  }
.LBB1_3:
0x3a: {  	s25 =	sshll.u32 s24, $0xD  }
0x3b: {  	s25 =	sand.u32 $0x3FFFE000, s25  }
0x3c: {  	s25 =	sadd.s32 s25, s23  }
0x3d: {  	v0 =	vld [tilespmem:s25+$0x0]  }
0x3e: {  	v1 =	vld [tilespmem:s25+$0x10]  }
0x3f: {  	v2 =	vld [tilespmem:s25+$0xFFFFFFF0]  }
0x40: {  	v3 =	vld [tilespmem:s25+$0xFFFFFFE0];
	_ =	sdelay $0x2  }
0x41: {  	s31 =	smul.u32 $0x8100, s24;
	s28 =	sadd.s32 $0x40, s25  }
0x42: {  	v1 =	vperm.xlane.i2c.b16 v1;
	v4 =	vperm.xlane.i2c.b16 v0;
	v0 =	vld [tilespmem:s28+$0x0]  }
0x43: {  	s24 =	sshra.s32 s31, $0x2;
	v6 =	vperm.xlane.i2c.b16 v2;
	v2 =	vld [tilespmem:s28+$0x10];
	v7 =	vperm.xlane.i2c.b16 v3  }
0x44: {  	s24 =	sadd.s32 s24, s22;
	v5 =	vcombine.low v4, v1;
	v8 =	vcombine.high v4, v1;
	v1 =	vld [tilespmem:s28+$0xFFFFFFF0]  }
0x45: {  	s25 =	sadd.s32 $0x0, s24;
	v3 =	vld [tilespmem:s28+$0xFFFFFFE0]  }
0x46: {  	p1 =	por p2, p2;
	[tilespmem:s25+$0x810 ss:$0x81] =	vst.msk $0xffff, v5;
	v5 =	vcombine.low v7, v6  }
0x47: {  	s26 =	simm.s32 $0x4;
	s27 =	simm.s32 $0x8;
	v4 =	vcombine.high v7, v6;
	s28 =	sadd.s32 $0x40, s28;
	[tilespmem:s25+$0x1830 ss:$0x81] =	vst.msk $0xffff, v8  }
.LBB1_4:
0x48: {  	v6 =	vperm.xlane.i2c.b16 v2;
	v7 =	vperm.xlane.i2c.b16 v0;
	v0 =	vld [tilespmem:s28+$0x0];
	[tilespmem:s25+$0x0 ss:$0x81] =	vst.msk $0xffff, v5;
	s29 =	smov.u32 s27;
	p2 =	sne.s32 s27, $0x1FC  }
.Ltmp3:
0x49: {  	v2 =	vld [tilespmem:s28+$0x10];
	v8 =	vperm.xlane.i2c.b16 v1;
	[tilespmem:s25+$0x1020 ss:$0x81] =	vst.msk $0xffff, v4;
	(pc) =	sbr.rel @p2 .LBB1_4-.Ltmp3, $4  }
0x4a: {  	s27 =	sadd.s32 $0x4, s27;
	s25 =	sshra.s32 s26, $0x2;
	v1 =	vld [tilespmem:s28+$0xFFFFFFF0];
	v4 =	vperm.xlane.i2c.b16 v3;
	v9 =	vcombine.low v7, v6  }
0x4b: {  	s26 =	smov.u32 s29;
	s25 =	sadd.s32 s25, s24;
	v6 =	vcombine.high v7, v6;
	v3 =	vld [tilespmem:s28+$0xFFFFFFE0]  }
0x4c: {  	v5 =	vcombine.low v4, v8;
	v4 =	vcombine.high v4, v8;
	[tilespmem:s25+$0x810 ss:$0x81] =	vst.msk $0xffff, v9  }
0x4d: {  	s28 =	sadd.s32 $0x40, s28;
	[tilespmem:s25+$0x1830 ss:$0x81] =	vst.msk $0xffff, v6  }
0x4e: {  	v2 =	vperm.xlane.i2c.b16 v2;
	v0 =	vperm.xlane.i2c.b16 v0  }
0x4f: {  	v1 =	vperm.xlane.i2c.b16 v1  }
0x50: {  	[tilespmem:s25+$0x0 ss:$0x81] =	vst.msk $0xffff, v5;
	s26 =	sshra.s32 s26, $0x2;
	v3 =	vperm.xlane.i2c.b16 v3;
	v62 =	vcombine.low v0, v2  }
.Ltmp4:
0x51: {  	[tilespmem:s25+$0x1020 ss:$0x81] =	vst.msk $0xffff, v4;
	s24 =	sadd.s32 s26, s24;
	v0 =	vcombine.high v0, v2;
	(pc) =	sbr.rel @p1 .LBB1_3-.Ltmp4, $4  }
0x52: {  	v63 =	vcombine.low v3, v1;
	[tilespmem:s24+$0x810 ss:$0x81] =	vst.msk $0xffff, v62  }
0x53: {  	v1 =	vcombine.high v3, v1;
	[tilespmem:s24+$0x1830 ss:$0x81] =	vst.msk $0xffff, v0  }
0x54: {  	[tilespmem:s24+$0x0 ss:$0x81] =	vst.msk $0xffff, v63  }
0x55: {  	p2 =	por $0x0, $0x0;
	[tilespmem:s24+$0x1020 ss:$0x81] =	vst.msk $0xffff, v1;
	s24 =	simm.s32 $0x1  }
0x56: {  	s19 =	sshll.u32 s19, $0x7;
	s22 =	sshll.u32 s16, $0x3  }
0x57: {  	s23 =	sand.u32 $0xFFFFFC00, s19;
	s22 =	sand.u32 $0xFFFFFC00, s22  }
0x58: {  	s25 =	sshll.u32 s16, $0x1;
	s19 =	sand.u32 $0x300, s19;
	s22 =	sadd.s32 s22, s23  }
0x59: {  	s26 =	sand.u32 $0x80, s25;
	s19 =	sor.u32 s19, s22  }
0x5a: {  	s18 =	smul.u32 $0x28000, s18;
	s19 =	sor.u32 s26, s19  }
0x5b: {  	s17 =	smul.u32 $0xA00, s17;
	s19 =	sshrl.u32 s19, $0x7  }
0x5c: {  	s27 =	smulhi.u32 $0xCCCCCD, s19  }
0x5d: {  	s28 =	sshrl.u32 s16, $0x3  }
0x5e: {  	s30 =	sand.u32 $0x7, s16;
	s29 =	sadd.s32 s18, s17;
	s22 =	smul.u32 $0x140, s27  }
0x5f: {  	s16 =	sshll.u32 s30, $0x12;
	s18 =	sadd.s32 s18, s8;
	s23 =	sadd.s32 s7, s29  }
0x60: {  	s17 =	sadd.s32 s17, s18;
	s19 =	ssub.s32 s19, s22;
	s22 =	sand.u32 $0x7, s28  }
.Ltmp5:
0x61: {  	s19 =	sshll.u32 s19, $0x3;
	s23 =	sadd.s32 s22, s23;
	(pc) =	sbr.rel .LBB1_7-.Ltmp5, $4  }
0x62: {  	s16 =	sor.u32 $0x1000, s16;
	s17 =	sadd.s32 s22, s17;
	s23 =	sadd.s32 s19, s23  }
0x63: {  	[hbm4b:s23+s16] =	stream.strided.scatter [tilespmem:s21], [sflag:$0x2], $0x2000, s10, s16, $0x20;
	[tilespmem:$0x10100] =	vst v63  }
0x64: {  	s31 =	sadd.s32 $0xA040, s20;
	s17 =	sadd.s32 s19, s17  }
0x65: {  	[hbm4b:s17+s16] =	stream.strided.scatter [tilespmem:s31], [sflag:$0x2], $0x2000, s10, s16, $0x20;
	[tilespmem:$0x10100] =	vst v63  }
.LBB1_8:
0x66: {  	_ =	sfence.sel $0x180000  }
0x67: {  	s1 =	simm.s32 $0x1;
	[bflag:$0x0] =	sbarrier.arrive $0xFFFF  }
0x68: {  	s31 =	simm.s32 $0x2;
	[sflag:s1] =	ssyncpa.u1 $0x1  }
0x69: {  	[sflag:s31] =	ssyncpa.u1 $0x1  }
0x6a: {  	p0 =	sne.s32 s0, $0x0;
	_ =	strace $0x9000005C  }
0x6b: {  	s0 =	sadd.s32 @!p0 $0x100000, s3;
	[bflag:$0x2] =	sbarrier.arrive $0xFFFF  }
0x6c: {  	[sflag:s0] =	ssyncadd.tile.s32 @!p0 $0x1;
	_ =	shalt  }
.Lfunc_end1:
_tile_overlayer_lowered:
.L_overlay_start_2:
0x6d: {  	(tag) =	ssettag $0x2  }
0x6e: {  	s0 =	rddreg [dreg:$0x0];
	s2 =	stileid.u32  }
0x6f: {  	s1 =	rddreg [dreg:$0x1];
	p0 =	sne.s32 s2, $0x0  }
0x70: {  	s3 =	rddreg [dreg:$0x2];
	[bflag:$0x3] =	sbarrier.arrive $0xFFFF;
	s2 =	simm.s32 @!p0 $0x1C01  }
0x71: {  	[timem:s3], [sflag:s2] =	dma.local @!p0 [hbm:s0], s1  }
0x72: {  	s0 =	simm.s32 @!p0 $0x1  }
0x73: {  	_ =	swait.ge @!p0 [sflag:s0], s1  }
0x74: {  	s1 =	ssub.s32 @!p0 $0x0, s1;
	[sflag:s0] =	ssyncset.done @!p0 $0x0  }
0x75: {  	[sflag:s0] =	ssyncadd.s32 @!p0 s1  }
0x76: {  	[bflag:$0x3] =	sbarrier.arrive $0xFFFF  }
0x77: {  	_ =	shalt  }

</sc_bundles>
